<compile_context>
chip_gen: v7x
topology: tpu7x:2x2x1
jax: 0.10.2.dev20260603
libtpu: 0.0.44.dev20260713+nightly
codegen_flags: <defaults>
</compile_context>

<pallas_src>
import functools

import jax
import jax.numpy as jnp
from jax import lax
from jax.experimental import pallas as pl
from jax.experimental.pallas import tpu as pltpu, tpu_sc as plsc

N = 10000
D = 256
E = 160000
E2 = E + N
NP = 10240
T = 10496
EP = 172032
PER_W = EP // 32
NVEC = PER_W // 16
SLICE = T // 16

_info = plsc.get_sparse_core_info()
NC, NS, L = _info.num_cores, _info.num_subcores, _info.num_lanes
NW = NC * NS
_mesh = plsc.VectorSubcoreMesh(core_axis_name="c", subcore_axis_name="s")

NEG_INF = float("-inf")


def _mv_kern(h_ref, w_ref, o_ref):
    o_ref[...] = lax.dot_general(
        h_ref[...], w_ref[...], (((1,), (0,)), ((), ())),
        preferred_element_type=jnp.float32)[:, 0]


def _matvec(h_pad, W):
    return pl.pallas_call(
        _mv_kern,
        grid=(NP // 1024,),
        in_specs=[pl.BlockSpec((1024, D), lambda i: (i, 0)),
                  pl.BlockSpec((D, 1), lambda i: (0, 0))],
        out_specs=pl.BlockSpec((1024,), lambda i: (i,)),
        out_shape=jax.ShapeDtypeStruct((NP,), jnp.float32),
    )(h_pad, W)


@functools.partial(
    pl.kernel, mesh=_mesh,
    compiler_params=pltpu.CompilerParams(needs_layout_passes=False),
    out_type=[jax.ShapeDtypeStruct((EP,), jnp.float32),
              jax.ShapeDtypeStruct((EP,), jnp.float32),
              jax.ShapeDtypeStruct((2 * T,), jnp.float32)],
    scratch_types=[
        pltpu.VMEM((T,), jnp.float32),
        pltpu.VMEM((T,), jnp.float32),
        pltpu.VMEM((PER_W,), jnp.int32),
        pltpu.VMEM((PER_W,), jnp.int32),
        pltpu.VMEM((PER_W,), jnp.float32),
        pltpu.VMEM((PER_W,), jnp.float32),
        pltpu.VMEM((16,), jnp.float32),
        pltpu.VMEM((16,), jnp.float32),
        pltpu.VMEM((SLICE,), jnp.float32),
        pltpu.VMEM((SLICE,), jnp.float32),
        pltpu.VMEM_SHARED((16 * T,), jnp.float32),
    ],
)
def _k2(x_hbm, src_hbm, dst_hbm, atts_hbm, attd_hbm,
        alpha_hbm, xs_hbm, pmax_hbm,
        xv, maxv, srcv, dstv, av, xsv, attsv, attdv, accv, stgv, shmax):
    cid = lax.axis_index("c")
    sid = lax.axis_index("s")
    wid = sid * NC + cid
    base = wid * PER_W

    pltpu.sync_copy(x_hbm, xv)
    pltpu.sync_copy(src_hbm.at[pl.ds(base, PER_W)], srcv)
    pltpu.sync_copy(dst_hbm.at[pl.ds(base, PER_W)], dstv)
    pltpu.sync_copy(atts_hbm, attsv)
    pltpu.sync_copy(attd_hbm, attdv)

    neg = jnp.full((L,), NEG_INF, jnp.float32)

    def init_body(i, _):
        off = pl.multiple_of(i * L, L)
        maxv[pl.ds(off, L)] = neg
        return 0

    lax.fori_loop(0, T // L, init_body, 0)

    att_s = attsv[...]
    att_d = attdv[...]

    def edge_body(i, _):
        off = pl.multiple_of(i * L, L)
        s16 = srcv[pl.ds(off, L)]
        d16 = dstv[pl.ds(off, L)]
        xs = plsc.load_gather(xv, [s16])
        xd = plsc.load_gather(xv, [d16])
        a = att_s * xs + att_d * xd
        alpha = jnp.where(a >= 0, a, a * jnp.float32(0.2))
        av[pl.ds(off, L)] = alpha
        xsv[pl.ds(off, L)] = xs

        cur = plsc.load_gather(maxv, [d16])

        def cond(m):
            return jnp.any(m)

        def retry(m):
            plsc.store_scatter(maxv, [d16], alpha, mask=m)
            cur2 = plsc.load_gather(maxv, [d16])
            return m & (alpha > cur2)

        lax.while_loop(cond, retry, alpha > cur)
        return 0

    lax.fori_loop(0, NVEC, edge_body, 0)

    pltpu.sync_copy(av, alpha_hbm.at[pl.ds(base, PER_W)])
    pltpu.sync_copy(xsv, xs_hbm.at[pl.ds(base, PER_W)])

    pltpu.sync_copy(maxv, shmax.at[pl.ds(sid * T, T)])
    plsc.subcore_barrier()
    off = sid * SLICE
    pltpu.sync_copy(shmax.at[pl.ds(off, SLICE)], accv)

    def comb_body(s, _):
        pltpu.sync_copy(shmax.at[pl.ds(s * T + off, SLICE)], stgv)

        def vec_body(i, _):
            off2 = pl.multiple_of(i * L, L)
            accv[pl.ds(off2, L)] = jnp.maximum(
                accv[pl.ds(off2, L)], stgv[pl.ds(off2, L)])
            return 0

        lax.fori_loop(0, SLICE // L, vec_body, 0)
        return 0

    lax.fori_loop(1, 16, comb_body, 0)
    pltpu.sync_copy(accv, pmax_hbm.at[pl.ds(cid * T + off, SLICE)])


@functools.partial(
    pl.kernel, mesh=_mesh,
    compiler_params=pltpu.CompilerParams(needs_layout_passes=False),
    out_type=jax.ShapeDtypeStruct((EP,), jnp.float32),
    scratch_types=[
        pltpu.VMEM((T,), jnp.float32),
        pltpu.VMEM((T,), jnp.float32),
        pltpu.VMEM((PER_W,), jnp.float32),
        pltpu.VMEM((PER_W,), jnp.int32),
        pltpu.VMEM((PER_W,), jnp.float32),
    ],
)
def _k3(pmax_hbm, alpha_hbm, dst_hbm, exp_hbm, amaxv, othv, av, dstv, ev):
    cid = lax.axis_index("c")
    sid = lax.axis_index("s")
    wid = sid * NC + cid
    base = wid * PER_W

    pltpu.sync_copy(pmax_hbm.at[pl.ds(0, T)], amaxv)
    pltpu.sync_copy(pmax_hbm.at[pl.ds(T, T)], othv)

    def max_body(i, _):
        off = pl.multiple_of(i * L, L)
        amaxv[pl.ds(off, L)] = jnp.maximum(
            amaxv[pl.ds(off, L)], othv[pl.ds(off, L)])
        return 0

    lax.fori_loop(0, T // L, max_body, 0)

    pltpu.sync_copy(alpha_hbm.at[pl.ds(base, PER_W)], av)
    pltpu.sync_copy(dst_hbm.at[pl.ds(base, PER_W)], dstv)

    def edge_body(i, _):
        off = pl.multiple_of(i * L, L)
        d16 = dstv[pl.ds(off, L)]
        ag = plsc.load_gather(amaxv, [d16])
        ev[pl.ds(off, L)] = jnp.exp(av[pl.ds(off, L)] - ag)
        return 0

    lax.fori_loop(0, NVEC, edge_body, 0)
    pltpu.sync_copy(ev, exp_hbm.at[pl.ds(base, PER_W)])


@functools.partial(
    pl.kernel, mesh=_mesh,
    compiler_params=pltpu.CompilerParams(needs_layout_passes=False),
    out_type=jax.ShapeDtypeStruct((EP,), jnp.float32),
    scratch_types=[
        pltpu.VMEM((T,), jnp.float32),
        pltpu.VMEM((PER_W,), jnp.float32),
        pltpu.VMEM((PER_W,), jnp.float32),
        pltpu.VMEM((PER_W,), jnp.int32),
        pltpu.VMEM((PER_W,), jnp.float32),
    ],
)
def _k4(den_hbm, exp_hbm, xs_hbm, dst_hbm, msg_hbm, denv, ev, xsv, dstv, mv):
    cid = lax.axis_index("c")
    sid = lax.axis_index("s")
    wid = sid * NC + cid
    base = wid * PER_W

    pltpu.sync_copy(den_hbm, denv)
    pltpu.sync_copy(exp_hbm.at[pl.ds(base, PER_W)], ev)
    pltpu.sync_copy(xs_hbm.at[pl.ds(base, PER_W)], xsv)
    pltpu.sync_copy(dst_hbm.at[pl.ds(base, PER_W)], dstv)

    def edge_body(i, _):
        off = pl.multiple_of(i * L, L)
        d16 = dstv[pl.ds(off, L)]
        dg = plsc.load_gather(denv, [d16])
        aln = ev[pl.ds(off, L)] / dg
        mv[pl.ds(off, L)] = xsv[pl.ds(off, L)] * aln
        return 0

    lax.fori_loop(0, NVEC, edge_body, 0)
    pltpu.sync_copy(mv, msg_hbm.at[pl.ds(base, PER_W)])


IB = 256
NB = NP // IB


def _rank_kern(out2_ref, bias_ref, scores_ref, rank_ref, kref, accref):
    s = out2_ref[...] + bias_ref[...]
    scores_ref[...] = s
    t = lax.bitcast_convert_type(s, jnp.uint32)
    flip = jnp.where(t >= jnp.uint32(0x80000000),
                     jnp.uint32(0xFFFFFFFF), jnp.uint32(0x80000000))
    k = t ^ flip
    idx = lax.broadcasted_iota(jnp.int32, (NP,), 0)
    kref[...] = jnp.where(idx < N, k, jnp.uint32(0))

    def ib_body(ib, _):
        ui = kref[pl.ds(ib * IB, IB)].reshape(IB, 1)
        accref[...] = jnp.zeros((IB, IB), jnp.int32)

        def jb_ge(jb, _):
            uj = kref[pl.ds(jb * IB, IB)].reshape(1, IB)
            accref[...] = accref[...] + (uj >= ui).astype(jnp.int32)
            return 0

        def jb_gt(jb, _):
            uj = kref[pl.ds(jb * IB, IB)].reshape(1, IB)
            accref[...] = accref[...] + (uj > ui).astype(jnp.int32)
            return 0

        lax.fori_loop(0, ib, jb_ge, 0)
        lax.fori_loop(ib + 1, NB, jb_gt, 0)
        uj = kref[pl.ds(ib * IB, IB)].reshape(1, IB)
        ii = lax.broadcasted_iota(jnp.int32, (IB, 1), 0)
        jj = lax.broadcasted_iota(jnp.int32, (1, IB), 1)
        c = (uj > ui) | ((uj == ui) & (jj < ii))
        accref[...] = accref[...] + c.astype(jnp.int32)
        rank_ref[pl.ds(ib * IB, IB)] = jnp.sum(accref[...], axis=1)
        return 0

    lax.fori_loop(0, NB, ib_body, 0)


def _rank(out2_pad, bias):
    return pl.pallas_call(
        _rank_kern,
        out_shape=[jax.ShapeDtypeStruct((NP,), jnp.float32),
                   jax.ShapeDtypeStruct((NP,), jnp.int32)],
        scratch_shapes=[pltpu.VMEM((NP,), jnp.uint32),
                        pltpu.VMEM((IB, IB), jnp.int32)],
    )(out2_pad, bias)


NCHUNK = 125


@functools.partial(
    pl.kernel, mesh=_mesh,
    compiler_params=pltpu.CompilerParams(needs_layout_passes=False),
    out_type=[jax.ShapeDtypeStruct((N, D), jnp.float32),
              jax.ShapeDtypeStruct((N,), jnp.int32)],
    scratch_types=[
        pltpu.VMEM((80,), jnp.int32),
        pltpu.VMEM((80,), jnp.int32),
        pltpu.VMEM((80,), jnp.int32),
        pltpu.VMEM((80,), jnp.int32),
        pltpu.VMEM((80, D), jnp.float32),
        pltpu.VMEM((80, D), jnp.float32),
        pltpu.VMEM((80, D), jnp.float32),
        pltpu.VMEM((80, D), jnp.float32),
        pltpu.VMEM((80,), jnp.int32),
        pltpu.SemaphoreType.DMA,
        pltpu.SemaphoreType.DMA,
    ],
)
def _k6(rank_hbm, h_hbm, hord_hbm, perm_hbm,
        rk0, rk1, rk2, rk3, hb0, hb1, hb2, hb3, iotv, semh, semp):
    cid = lax.axis_index("c")
    sid = lax.axis_index("s")
    wid = sid * NC + cid
    rks = [rk0, rk1, rk2, rk3]
    hbs = [hb0, hb1, hb2, hb3]

    for kk in range(4):
        cidx = wid + 32 * kk

        @pl.when(cidx < NCHUNK)
        def _(kk=kk, cidx=cidx):
            rbase = cidx * 80
            pltpu.sync_copy(rank_hbm.at[pl.ds(rbase, 80)], rks[kk])
            pltpu.async_copy(h_hbm.at[pl.ds(rbase, 80)], hbs[kk], semh)

    for kk in range(4):
        cidx = wid + 32 * kk

        @pl.when(cidx < NCHUNK)
        def _(kk=kk, cidx=cidx):
            rbase = cidx * 80
            pltpu.make_async_copy(
                h_hbm.at[pl.ds(rbase, 80)], hbs[kk], semh).wait()
            pltpu.async_copy(hbs[kk], hord_hbm.at[rks[kk]], semh).wait()

            def iota_body(j, _):
                off = pl.multiple_of(j * L, L)
                iotv[pl.ds(off, L)] = (
                    lax.broadcasted_iota(jnp.int32, (L,), 0)
                    + (rbase + j * L))
                return 0

            lax.fori_loop(0, 80 // L, iota_body, 0)
            pltpu.async_copy(iotv, perm_hbm.at[rks[kk]], semp).wait()


def kernel(h, edge_index, W, att_src, att_dst, bias):
    loops = jnp.arange(N, dtype=edge_index.dtype)
    src = jnp.concatenate([edge_index[0], loops])
    dst = jnp.concatenate([edge_index[1], loops])
    pad_e = EP - E2
    src_all = jnp.concatenate([src, jnp.zeros((pad_e,), jnp.int32)])
    dst_all = jnp.concatenate(
        [dst, NP + (jnp.arange(pad_e, dtype=jnp.int32) % 16)])

    h_pad = jnp.pad(h, ((0, NP - N), (0, 0)))
    x = _matvec(h_pad, W)
    x_tab = jnp.pad(x, (0, T - NP))

    atts = jnp.full((16,), att_src[0], jnp.float32)
    attd = jnp.full((16,), att_dst[0], jnp.float32)

    alpha0, xs_g, pmax = _k2(x_tab, src_all, dst_all, atts, attd)
    expd = _k3(pmax, alpha0, dst_all)

    den = jax.ops.segment_sum(expd[:E2], dst, num_segments=N)
    den_tab = jnp.concatenate([den, jnp.ones((T - N,), jnp.float32)])

    msg = _k4(den_tab, expd, xs_g, dst_all)
    out2 = jax.ops.segment_sum(msg[:E2, None], dst, num_segments=N)[:, 0]

    out2_pad = jnp.pad(out2, (0, NP - N))
    bias_b = jnp.full((NP,), bias[0], jnp.float32)
    scores_full, rank = _rank(out2_pad, bias_b)

    h_ordered, perm = _k6(rank, h)
    return (h_ordered, perm, scores_full[:N])

# --- scband reference (transcript-rebuilt; emitter-appended) ---
"""Pipeline reference for scband-ltas-86320252715138 (READ-ONLY COPY).

The authoritative reference and input builder live on the scoring server;
editing this copy changes nothing except your own understanding.
"""

import jax, jax.numpy as jnp
import numpy as np

N = 10000
E = 160000
D = 256


def setup_inputs(seed: int = 0) -> dict:
    key = jax.random.key(seed)
    k1, k2, k3, k4, k5, k6 = jax.random.split(key, 6)
    h = jax.random.normal(k1, (N, D), dtype=jnp.float32)
    edge_index = jax.random.randint(k2, (2, E), 0, N, dtype=jnp.int32)
    # GATConv(in_channels=D, out_channels=1, heads=1) parameters
    W = jax.random.normal(k3, (D, 1), dtype=jnp.float32) * (1.0 / np.sqrt(D))
    att_src = jax.random.normal(k4, (1,), dtype=jnp.float32)
    att_dst = jax.random.normal(k5, (1,), dtype=jnp.float32)
    bias = jax.random.normal(k6, (1,), dtype=jnp.float32) * 0.01
    return {"h": h, "edge_index": edge_index, "W": W, "att_src": att_src, "att_dst": att_dst, "bias": bias}


def _gat_scores(h, edge_index, W, att_src, att_dst, bias):
    n = h.shape[0]
    x = h @ W  # [N, 1]  (heads=1, out_channels=1)
    a_src = (x * att_src).sum(-1)  # [N]
    a_dst = (x * att_dst).sum(-1)  # [N]
    # add self loops (PyG add_self_loops=True)
    loops = jnp.arange(n, dtype=edge_index.dtype)
    src = jnp.concatenate([edge_index[0], loops])
    dst = jnp.concatenate([edge_index[1], loops])
    alpha = a_src[src] + a_dst[dst]
    alpha = jax.nn.leaky_relu(alpha, negative_slope=0.2)
    amax = jax.ops.segment_max(alpha, dst, num_segments=n)
    alpha = jnp.exp(alpha - amax[dst])
    denom = jax.ops.segment_sum(alpha, dst, num_segments=n)
    alpha = alpha / denom[dst]  # softmax over incoming edges per dst node
    msg = x[src] * alpha[:, None]
    out = jax.ops.segment_sum(msg, dst, num_segments=n) + bias  # [N, 1]
    return out.squeeze(-1)  # [N]


def reference(h, edge_index, W, att_src, att_dst, bias):
    scores = _gat_scores(h, edge_index, W, att_src, att_dst, bias)
    # differentiable_argsort: discrete argsort (descending) + straight-through zero term
    perm = jnp.argsort(-scores)
    perm_f = perm.astype(jnp.float32) + (scores - jax.lax.stop_gradient(scores))
    perm_idx = perm_f.astype(jnp.int32)  # .long() in torch detaches
    h_ordered = h[perm_idx]
    return (h_ordered, perm_idx, scores)

if __name__ == "__main__":
    import jax
    _d = setup_inputs()
    print(jax.jit(kernel)(*tuple(_d.values())))

</pallas_src>

<mosaic_0001>
#map = affine_map<(d0, d1) -> (0)>
module attributes {stable_mosaic.version = 14 : i64} {
  func.func @_k3(%arg0: i32, %arg1: i32, %arg2: memref<20992xf32, #tpu.memory_space<hbm>>, %arg3: memref<172032xf32, #tpu.memory_space<hbm>>, %arg4: memref<172032xi32, #tpu.memory_space<hbm>>, %arg5: memref<172032xf32, #tpu.memory_space<hbm>>, %arg6: memref<10496xf32, #tpu.memory_space<vmem>>, %arg7: memref<10496xf32, #tpu.memory_space<vmem>>, %arg8: memref<5376xf32, #tpu.memory_space<vmem>>, %arg9: memref<5376xi32, #tpu.memory_space<vmem>>, %arg10: memref<5376xf32, #tpu.memory_space<vmem>>) attributes {dimension_semantics = [#tpu.dimension_semantics<core_parallel>, #tpu.dimension_semantics<subcore_parallel>], iteration_bounds = array<i64: 2, 16>, scalar_prefetch = 0 : i64, scratch_operands = 5 : i64, tpu.core_type = #tpu.core_type<sc_vector_subcore>, window_params = [{transform_indices = #map}, {transform_indices = #map}, {transform_indices = #map}, {transform_indices = #map}]} {
    %mul3A = arith.constant 2 : i32
    %mul3A_0 = arith.muli %arg1, %mul3A : i32
    %add3A = arith.addi %mul3A_0, %arg0 : i32
    %mul3A_1 = arith.constant 5376 : i32
    %mul3A_2 = arith.muli %add3A, %mul3A_1 : i32
    "tpu.region"() ({
      %run_scoped3A = tpu.sem_alloc : memref<!tpu.dma_semaphore, #tpu.memory_space<semaphore_mem>>
      %dma_start3A = arith.constant 0 : i32
      %dma_start3A_16 = tpu.memref_slice %arg2[%dma_start3A] : memref<20992xf32, #tpu.memory_space<hbm>> -> memref<10496xf32, #tpu.memory_space<hbm>>
      %dma_start3A_17 = arith.constant 0 : i32
      %dma_start3A_18 = tpu.memref_slice %arg2[%dma_start3A_17] : memref<20992xf32, #tpu.memory_space<hbm>> -> memref<10496xf32, #tpu.memory_space<hbm>>
      tpu.enqueue_dma source(%dma_start3A_18 : memref<10496xf32, #tpu.memory_space<hbm>>) target(%arg6 : memref<10496xf32, #tpu.memory_space<vmem>>) target_semaphore(%run_scoped3A : memref<!tpu.dma_semaphore, #tpu.memory_space<semaphore_mem>>)
      %dma_wait3A = arith.constant 0 : i32
      %dma_wait3A_19 = tpu.memref_slice %arg2[%dma_wait3A] : memref<20992xf32, #tpu.memory_space<hbm>> -> memref<10496xf32, #tpu.memory_space<hbm>>
      %dma_wait3A_20 = arith.constant 0 : i32
      %dma_wait3A_21 = tpu.memref_slice %arg2[%dma_wait3A_20] : memref<20992xf32, #tpu.memory_space<hbm>> -> memref<10496xf32, #tpu.memory_space<hbm>>
      tpu.wait_dma2 semaphore(%run_scoped3A : memref<!tpu.dma_semaphore, #tpu.memory_space<semaphore_mem>>) src(%dma_wait3A_21 : memref<10496xf32, #tpu.memory_space<hbm>>) dst(%arg6 : memref<10496xf32, #tpu.memory_space<vmem>>)
      tpu.yield
    }) : () -> ()
    "tpu.region"() ({
      %run_scoped3A = tpu.sem_alloc : memref<!tpu.dma_semaphore, #tpu.memory_space<semaphore_mem>>
      %dma_start3A = arith.constant 10496 : i32
      %dma_start3A_16 = tpu.memref_slice %arg2[%dma_start3A] : memref<20992xf32, #tpu.memory_space<hbm>> -> memref<10496xf32, #tpu.memory_space<hbm>>
      %dma_start3A_17 = arith.constant 10496 : i32
      %dma_start3A_18 = tpu.memref_slice %arg2[%dma_start3A_17] : memref<20992xf32, #tpu.memory_space<hbm>> -> memref<10496xf32, #tpu.memory_space<hbm>>
      tpu.enqueue_dma source(%dma_start3A_18 : memref<10496xf32, #tpu.memory_space<hbm>>) target(%arg7 : memref<10496xf32, #tpu.memory_space<vmem>>) target_semaphore(%run_scoped3A : memref<!tpu.dma_semaphore, #tpu.memory_space<semaphore_mem>>)
      %dma_wait3A = arith.constant 10496 : i32
      %dma_wait3A_19 = tpu.memref_slice %arg2[%dma_wait3A] : memref<20992xf32, #tpu.memory_space<hbm>> -> memref<10496xf32, #tpu.memory_space<hbm>>
      %dma_wait3A_20 = arith.constant 10496 : i32
      %dma_wait3A_21 = tpu.memref_slice %arg2[%dma_wait3A_20] : memref<20992xf32, #tpu.memory_space<hbm>> -> memref<10496xf32, #tpu.memory_space<hbm>>
      tpu.wait_dma2 semaphore(%run_scoped3A : memref<!tpu.dma_semaphore, #tpu.memory_space<semaphore_mem>>) src(%dma_wait3A_21 : memref<10496xf32, #tpu.memory_space<hbm>>) dst(%arg7 : memref<10496xf32, #tpu.memory_space<vmem>>)
      tpu.yield
    }) : () -> ()
    %scan3A = arith.constant 0 : i32
    %scan3A_3 = arith.constant 0 : i32
    %scan3A_4 = arith.constant 656 : i32
    %scan3A_5 = arith.addi %scan3A_3, %scan3A_4 : i32
    %scan3A_6 = arith.constant 1 : i32
    %scan3A_7 = scf.for %scan3A_16 = %scan3A_3 to %scan3A_5 step %scan3A_6 iter_args(%scan3A_17 = %scan3A) -> (i32)  : i32 {
      %mul3A_18 = arith.constant 16 : i32
      %mul3A_19 = arith.muli %scan3A_16, %mul3A_18 : i32
      %multiple_of3A = tpu.assume_multiple %mul3A_19, 16 : i32
      %get3A = arith.index_cast %multiple_of3A : i32 to index
      %get3A_20 = tpu.vector_load %arg6[%get3A] {strides = array<i32>} : memref<10496xf32, #tpu.memory_space<vmem>>, vector<16xf32>,
      %get3A_21 = arith.index_cast %multiple_of3A : i32 to index
      %get3A_22 = tpu.vector_load %arg7[%get3A_21] {strides = array<i32>} : memref<10496xf32, #tpu.memory_space<vmem>>, vector<16xf32>,
      %max3A = arith.maximumf %get3A_20, %get3A_22 : vector<16xf32>
      %swap3A = arith.index_cast %multiple_of3A : i32 to index
      %swap3A_23 = tpu.vector_load %arg6[%swap3A] {strides = array<i32>} : memref<10496xf32, #tpu.memory_space<vmem>>, vector<16xf32>,
      tpu.vector_store %arg6[%swap3A], %max3A {strides = array<i32>} : memref<10496xf32, #tpu.memory_space<vmem>>, vector<16xf32>,
      %scan3A_24 = arith.constant 0 : i32
      scf.yield %scan3A_24 : i32
    }
    %scan3A_8 = arith.constant 656 : i32
    "tpu.region"() ({
      %run_scoped3A = tpu.sem_alloc : memref<!tpu.dma_semaphore, #tpu.memory_space<semaphore_mem>>
      %dma_start3A = tpu.memref_slice %arg3[%mul3A_2] : memref<172032xf32, #tpu.memory_space<hbm>> -> memref<5376xf32, #tpu.memory_space<hbm>>
      %dma_start3A_16 = tpu.memref_slice %arg3[%mul3A_2] : memref<172032xf32, #tpu.memory_space<hbm>> -> memref<5376xf32, #tpu.memory_space<hbm>>
      tpu.enqueue_dma source(%dma_start3A_16 : memref<5376xf32, #tpu.memory_space<hbm>>) target(%arg8 : memref<5376xf32, #tpu.memory_space<vmem>>) target_semaphore(%run_scoped3A : memref<!tpu.dma_semaphore, #tpu.memory_space<semaphore_mem>>)
      %dma_wait3A = tpu.memref_slice %arg3[%mul3A_2] : memref<172032xf32, #tpu.memory_space<hbm>> -> memref<5376xf32, #tpu.memory_space<hbm>>
      %dma_wait3A_17 = tpu.memref_slice %arg3[%mul3A_2] : memref<172032xf32, #tpu.memory_space<hbm>> -> memref<5376xf32, #tpu.memory_space<hbm>>
      tpu.wait_dma2 semaphore(%run_scoped3A : memref<!tpu.dma_semaphore, #tpu.memory_space<semaphore_mem>>) src(%dma_wait3A_17 : memref<5376xf32, #tpu.memory_space<hbm>>) dst(%arg8 : memref<5376xf32, #tpu.memory_space<vmem>>)
      tpu.yield
    }) : () -> ()
    "tpu.region"() ({
      %run_scoped3A = tpu.sem_alloc : memref<!tpu.dma_semaphore, #tpu.memory_space<semaphore_mem>>
      %dma_start3A = tpu.memref_slice %arg4[%mul3A_2] : memref<172032xi32, #tpu.memory_space<hbm>> -> memref<5376xi32, #tpu.memory_space<hbm>>
      %dma_start3A_16 = tpu.memref_slice %arg4[%mul3A_2] : memref<172032xi32, #tpu.memory_space<hbm>> -> memref<5376xi32, #tpu.memory_space<hbm>>
      tpu.enqueue_dma source(%dma_start3A_16 : memref<5376xi32, #tpu.memory_space<hbm>>) target(%arg9 : memref<5376xi32, #tpu.memory_space<vmem>>) target_semaphore(%run_scoped3A : memref<!tpu.dma_semaphore, #tpu.memory_space<semaphore_mem>>)
      %dma_wait3A = tpu.memref_slice %arg4[%mul3A_2] : memref<172032xi32, #tpu.memory_space<hbm>> -> memref<5376xi32, #tpu.memory_space<hbm>>
      %dma_wait3A_17 = tpu.memref_slice %arg4[%mul3A_2] : memref<172032xi32, #tpu.memory_space<hbm>> -> memref<5376xi32, #tpu.memory_space<hbm>>
      tpu.wait_dma2 semaphore(%run_scoped3A : memref<!tpu.dma_semaphore, #tpu.memory_space<semaphore_mem>>) src(%dma_wait3A_17 : memref<5376xi32, #tpu.memory_space<hbm>>) dst(%arg9 : memref<5376xi32, #tpu.memory_space<vmem>>)
      tpu.yield
    }) : () -> ()
    %scan3A_9 = arith.constant 0 : i32
    %scan3A_10 = arith.constant 0 : i32
    %scan3A_11 = arith.constant 336 : i32
    %scan3A_12 = arith.addi %scan3A_10, %scan3A_11 : i32
    %scan3A_13 = arith.constant 1 : i32
    %scan3A_14 = scf.for %scan3A_16 = %scan3A_10 to %scan3A_12 step %scan3A_13 iter_args(%scan3A_17 = %scan3A_9) -> (i32)  : i32 {
      %mul3A_18 = arith.constant 16 : i32
      %mul3A_19 = arith.muli %scan3A_16, %mul3A_18 : i32
      %multiple_of3A = tpu.assume_multiple %mul3A_19, 16 : i32
      %get3A = arith.index_cast %multiple_of3A : i32 to index
      %get3A_20 = tpu.vector_load %arg9[%get3A] {strides = array<i32>} : memref<5376xi32, #tpu.memory_space<vmem>>, vector<16xi32>,
      %gather3A = tpu.vector_load_idx %arg6[%get3A_20] : memref<10496xf32, #tpu.memory_space<vmem>>[vector<16xi32>], vector<16xf32>,
      %get3A_21 = arith.index_cast %multiple_of3A : i32 to index
      %get3A_22 = tpu.vector_load %arg8[%get3A_21] {strides = array<i32>} : memref<5376xf32, #tpu.memory_space<vmem>>, vector<16xf32>,
      %sub3A = arith.subf %get3A_22, %gather3A : vector<16xf32>
      %exp3A = math.exp %sub3A : vector<16xf32>
      %swap3A = arith.index_cast %multiple_of3A : i32 to index
      %swap3A_23 = tpu.vector_load %arg10[%swap3A] {strides = array<i32>} : memref<5376xf32, #tpu.memory_space<vmem>>, vector<16xf32>,
      tpu.vector_store %arg10[%swap3A], %exp3A {strides = array<i32>} : memref<5376xf32, #tpu.memory_space<vmem>>, vector<16xf32>,
      %scan3A_24 = arith.constant 0 : i32
      scf.yield %scan3A_24 : i32
    }
    %scan3A_15 = arith.constant 336 : i32
    "tpu.region"() ({
      %run_scoped3A = tpu.sem_alloc : memref<!tpu.dma_semaphore, #tpu.memory_space<semaphore_mem>>
      %dma_start3A = tpu.memref_slice %arg5[%mul3A_2] : memref<172032xf32, #tpu.memory_space<hbm>> -> memref<5376xf32, #tpu.memory_space<hbm>>
      %dma_start3A_16 = tpu.memref_slice %arg5[%mul3A_2] : memref<172032xf32, #tpu.memory_space<hbm>> -> memref<5376xf32, #tpu.memory_space<hbm>>
      tpu.enqueue_dma source(%arg10 : memref<5376xf32, #tpu.memory_space<vmem>>) target(%dma_start3A_16 : memref<5376xf32, #tpu.memory_space<hbm>>) target_semaphore(%run_scoped3A : memref<!tpu.dma_semaphore, #tpu.memory_space<semaphore_mem>>)
      %dma_wait3A = tpu.memref_slice %arg5[%mul3A_2] : memref<172032xf32, #tpu.memory_space<hbm>> -> memref<5376xf32, #tpu.memory_space<hbm>>
      %dma_wait3A_17 = tpu.memref_slice %arg5[%mul3A_2] : memref<172032xf32, #tpu.memory_space<hbm>> -> memref<5376xf32, #tpu.memory_space<hbm>>
      tpu.wait_dma2 semaphore(%run_scoped3A : memref<!tpu.dma_semaphore, #tpu.memory_space<semaphore_mem>>) src(%arg10 : memref<5376xf32, #tpu.memory_space<vmem>>) dst(%dma_wait3A_17 : memref<5376xf32, #tpu.memory_space<hbm>>)
      tpu.yield
    }) : () -> ()
    return
  }
}

#map = affine_map<(d0, d1) -> (0)>
module attributes {stable_mosaic.version = 14 : i64} {
  func.func @_k2(%arg0: i32, %arg1: i32, %arg2: memref<10496xf32, #tpu.memory_space<hbm>>, %arg3: memref<172032xi32, #tpu.memory_space<hbm>>, %arg4: memref<172032xi32, #tpu.memory_space<hbm>>, %arg5: memref<16xf32, #tpu.memory_space<hbm>>, %arg6: memref<16xf32, #tpu.memory_space<hbm>>, %arg7: memref<172032xf32, #tpu.memory_space<hbm>>, %arg8: memref<172032xf32, #tpu.memory_space<hbm>>, %arg9: memref<20992xf32, #tpu.memory_space<hbm>>, %arg10: memref<10496xf32, #tpu.memory_space<vmem>>, %arg11: memref<10496xf32, #tpu.memory_space<vmem>>, %arg12: memref<5376xi32, #tpu.memory_space<vmem>>, %arg13: memref<5376xi32, #tpu.memory_space<vmem>>, %arg14: memref<5376xf32, #tpu.memory_space<vmem>>, %arg15: memref<5376xf32, #tpu.memory_space<vmem>>, %arg16: memref<16xf32, #tpu.memory_space<vmem>>, %arg17: memref<16xf32, #tpu.memory_space<vmem>>, %arg18: memref<656xf32, #tpu.memory_space<vmem>>, %arg19: memref<656xf32, #tpu.memory_space<vmem>>, %arg20: memref<167936xf32, #tpu.memory_space<vmem_shared>>) attributes {dimension_semantics = [#tpu.dimension_semantics<core_parallel>, #tpu.dimension_semantics<subcore_parallel>], iteration_bounds = array<i64: 2, 16>, scalar_prefetch = 0 : i64, scratch_operands = 11 : i64, tpu.core_type = #tpu.core_type<sc_vector_subcore>, window_params = [{transform_indices = #map}, {transform_indices = #map}, {transform_indices = #map}, {transform_indices = #map}, {transform_indices = #map}, {transform_indices = #map}, {transform_indices = #map}, {transform_indices = #map}]} {
    %mul3A = arith.constant 2 : i32
    %mul3A_0 = arith.muli %arg1, %mul3A : i32
    %add3A = arith.addi %mul3A_0, %arg0 : i32
    %mul3A_1 = arith.constant 5376 : i32
    %mul3A_2 = arith.muli %add3A, %mul3A_1 : i32
    "tpu.region"() ({
      %run_scoped3A = tpu.sem_alloc : memref<!tpu.dma_semaphore, #tpu.memory_space<semaphore_mem>>
      tpu.enqueue_dma source(%arg2 : memref<10496xf32, #tpu.memory_space<hbm>>) target(%arg10 : memref<10496xf32, #tpu.memory_space<vmem>>) target_semaphore(%run_scoped3A : memref<!tpu.dma_semaphore, #tpu.memory_space<semaphore_mem>>)
      tpu.wait_dma2 semaphore(%run_scoped3A : memref<!tpu.dma_semaphore, #tpu.memory_space<semaphore_mem>>) src(%arg2 : memref<10496xf32, #tpu.memory_space<hbm>>) dst(%arg10 : memref<10496xf32, #tpu.memory_space<vmem>>)
      tpu.yield
    }) : () -> ()
    "tpu.region"() ({
      %run_scoped3A = tpu.sem_alloc : memref<!tpu.dma_semaphore, #tpu.memory_space<semaphore_mem>>
      %dma_start3A = tpu.memref_slice %arg3[%mul3A_2] : memref<172032xi32, #tpu.memory_space<hbm>> -> memref<5376xi32, #tpu.memory_space<hbm>>
      %dma_start3A_34 = tpu.memref_slice %arg3[%mul3A_2] : memref<172032xi32, #tpu.memory_space<hbm>> -> memref<5376xi32, #tpu.memory_space<hbm>>
      tpu.enqueue_dma source(%dma_start3A_34 : memref<5376xi32, #tpu.memory_space<hbm>>) target(%arg12 : memref<5376xi32, #tpu.memory_space<vmem>>) target_semaphore(%run_scoped3A : memref<!tpu.dma_semaphore, #tpu.memory_space<semaphore_mem>>)
      %dma_wait3A = tpu.memref_slice %arg3[%mul3A_2] : memref<172032xi32, #tpu.memory_space<hbm>> -> memref<5376xi32, #tpu.memory_space<hbm>>
      %dma_wait3A_35 = tpu.memref_slice %arg3[%mul3A_2] : memref<172032xi32, #tpu.memory_space<hbm>> -> memref<5376xi32, #tpu.memory_space<hbm>>
      tpu.wait_dma2 semaphore(%run_scoped3A : memref<!tpu.dma_semaphore, #tpu.memory_space<semaphore_mem>>) src(%dma_wait3A_35 : memref<5376xi32, #tpu.memory_space<hbm>>) dst(%arg12 : memref<5376xi32, #tpu.memory_space<vmem>>)
      tpu.yield
    }) : () -> ()
    "tpu.region"() ({
      %run_scoped3A = tpu.sem_alloc : memref<!tpu.dma_semaphore, #tpu.memory_space<semaphore_mem>>
      %dma_start3A = tpu.memref_slice %arg4[%mul3A_2] : memref<172032xi32, #tpu.memory_space<hbm>> -> memref<5376xi32, #tpu.memory_space<hbm>>
      %dma_start3A_34 = tpu.memref_slice %arg4[%mul3A_2] : memref<172032xi32, #tpu.memory_space<hbm>> -> memref<5376xi32, #tpu.memory_space<hbm>>
      tpu.enqueue_dma source(%dma_start3A_34 : memref<5376xi32, #tpu.memory_space<hbm>>) target(%arg13 : memref<5376xi32, #tpu.memory_space<vmem>>) target_semaphore(%run_scoped3A : memref<!tpu.dma_semaphore, #tpu.memory_space<semaphore_mem>>)
      %dma_wait3A = tpu.memref_slice %arg4[%mul3A_2] : memref<172032xi32, #tpu.memory_space<hbm>> -> memref<5376xi32, #tpu.memory_space<hbm>>
      %dma_wait3A_35 = tpu.memref_slice %arg4[%mul3A_2] : memref<172032xi32, #tpu.memory_space<hbm>> -> memref<5376xi32, #tpu.memory_space<hbm>>
      tpu.wait_dma2 semaphore(%run_scoped3A : memref<!tpu.dma_semaphore, #tpu.memory_space<semaphore_mem>>) src(%dma_wait3A_35 : memref<5376xi32, #tpu.memory_space<hbm>>) dst(%arg13 : memref<5376xi32, #tpu.memory_space<vmem>>)
      tpu.yield
    }) : () -> ()
    "tpu.region"() ({
      %run_scoped3A = tpu.sem_alloc : memref<!tpu.dma_semaphore, #tpu.memory_space<semaphore_mem>>
      tpu.enqueue_dma source(%arg5 : memref<16xf32, #tpu.memory_space<hbm>>) target(%arg16 : memref<16xf32, #tpu.memory_space<vmem>>) target_semaphore(%run_scoped3A : memref<!tpu.dma_semaphore, #tpu.memory_space<semaphore_mem>>)
      tpu.wait_dma2 semaphore(%run_scoped3A : memref<!tpu.dma_semaphore, #tpu.memory_space<semaphore_mem>>) src(%arg5 : memref<16xf32, #tpu.memory_space<hbm>>) dst(%arg16 : memref<16xf32, #tpu.memory_space<vmem>>)
      tpu.yield
    }) : () -> ()
    "tpu.region"() ({
      %run_scoped3A = tpu.sem_alloc : memref<!tpu.dma_semaphore, #tpu.memory_space<semaphore_mem>>
      tpu.enqueue_dma source(%arg6 : memref<16xf32, #tpu.memory_space<hbm>>) target(%arg17 : memref<16xf32, #tpu.memory_space<vmem>>) target_semaphore(%run_scoped3A : memref<!tpu.dma_semaphore, #tpu.memory_space<semaphore_mem>>)
      tpu.wait_dma2 semaphore(%run_scoped3A : memref<!tpu.dma_semaphore, #tpu.memory_space<semaphore_mem>>) src(%arg6 : memref<16xf32, #tpu.memory_space<hbm>>) dst(%arg17 : memref<16xf32, #tpu.memory_space<vmem>>)
      tpu.yield
    }) : () -> ()
    %broadcast_in_dim3A = arith.constant 0xFF800000 : f32
    %broadcast_in_dim3A_3 = vector.broadcast %broadcast_in_dim3A : f32 to vector<16xf32>
    %scan3A = arith.constant 0 : i32
    %scan3A_4 = arith.constant 0 : i32
    %scan3A_5 = arith.constant 656 : i32
    %scan3A_6 = arith.addi %scan3A_4, %scan3A_5 : i32
    %scan3A_7 = arith.constant 1 : i32
    %scan3A_8 = scf.for %scan3A_34 = %scan3A_4 to %scan3A_6 step %scan3A_7 iter_args(%scan3A_35 = %scan3A) -> (i32)  : i32 {
      %mul3A_36 = arith.constant 16 : i32
      %mul3A_37 = arith.muli %scan3A_34, %mul3A_36 : i32
      %multiple_of3A = tpu.assume_multiple %mul3A_37, 16 : i32
      %swap3A = arith.index_cast %multiple_of3A : i32 to index
      %swap3A_38 = tpu.vector_load %arg11[%swap3A] {strides = array<i32>} : memref<10496xf32, #tpu.memory_space<vmem>>, vector<16xf32>,
      tpu.vector_store %arg11[%swap3A], %broadcast_in_dim3A_3 {strides = array<i32>} : memref<10496xf32, #tpu.memory_space<vmem>>, vector<16xf32>,
      %scan3A_39 = arith.constant 0 : i32
      scf.yield %scan3A_39 : i32
    }
    %scan3A_9 = arith.constant 656 : i32
    %get3A = arith.constant 0 : index
    %get3A_10 = tpu.vector_load %arg16[%get3A] {strides = array<i32>} : memref<16xf32, #tpu.memory_space<vmem>>, vector<16xf32>,
    %get3A_11 = arith.constant 0 : index
    %get3A_12 = tpu.vector_load %arg17[%get3A_11] {strides = array<i32>} : memref<16xf32, #tpu.memory_space<vmem>>, vector<16xf32>,
    %scan3A_13 = arith.constant 0 : i32
    %scan3A_14 = arith.constant 0 : i32
    %scan3A_15 = arith.constant 336 : i32
    %scan3A_16 = arith.addi %scan3A_14, %scan3A_15 : i32
    %scan3A_17 = arith.constant 1 : i32
    %scan3A_18 = scf.for %scan3A_34 = %scan3A_14 to %scan3A_16 step %scan3A_17 iter_args(%scan3A_35 = %scan3A_13) -> (i32)  : i32 {
      %mul3A_36 = arith.constant 16 : i32
      %mul3A_37 = arith.muli %scan3A_34, %mul3A_36 : i32
      %multiple_of3A = tpu.assume_multiple %mul3A_37, 16 : i32
      %get3A_38 = arith.index_cast %multiple_of3A : i32 to index
      %get3A_39 = tpu.vector_load %arg12[%get3A_38] {strides = array<i32>} : memref<5376xi32, #tpu.memory_space<vmem>>, vector<16xi32>,
      %get3A_40 = arith.index_cast %multiple_of3A : i32 to index
      %get3A_41 = tpu.vector_load %arg13[%get3A_40] {strides = array<i32>} : memref<5376xi32, #tpu.memory_space<vmem>>, vector<16xi32>,
      %gather3A = tpu.vector_load_idx %arg10[%get3A_39] : memref<10496xf32, #tpu.memory_space<vmem>>[vector<16xi32>], vector<16xf32>,
      %gather3A_42 = tpu.vector_load_idx %arg10[%get3A_41] : memref<10496xf32, #tpu.memory_space<vmem>>[vector<16xi32>], vector<16xf32>,
      %mul3A_43 = arith.mulf %get3A_10, %gather3A : vector<16xf32>
      %mul3A_44 = arith.mulf %get3A_12, %gather3A_42 : vector<16xf32>
      %add3A_45 = arith.addf %mul3A_43, %mul3A_44 : vector<16xf32>
      %ge3A = arith.constant 0.000000e+00 : f32
      %ge3A_46 = vector.broadcast %ge3A : f32 to vector<16xf32>
      %ge3A_47 = arith.cmpf oge, %add3A_45, %ge3A_46 : vector<16xf32>
      %mul3A_48 = arith.constant 2.000000e-01 : f32
      %mul3A_49 = vector.broadcast %mul3A_48 : f32 to vector<16xf32>
      %mul3A_50 = arith.mulf %add3A_45, %mul3A_49 : vector<16xf32>
      %select_n3A = arith.select %ge3A_47, %add3A_45, %mul3A_50 : vector<16xi1>, vector<16xf32>
      %swap3A = arith.index_cast %multiple_of3A : i32 to index
      %swap3A_51 = tpu.vector_load %arg14[%swap3A] {strides = array<i32>} : memref<5376xf32, #tpu.memory_space<vmem>>, vector<16xf32>,
      tpu.vector_store %arg14[%swap3A], %select_n3A {strides = array<i32>} : memref<5376xf32, #tpu.memory_space<vmem>>, vector<16xf32>,
      %swap3A_52 = arith.index_cast %multiple_of3A : i32 to index
      %swap3A_53 = tpu.vector_load %arg15[%swap3A_52] {strides = array<i32>} : memref<5376xf32, #tpu.memory_space<vmem>>, vector<16xf32>,
      tpu.vector_store %arg15[%swap3A_52], %gather3A {strides = array<i32>} : memref<5376xf32, #tpu.memory_space<vmem>>, vector<16xf32>,
      %gather3A_54 = tpu.vector_load_idx %arg11[%get3A_41] : memref<10496xf32, #tpu.memory_space<vmem>>[vector<16xi32>], vector<16xf32>,
      %gt3A = arith.cmpf ogt, %select_n3A, %gather3A_54 : vector<16xf32>
      %while3A = scf.while (%while3A_56 = %gt3A) : (vector<16xi1>) -> vector<16xi1> {
        %reduce_or3A = arith.constant 1.000000e+00 : f32
        %reduce_or3A_57 = arith.constant 0.000000e+00 : f32
        %reduce_or3A_58 = vector.broadcast %reduce_or3A : f32 to vector<16xf32>
        %reduce_or3A_59 = vector.broadcast %reduce_or3A_57 : f32 to vector<16xf32>
        %reduce_or3A_60 = arith.select %while3A_56, %reduce_or3A_58, %reduce_or3A_59 : vector<16xi1>, vector<16xf32>
        %reduce_or3A_61 = arith.constant true
        %reduce_or3A_62 = vector.broadcast %reduce_or3A_61 : i1 to vector<16xi1>
        %reduce_or3A_63 = tpu.scan <max>, %reduce_or3A_60 masked %reduce_or3A_62 : vector<16xf32>, vector<16xi1> -> vector<16xf32>
        %reduce_or3A_64 = vector.extract %reduce_or3A_63[15] : f32 from vector<16xf32>
        %reduce_or3A_65 = arith.constant 0.000000e+00 : f32
        %reduce_or3A_66 = arith.cmpf ogt, %reduce_or3A_64, %reduce_or3A_65 : f32
        scf.condition(%reduce_or3A_66) %while3A_56 : vector<16xi1>
      } do {
      ^bb0(%while3A_56: vector<16xi1>):
        tpu.vector_store_idx %arg11[%get3A_41], %select_n3A masked %while3A_56 : memref<10496xf32, #tpu.memory_space<vmem>>[vector<16xi32>], vector<16xf32>, vector<16xi1>
        %gather3A_57 = tpu.vector_load_idx %arg11[%get3A_41] : memref<10496xf32, #tpu.memory_space<vmem>>[vector<16xi32>], vector<16xf32>,
        %gt3A_58 = arith.cmpf ogt, %select_n3A, %gather3A_57 : vector<16xf32>
        %and3A = arith.andi %while3A_56, %gt3A_58 : vector<16xi1>
        scf.yield %and3A : vector<16xi1>
      }
      %scan3A_55 = arith.constant 0 : i32
      scf.yield %scan3A_55 : i32
    }
    %scan3A_19 = arith.constant 336 : i32
    "tpu.region"() ({
      %run_scoped3A = tpu.sem_alloc : memref<!tpu.dma_semaphore, #tpu.memory_space<semaphore_mem>>
      %dma_start3A = tpu.memref_slice %arg7[%mul3A_2] : memref<172032xf32, #tpu.memory_space<hbm>> -> memref<5376xf32, #tpu.memory_space<hbm>>
      %dma_start3A_34 = tpu.memref_slice %arg7[%mul3A_2] : memref<172032xf32, #tpu.memory_space<hbm>> -> memref<5376xf32, #tpu.memory_space<hbm>>
      tpu.enqueue_dma source(%arg14 : memref<5376xf32, #tpu.memory_space<vmem>>) target(%dma_start3A_34 : memref<5376xf32, #tpu.memory_space<hbm>>) target_semaphore(%run_scoped3A : memref<!tpu.dma_semaphore, #tpu.memory_space<semaphore_mem>>)
      %dma_wait3A = tpu.memref_slice %arg7[%mul3A_2] : memref<172032xf32, #tpu.memory_space<hbm>> -> memref<5376xf32, #tpu.memory_space<hbm>>
      %dma_wait3A_35 = tpu.memref_slice %arg7[%mul3A_2] : memref<172032xf32, #tpu.memory_space<hbm>> -> memref<5376xf32, #tpu.memory_space<hbm>>
      tpu.wait_dma2 semaphore(%run_scoped3A : memref<!tpu.dma_semaphore, #tpu.memory_space<semaphore_mem>>) src(%arg14 : memref<5376xf32, #tpu.memory_space<vmem>>) dst(%dma_wait3A_35 : memref<5376xf32, #tpu.memory_space<hbm>>)
      tpu.yield
    }) : () -> ()
    "tpu.region"() ({
      %run_scoped3A = tpu.sem_alloc : memref<!tpu.dma_semaphore, #tpu.memory_space<semaphore_mem>>
      %dma_start3A = tpu.memref_slice %arg8[%mul3A_2] : memref<172032xf32, #tpu.memory_space<hbm>> -> memref<5376xf32, #tpu.memory_space<hbm>>
      %dma_start3A_34 = tpu.memref_slice %arg8[%mul3A_2] : memref<172032xf32, #tpu.memory_space<hbm>> -> memref<5376xf32, #tpu.memory_space<hbm>>
      tpu.enqueue_dma source(%arg15 : memref<5376xf32, #tpu.memory_space<vmem>>) target(%dma_start3A_34 : memref<5376xf32, #tpu.memory_space<hbm>>) target_semaphore(%run_scoped3A : memref<!tpu.dma_semaphore, #tpu.memory_space<semaphore_mem>>)
      %dma_wait3A = tpu.memref_slice %arg8[%mul3A_2] : memref<172032xf32, #tpu.memory_space<hbm>> -> memref<5376xf32, #tpu.memory_space<hbm>>
      %dma_wait3A_35 = tpu.memref_slice %arg8[%mul3A_2] : memref<172032xf32, #tpu.memory_space<hbm>> -> memref<5376xf32, #tpu.memory_space<hbm>>
      tpu.wait_dma2 semaphore(%run_scoped3A : memref<!tpu.dma_semaphore, #tpu.memory_space<semaphore_mem>>) src(%arg15 : memref<5376xf32, #tpu.memory_space<vmem>>) dst(%dma_wait3A_35 : memref<5376xf32, #tpu.memory_space<hbm>>)
      tpu.yield
    }) : () -> ()
    %mul3A_20 = arith.constant 10496 : i32
    %mul3A_21 = arith.muli %arg1, %mul3A_20 : i32
    "tpu.region"() ({
      %run_scoped3A = tpu.sem_alloc : memref<!tpu.dma_semaphore, #tpu.memory_space<semaphore_mem>>
      %dma_start3A = tpu.memref_slice %arg20[%mul3A_21] : memref<167936xf32, #tpu.memory_space<vmem_shared>> -> memref<10496xf32, #tpu.memory_space<vmem_shared>>
      %dma_start3A_34 = tpu.memref_slice %arg20[%mul3A_21] : memref<167936xf32, #tpu.memory_space<vmem_shared>> -> memref<10496xf32, #tpu.memory_space<vmem_shared>>
      tpu.enqueue_dma source(%arg11 : memref<10496xf32, #tpu.memory_space<vmem>>) target(%dma_start3A_34 : memref<10496xf32, #tpu.memory_space<vmem_shared>>) target_semaphore(%run_scoped3A : memref<!tpu.dma_semaphore, #tpu.memory_space<semaphore_mem>>)
      %dma_wait3A = tpu.memref_slice %arg20[%mul3A_21] : memref<167936xf32, #tpu.memory_space<vmem_shared>> -> memref<10496xf32, #tpu.memory_space<vmem_shared>>
      %dma_wait3A_35 = tpu.memref_slice %arg20[%mul3A_21] : memref<167936xf32, #tpu.memory_space<vmem_shared>> -> memref<10496xf32, #tpu.memory_space<vmem_shared>>
      tpu.wait_dma2 semaphore(%run_scoped3A : memref<!tpu.dma_semaphore, #tpu.memory_space<semaphore_mem>>) src(%arg11 : memref<10496xf32, #tpu.memory_space<vmem>>) dst(%dma_wait3A_35 : memref<10496xf32, #tpu.memory_space<vmem_shared>>)
      tpu.yield
    }) : () -> ()
    %barrier3A = arith.constant 0 : index
    tpu.barrier barrier_id(%barrier3A)
    %mul3A_22 = arith.constant 656 : i32
    %mul3A_23 = arith.muli %arg1, %mul3A_22 : i32
    "tpu.region"() ({
      %run_scoped3A = tpu.sem_alloc : memref<!tpu.dma_semaphore, #tpu.memory_space<semaphore_mem>>
      %dma_start3A = tpu.memref_slice %arg20[%mul3A_23] : memref<167936xf32, #tpu.memory_space<vmem_shared>> -> memref<656xf32, #tpu.memory_space<vmem_shared>>
      %dma_start3A_34 = tpu.memref_slice %arg20[%mul3A_23] : memref<167936xf32, #tpu.memory_space<vmem_shared>> -> memref<656xf32, #tpu.memory_space<vmem_shared>>
      tpu.enqueue_dma source(%dma_start3A_34 : memref<656xf32, #tpu.memory_space<vmem_shared>>) target(%arg18 : memref<656xf32, #tpu.memory_space<vmem>>) target_semaphore(%run_scoped3A : memref<!tpu.dma_semaphore, #tpu.memory_space<semaphore_mem>>)
      %dma_wait3A = tpu.memref_slice %arg20[%mul3A_23] : memref<167936xf32, #tpu.memory_space<vmem_shared>> -> memref<656xf32, #tpu.memory_space<vmem_shared>>
      %dma_wait3A_35 = tpu.memref_slice %arg20[%mul3A_23] : memref<167936xf32, #tpu.memory_space<vmem_shared>> -> memref<656xf32, #tpu.memory_space<vmem_shared>>
      tpu.wait_dma2 semaphore(%run_scoped3A : memref<!tpu.dma_semaphore, #tpu.memory_space<semaphore_mem>>) src(%dma_wait3A_35 : memref<656xf32, #tpu.memory_space<vmem_shared>>) dst(%arg18 : memref<656xf32, #tpu.memory_space<vmem>>)
      tpu.yield
    }) : () -> ()
    %scan3A_24 = arith.constant 0 : i32
    %scan3A_25 = arith.constant 1 : i32
    %scan3A_26 = arith.constant 15 : i32
    %scan3A_27 = arith.addi %scan3A_25, %scan3A_26 : i32
    %scan3A_28 = arith.constant 1 : i32
    %scan3A_29 = scf.for %scan3A_34 = %scan3A_25 to %scan3A_27 step %scan3A_28 iter_args(%scan3A_35 = %scan3A_24) -> (i32)  : i32 {
      %mul3A_36 = arith.constant 10496 : i32
      %mul3A_37 = arith.muli %scan3A_34, %mul3A_36 : i32
      %add3A_38 = arith.addi %mul3A_37, %mul3A_23 : i32
      "tpu.region"() ({
        %run_scoped3A = tpu.sem_alloc : memref<!tpu.dma_semaphore, #tpu.memory_space<semaphore_mem>>
        %dma_start3A = tpu.memref_slice %arg20[%add3A_38] : memref<167936xf32, #tpu.memory_space<vmem_shared>> -> memref<656xf32, #tpu.memory_space<vmem_shared>>
        %dma_start3A_47 = tpu.memref_slice %arg20[%add3A_38] : memref<167936xf32, #tpu.memory_space<vmem_shared>> -> memref<656xf32, #tpu.memory_space<vmem_shared>>
        tpu.enqueue_dma source(%dma_start3A_47 : memref<656xf32, #tpu.memory_space<vmem_shared>>) target(%arg19 : memref<656xf32, #tpu.memory_space<vmem>>) target_semaphore(%run_scoped3A : memref<!tpu.dma_semaphore, #tpu.memory_space<semaphore_mem>>)
        %dma_wait3A = tpu.memref_slice %arg20[%add3A_38] : memref<167936xf32, #tpu.memory_space<vmem_shared>> -> memref<656xf32, #tpu.memory_space<vmem_shared>>
        %dma_wait3A_48 = tpu.memref_slice %arg20[%add3A_38] : memref<167936xf32, #tpu.memory_space<vmem_shared>> -> memref<656xf32, #tpu.memory_space<vmem_shared>>
        tpu.wait_dma2 semaphore(%run_scoped3A : memref<!tpu.dma_semaphore, #tpu.memory_space<semaphore_mem>>) src(%dma_wait3A_48 : memref<656xf32, #tpu.memory_space<vmem_shared>>) dst(%arg19 : memref<656xf32, #tpu.memory_space<vmem>>)
        tpu.yield
      }) : () -> ()
      %scan3A_39 = arith.constant 0 : i32
      %scan3A_40 = arith.constant 0 : i32
      %scan3A_41 = arith.constant 41 : i32
      %scan3A_42 = arith.addi %scan3A_40, %scan3A_41 : i32
      %scan3A_43 = arith.constant 1 : i32
      %scan3A_44 = scf.for %scan3A_47 = %scan3A_40 to %scan3A_42 step %scan3A_43 iter_args(%scan3A_48 = %scan3A_39) -> (i32)  : i32 {
        %mul3A_49 = arith.constant 16 : i32
        %mul3A_50 = arith.muli %scan3A_47, %mul3A_49 : i32
        %multiple_of3A = tpu.assume_multiple %mul3A_50, 16 : i32
        %get3A_51 = arith.index_cast %multiple_of3A : i32 to index
        %get3A_52 = tpu.vector_load %arg18[%get3A_51] {strides = array<i32>} : memref<656xf32, #tpu.memory_space<vmem>>, vector<16xf32>,
        %get3A_53 = arith.index_cast %multiple_of3A : i32 to index
        %get3A_54 = tpu.vector_load %arg19[%get3A_53] {strides = array<i32>} : memref<656xf32, #tpu.memory_space<vmem>>, vector<16xf32>,
        %max3A = arith.maximumf %get3A_52, %get3A_54 : vector<16xf32>
        %swap3A = arith.index_cast %multiple_of3A : i32 to index
        %swap3A_55 = tpu.vector_load %arg18[%swap3A] {strides = array<i32>} : memref<656xf32, #tpu.memory_space<vmem>>, vector<16xf32>,
        tpu.vector_store %arg18[%swap3A], %max3A {strides = array<i32>} : memref<656xf32, #tpu.memory_space<vmem>>, vector<16xf32>,
        %scan3A_56 = arith.constant 0 : i32
        scf.yield %scan3A_56 : i32
      }
      %scan3A_45 = arith.constant 41 : i32
      %scan3A_46 = arith.constant 0 : i32
      scf.yield %scan3A_46 : i32
    }
    %scan3A_30 = arith.constant 15 : i32
    %mul3A_31 = arith.constant 10496 : i32
    %mul3A_32 = arith.muli %arg0, %mul3A_31 : i32
    %add3A_33 = arith.addi %mul3A_32, %mul3A_23 : i32
    "tpu.region"() ({
      %run_scoped3A = tpu.sem_alloc : memref<!tpu.dma_semaphore, #tpu.memory_space<semaphore_mem>>
      %dma_start3A = tpu.memref_slice %arg9[%add3A_33] : memref<20992xf32, #tpu.memory_space<hbm>> -> memref<656xf32, #tpu.memory_space<hbm>>
      %dma_start3A_34 = tpu.memref_slice %arg9[%add3A_33] : memref<20992xf32, #tpu.memory_space<hbm>> -> memref<656xf32, #tpu.memory_space<hbm>>
      tpu.enqueue_dma source(%arg18 : memref<656xf32, #tpu.memory_space<vmem>>) target(%dma_start3A_34 : memref<656xf32, #tpu.memory_space<hbm>>) target_semaphore(%run_scoped3A : memref<!tpu.dma_semaphore, #tpu.memory_space<semaphore_mem>>)
      %dma_wait3A = tpu.memref_slice %arg9[%add3A_33] : memref<20992xf32, #tpu.memory_space<hbm>> -> memref<656xf32, #tpu.memory_space<hbm>>
      %dma_wait3A_35 = tpu.memref_slice %arg9[%add3A_33] : memref<20992xf32, #tpu.memory_space<hbm>> -> memref<656xf32, #tpu.memory_space<hbm>>
      tpu.wait_dma2 semaphore(%run_scoped3A : memref<!tpu.dma_semaphore, #tpu.memory_space<semaphore_mem>>) src(%arg18 : memref<656xf32, #tpu.memory_space<vmem>>) dst(%dma_wait3A_35 : memref<656xf32, #tpu.memory_space<hbm>>)
      tpu.yield
    }) : () -> ()
    return
  }
}

#map = affine_map<(d0, d1) -> (0)>
module attributes {stable_mosaic.version = 14 : i64} {
  func.func @_k4(%arg0: i32, %arg1: i32, %arg2: memref<10496xf32, #tpu.memory_space<hbm>>, %arg3: memref<172032xf32, #tpu.memory_space<hbm>>, %arg4: memref<172032xf32, #tpu.memory_space<hbm>>, %arg5: memref<172032xi32, #tpu.memory_space<hbm>>, %arg6: memref<172032xf32, #tpu.memory_space<hbm>>, %arg7: memref<10496xf32, #tpu.memory_space<vmem>>, %arg8: memref<5376xf32, #tpu.memory_space<vmem>>, %arg9: memref<5376xf32, #tpu.memory_space<vmem>>, %arg10: memref<5376xi32, #tpu.memory_space<vmem>>, %arg11: memref<5376xf32, #tpu.memory_space<vmem>>) attributes {dimension_semantics = [#tpu.dimension_semantics<core_parallel>, #tpu.dimension_semantics<subcore_parallel>], iteration_bounds = array<i64: 2, 16>, scalar_prefetch = 0 : i64, scratch_operands = 5 : i64, tpu.core_type = #tpu.core_type<sc_vector_subcore>, window_params = [{transform_indices = #map}, {transform_indices = #map}, {transform_indices = #map}, {transform_indices = #map}, {transform_indices = #map}]} {
    %mul3A = arith.constant 2 : i32
    %mul3A_0 = arith.muli %arg1, %mul3A : i32
    %add3A = arith.addi %mul3A_0, %arg0 : i32
    %mul3A_1 = arith.constant 5376 : i32
    %mul3A_2 = arith.muli %add3A, %mul3A_1 : i32
    "tpu.region"() ({
      %run_scoped3A = tpu.sem_alloc : memref<!tpu.dma_semaphore, #tpu.memory_space<semaphore_mem>>
      tpu.enqueue_dma source(%arg2 : memref<10496xf32, #tpu.memory_space<hbm>>) target(%arg7 : memref<10496xf32, #tpu.memory_space<vmem>>) target_semaphore(%run_scoped3A : memref<!tpu.dma_semaphore, #tpu.memory_space<semaphore_mem>>)
      tpu.wait_dma2 semaphore(%run_scoped3A : memref<!tpu.dma_semaphore, #tpu.memory_space<semaphore_mem>>) src(%arg2 : memref<10496xf32, #tpu.memory_space<hbm>>) dst(%arg7 : memref<10496xf32, #tpu.memory_space<vmem>>)
      tpu.yield
    }) : () -> ()
    "tpu.region"() ({
      %run_scoped3A = tpu.sem_alloc : memref<!tpu.dma_semaphore, #tpu.memory_space<semaphore_mem>>
      %dma_start3A = tpu.memref_slice %arg3[%mul3A_2] : memref<172032xf32, #tpu.memory_space<hbm>> -> memref<5376xf32, #tpu.memory_space<hbm>>
      %dma_start3A_9 = tpu.memref_slice %arg3[%mul3A_2] : memref<172032xf32, #tpu.memory_space<hbm>> -> memref<5376xf32, #tpu.memory_space<hbm>>
      tpu.enqueue_dma source(%dma_start3A_9 : memref<5376xf32, #tpu.memory_space<hbm>>) target(%arg8 : memref<5376xf32, #tpu.memory_space<vmem>>) target_semaphore(%run_scoped3A : memref<!tpu.dma_semaphore, #tpu.memory_space<semaphore_mem>>)
      %dma_wait3A = tpu.memref_slice %arg3[%mul3A_2] : memref<172032xf32, #tpu.memory_space<hbm>> -> memref<5376xf32, #tpu.memory_space<hbm>>
      %dma_wait3A_10 = tpu.memref_slice %arg3[%mul3A_2] : memref<172032xf32, #tpu.memory_space<hbm>> -> memref<5376xf32, #tpu.memory_space<hbm>>
      tpu.wait_dma2 semaphore(%run_scoped3A : memref<!tpu.dma_semaphore, #tpu.memory_space<semaphore_mem>>) src(%dma_wait3A_10 : memref<5376xf32, #tpu.memory_space<hbm>>) dst(%arg8 : memref<5376xf32, #tpu.memory_space<vmem>>)
      tpu.yield
    }) : () -> ()
    "tpu.region"() ({
      %run_scoped3A = tpu.sem_alloc : memref<!tpu.dma_semaphore, #tpu.memory_space<semaphore_mem>>
      %dma_start3A = tpu.memref_slice %arg4[%mul3A_2] : memref<172032xf32, #tpu.memory_space<hbm>> -> memref<5376xf32, #tpu.memory_space<hbm>>
      %dma_start3A_9 = tpu.memref_slice %arg4[%mul3A_2] : memref<172032xf32, #tpu.memory_space<hbm>> -> memref<5376xf32, #tpu.memory_space<hbm>>
      tpu.enqueue_dma source(%dma_start3A_9 : memref<5376xf32, #tpu.memory_space<hbm>>) target(%arg9 : memref<5376xf32, #tpu.memory_space<vmem>>) target_semaphore(%run_scoped3A : memref<!tpu.dma_semaphore, #tpu.memory_space<semaphore_mem>>)
      %dma_wait3A = tpu.memref_slice %arg4[%mul3A_2] : memref<172032xf32, #tpu.memory_space<hbm>> -> memref<5376xf32, #tpu.memory_space<hbm>>
      %dma_wait3A_10 = tpu.memref_slice %arg4[%mul3A_2] : memref<172032xf32, #tpu.memory_space<hbm>> -> memref<5376xf32, #tpu.memory_space<hbm>>
      tpu.wait_dma2 semaphore(%run_scoped3A : memref<!tpu.dma_semaphore, #tpu.memory_space<semaphore_mem>>) src(%dma_wait3A_10 : memref<5376xf32, #tpu.memory_space<hbm>>) dst(%arg9 : memref<5376xf32, #tpu.memory_space<vmem>>)
      tpu.yield
    }) : () -> ()
    "tpu.region"() ({
      %run_scoped3A = tpu.sem_alloc : memref<!tpu.dma_semaphore, #tpu.memory_space<semaphore_mem>>
      %dma_start3A = tpu.memref_slice %arg5[%mul3A_2] : memref<172032xi32, #tpu.memory_space<hbm>> -> memref<5376xi32, #tpu.memory_space<hbm>>
      %dma_start3A_9 = tpu.memref_slice %arg5[%mul3A_2] : memref<172032xi32, #tpu.memory_space<hbm>> -> memref<5376xi32, #tpu.memory_space<hbm>>
      tpu.enqueue_dma source(%dma_start3A_9 : memref<5376xi32, #tpu.memory_space<hbm>>) target(%arg10 : memref<5376xi32, #tpu.memory_space<vmem>>) target_semaphore(%run_scoped3A : memref<!tpu.dma_semaphore, #tpu.memory_space<semaphore_mem>>)
      %dma_wait3A = tpu.memref_slice %arg5[%mul3A_2] : memref<172032xi32, #tpu.memory_space<hbm>> -> memref<5376xi32, #tpu.memory_space<hbm>>
      %dma_wait3A_10 = tpu.memref_slice %arg5[%mul3A_2] : memref<172032xi32, #tpu.memory_space<hbm>> -> memref<5376xi32, #tpu.memory_space<hbm>>
      tpu.wait_dma2 semaphore(%run_scoped3A : memref<!tpu.dma_semaphore, #tpu.memory_space<semaphore_mem>>) src(%dma_wait3A_10 : memref<5376xi32, #tpu.memory_space<hbm>>) dst(%arg10 : memref<5376xi32, #tpu.memory_space<vmem>>)
      tpu.yield
    }) : () -> ()
    %scan3A = arith.constant 0 : i32
    %scan3A_3 = arith.constant 0 : i32
    %scan3A_4 = arith.constant 336 : i32
    %scan3A_5 = arith.addi %scan3A_3, %scan3A_4 : i32
    %scan3A_6 = arith.constant 1 : i32
    %scan3A_7 = scf.for %scan3A_9 = %scan3A_3 to %scan3A_5 step %scan3A_6 iter_args(%scan3A_10 = %scan3A) -> (i32)  : i32 {
      %mul3A_11 = arith.constant 16 : i32
      %mul3A_12 = arith.muli %scan3A_9, %mul3A_11 : i32
      %multiple_of3A = tpu.assume_multiple %mul3A_12, 16 : i32
      %get3A = arith.index_cast %multiple_of3A : i32 to index
      %get3A_13 = tpu.vector_load %arg10[%get3A] {strides = array<i32>} : memref<5376xi32, #tpu.memory_space<vmem>>, vector<16xi32>,
      %gather3A = tpu.vector_load_idx %arg7[%get3A_13] : memref<10496xf32, #tpu.memory_space<vmem>>[vector<16xi32>], vector<16xf32>,
      %get3A_14 = arith.index_cast %multiple_of3A : i32 to index
      %get3A_15 = tpu.vector_load %arg8[%get3A_14] {strides = array<i32>} : memref<5376xf32, #tpu.memory_space<vmem>>, vector<16xf32>,
      %div3A = arith.divf %get3A_15, %gather3A : vector<16xf32>
      %get3A_16 = arith.index_cast %multiple_of3A : i32 to index
      %get3A_17 = tpu.vector_load %arg9[%get3A_16] {strides = array<i32>} : memref<5376xf32, #tpu.memory_space<vmem>>, vector<16xf32>,
      %mul3A_18 = arith.mulf %get3A_17, %div3A : vector<16xf32>
      %swap3A = arith.index_cast %multiple_of3A : i32 to index
      %swap3A_19 = tpu.vector_load %arg11[%swap3A] {strides = array<i32>} : memref<5376xf32, #tpu.memory_space<vmem>>, vector<16xf32>,
      tpu.vector_store %arg11[%swap3A], %mul3A_18 {strides = array<i32>} : memref<5376xf32, #tpu.memory_space<vmem>>, vector<16xf32>,
      %scan3A_20 = arith.constant 0 : i32
      scf.yield %scan3A_20 : i32
    }
    %scan3A_8 = arith.constant 336 : i32
    "tpu.region"() ({
      %run_scoped3A = tpu.sem_alloc : memref<!tpu.dma_semaphore, #tpu.memory_space<semaphore_mem>>
      %dma_start3A = tpu.memref_slice %arg6[%mul3A_2] : memref<172032xf32, #tpu.memory_space<hbm>> -> memref<5376xf32, #tpu.memory_space<hbm>>
      %dma_start3A_9 = tpu.memref_slice %arg6[%mul3A_2] : memref<172032xf32, #tpu.memory_space<hbm>> -> memref<5376xf32, #tpu.memory_space<hbm>>
      tpu.enqueue_dma source(%arg11 : memref<5376xf32, #tpu.memory_space<vmem>>) target(%dma_start3A_9 : memref<5376xf32, #tpu.memory_space<hbm>>) target_semaphore(%run_scoped3A : memref<!tpu.dma_semaphore, #tpu.memory_space<semaphore_mem>>)
      %dma_wait3A = tpu.memref_slice %arg6[%mul3A_2] : memref<172032xf32, #tpu.memory_space<hbm>> -> memref<5376xf32, #tpu.memory_space<hbm>>
      %dma_wait3A_10 = tpu.memref_slice %arg6[%mul3A_2] : memref<172032xf32, #tpu.memory_space<hbm>> -> memref<5376xf32, #tpu.memory_space<hbm>>
      tpu.wait_dma2 semaphore(%run_scoped3A : memref<!tpu.dma_semaphore, #tpu.memory_space<semaphore_mem>>) src(%arg11 : memref<5376xf32, #tpu.memory_space<vmem>>) dst(%dma_wait3A_10 : memref<5376xf32, #tpu.memory_space<hbm>>)
      tpu.yield
    }) : () -> ()
    return
  }
}

#map = affine_map<(d0, d1) -> (0)>
#map1 = affine_map<(d0, d1) -> (0, 0)>
module attributes {stable_mosaic.version = 14 : i64} {
  func.func @_k6(%arg0: i32, %arg1: i32, %arg2: memref<10240xi32, #tpu.memory_space<hbm>>, %arg3: memref<10000x256xf32, #tpu.memory_space<hbm>>, %arg4: memref<10000x256xf32, #tpu.memory_space<hbm>>, %arg5: memref<10000xi32, #tpu.memory_space<hbm>>, %arg6: memref<80xi32, #tpu.memory_space<vmem>>, %arg7: memref<80xi32, #tpu.memory_space<vmem>>, %arg8: memref<80xi32, #tpu.memory_space<vmem>>, %arg9: memref<80xi32, #tpu.memory_space<vmem>>, %arg10: memref<80x256xf32, #tpu.memory_space<vmem>>, %arg11: memref<80x256xf32, #tpu.memory_space<vmem>>, %arg12: memref<80x256xf32, #tpu.memory_space<vmem>>, %arg13: memref<80x256xf32, #tpu.memory_space<vmem>>, %arg14: memref<80xi32, #tpu.memory_space<vmem>>, %arg15: memref<!tpu.dma_semaphore, #tpu.memory_space<semaphore_mem>>, %arg16: memref<!tpu.dma_semaphore, #tpu.memory_space<semaphore_mem>>) attributes {dimension_semantics = [#tpu.dimension_semantics<core_parallel>, #tpu.dimension_semantics<subcore_parallel>], iteration_bounds = array<i64: 2, 16>, scalar_prefetch = 0 : i64, scratch_operands = 11 : i64, tpu.core_type = #tpu.core_type<sc_vector_subcore>, window_params = [{transform_indices = #map}, {transform_indices = #map1}, {transform_indices = #map1}, {transform_indices = #map}]} {
    %mul3A = arith.constant 2 : i32
    %mul3A_0 = arith.muli %arg1, %mul3A : i32
    %add3A = arith.addi %mul3A_0, %arg0 : i32
    %add3A_1 = arith.constant 0 : i32
    %add3A_2 = arith.addi %add3A, %add3A_1 : i32
    %lt3A = arith.constant 125 : i32
    %lt3A_3 = arith.cmpi slt, %add3A_2, %lt3A : i32
    %convert_element_type3A = arith.extui %lt3A_3 : i1 to i32
    %cond3A = arith.constant 0 : i32
    %cond3A_4 = arith.cmpi ne, %convert_element_type3A, %cond3A : i32
    scf.if %cond3A_4 {
      %mul3A_54 = arith.constant 80 : i32
      %mul3A_55 = arith.muli %add3A_2, %mul3A_54 : i32
      "tpu.region"() ({
        %run_scoped3A = tpu.sem_alloc : memref<!tpu.dma_semaphore, #tpu.memory_space<semaphore_mem>>
        %dma_start3A_59 = tpu.memref_slice %arg2[%mul3A_55] : memref<10240xi32, #tpu.memory_space<hbm>> -> memref<80xi32, #tpu.memory_space<hbm>>
        %dma_start3A_60 = tpu.memref_slice %arg2[%mul3A_55] : memref<10240xi32, #tpu.memory_space<hbm>> -> memref<80xi32, #tpu.memory_space<hbm>>
        tpu.enqueue_dma source(%dma_start3A_60 : memref<80xi32, #tpu.memory_space<hbm>>) target(%arg6 : memref<80xi32, #tpu.memory_space<vmem>>) target_semaphore(%run_scoped3A : memref<!tpu.dma_semaphore, #tpu.memory_space<semaphore_mem>>)
        %dma_wait3A = tpu.memref_slice %arg2[%mul3A_55] : memref<10240xi32, #tpu.memory_space<hbm>> -> memref<80xi32, #tpu.memory_space<hbm>>
        %dma_wait3A_61 = tpu.memref_slice %arg2[%mul3A_55] : memref<10240xi32, #tpu.memory_space<hbm>> -> memref<80xi32, #tpu.memory_space<hbm>>
        tpu.wait_dma2 semaphore(%run_scoped3A : memref<!tpu.dma_semaphore, #tpu.memory_space<semaphore_mem>>) src(%dma_wait3A_61 : memref<80xi32, #tpu.memory_space<hbm>>) dst(%arg6 : memref<80xi32, #tpu.memory_space<vmem>>)
        tpu.yield
      }) : () -> ()
      %dma_start3A = arith.constant 0 : i32
      %dma_start3A_56 = tpu.memref_slice %arg3[%mul3A_55, %dma_start3A] : memref<10000x256xf32, #tpu.memory_space<hbm>> -> memref<80x256xf32, #tpu.memory_space<hbm>>
      %dma_start3A_57 = arith.constant 0 : i32
      %dma_start3A_58 = tpu.memref_slice %arg3[%mul3A_55, %dma_start3A_57] : memref<10000x256xf32, #tpu.memory_space<hbm>> -> memref<80x256xf32, #tpu.memory_space<hbm>>
      tpu.enqueue_dma source(%dma_start3A_58 : memref<80x256xf32, #tpu.memory_space<hbm>>) target(%arg10 : memref<80x256xf32, #tpu.memory_space<vmem>>) target_semaphore(%arg15 : memref<!tpu.dma_semaphore, #tpu.memory_space<semaphore_mem>>)
    } else {
    }
    %add3A_5 = arith.constant 32 : i32
    %add3A_6 = arith.addi %add3A, %add3A_5 : i32
    %lt3A_7 = arith.constant 125 : i32
    %lt3A_8 = arith.cmpi slt, %add3A_6, %lt3A_7 : i32
    %convert_element_type3A_9 = arith.extui %lt3A_8 : i1 to i32
    %cond3A_10 = arith.constant 0 : i32
    %cond3A_11 = arith.cmpi ne, %convert_element_type3A_9, %cond3A_10 : i32
    scf.if %cond3A_11 {
      %mul3A_54 = arith.constant 80 : i32
      %mul3A_55 = arith.muli %add3A_6, %mul3A_54 : i32
      "tpu.region"() ({
        %run_scoped3A = tpu.sem_alloc : memref<!tpu.dma_semaphore, #tpu.memory_space<semaphore_mem>>
        %dma_start3A_59 = tpu.memref_slice %arg2[%mul3A_55] : memref<10240xi32, #tpu.memory_space<hbm>> -> memref<80xi32, #tpu.memory_space<hbm>>
        %dma_start3A_60 = tpu.memref_slice %arg2[%mul3A_55] : memref<10240xi32, #tpu.memory_space<hbm>> -> memref<80xi32, #tpu.memory_space<hbm>>
        tpu.enqueue_dma source(%dma_start3A_60 : memref<80xi32, #tpu.memory_space<hbm>>) target(%arg7 : memref<80xi32, #tpu.memory_space<vmem>>) target_semaphore(%run_scoped3A : memref<!tpu.dma_semaphore, #tpu.memory_space<semaphore_mem>>)
        %dma_wait3A = tpu.memref_slice %arg2[%mul3A_55] : memref<10240xi32, #tpu.memory_space<hbm>> -> memref<80xi32, #tpu.memory_space<hbm>>
        %dma_wait3A_61 = tpu.memref_slice %arg2[%mul3A_55] : memref<10240xi32, #tpu.memory_space<hbm>> -> memref<80xi32, #tpu.memory_space<hbm>>
        tpu.wait_dma2 semaphore(%run_scoped3A : memref<!tpu.dma_semaphore, #tpu.memory_space<semaphore_mem>>) src(%dma_wait3A_61 : memref<80xi32, #tpu.memory_space<hbm>>) dst(%arg7 : memref<80xi32, #tpu.memory_space<vmem>>)
        tpu.yield
      }) : () -> ()
      %dma_start3A = arith.constant 0 : i32
      %dma_start3A_56 = tpu.memref_slice %arg3[%mul3A_55, %dma_start3A] : memref<10000x256xf32, #tpu.memory_space<hbm>> -> memref<80x256xf32, #tpu.memory_space<hbm>>
      %dma_start3A_57 = arith.constant 0 : i32
      %dma_start3A_58 = tpu.memref_slice %arg3[%mul3A_55, %dma_start3A_57] : memref<10000x256xf32, #tpu.memory_space<hbm>> -> memref<80x256xf32, #tpu.memory_space<hbm>>
      tpu.enqueue_dma source(%dma_start3A_58 : memref<80x256xf32, #tpu.memory_space<hbm>>) target(%arg11 : memref<80x256xf32, #tpu.memory_space<vmem>>) target_semaphore(%arg15 : memref<!tpu.dma_semaphore, #tpu.memory_space<semaphore_mem>>)
    } else {
    }
    %add3A_12 = arith.constant 64 : i32
    %add3A_13 = arith.addi %add3A, %add3A_12 : i32
    %lt3A_14 = arith.constant 125 : i32
    %lt3A_15 = arith.cmpi slt, %add3A_13, %lt3A_14 : i32
    %convert_element_type3A_16 = arith.extui %lt3A_15 : i1 to i32
    %cond3A_17 = arith.constant 0 : i32
    %cond3A_18 = arith.cmpi ne, %convert_element_type3A_16, %cond3A_17 : i32
    scf.if %cond3A_18 {
      %mul3A_54 = arith.constant 80 : i32
      %mul3A_55 = arith.muli %add3A_13, %mul3A_54 : i32
      "tpu.region"() ({
        %run_scoped3A = tpu.sem_alloc : memref<!tpu.dma_semaphore, #tpu.memory_space<semaphore_mem>>
        %dma_start3A_59 = tpu.memref_slice %arg2[%mul3A_55] : memref<10240xi32, #tpu.memory_space<hbm>> -> memref<80xi32, #tpu.memory_space<hbm>>
        %dma_start3A_60 = tpu.memref_slice %arg2[%mul3A_55] : memref<10240xi32, #tpu.memory_space<hbm>> -> memref<80xi32, #tpu.memory_space<hbm>>
        tpu.enqueue_dma source(%dma_start3A_60 : memref<80xi32, #tpu.memory_space<hbm>>) target(%arg8 : memref<80xi32, #tpu.memory_space<vmem>>) target_semaphore(%run_scoped3A : memref<!tpu.dma_semaphore, #tpu.memory_space<semaphore_mem>>)
        %dma_wait3A = tpu.memref_slice %arg2[%mul3A_55] : memref<10240xi32, #tpu.memory_space<hbm>> -> memref<80xi32, #tpu.memory_space<hbm>>
        %dma_wait3A_61 = tpu.memref_slice %arg2[%mul3A_55] : memref<10240xi32, #tpu.memory_space<hbm>> -> memref<80xi32, #tpu.memory_space<hbm>>
        tpu.wait_dma2 semaphore(%run_scoped3A : memref<!tpu.dma_semaphore, #tpu.memory_space<semaphore_mem>>) src(%dma_wait3A_61 : memref<80xi32, #tpu.memory_space<hbm>>) dst(%arg8 : memref<80xi32, #tpu.memory_space<vmem>>)
        tpu.yield
      }) : () -> ()
      %dma_start3A = arith.constant 0 : i32
      %dma_start3A_56 = tpu.memref_slice %arg3[%mul3A_55, %dma_start3A] : memref<10000x256xf32, #tpu.memory_space<hbm>> -> memref<80x256xf32, #tpu.memory_space<hbm>>
      %dma_start3A_57 = arith.constant 0 : i32
      %dma_start3A_58 = tpu.memref_slice %arg3[%mul3A_55, %dma_start3A_57] : memref<10000x256xf32, #tpu.memory_space<hbm>> -> memref<80x256xf32, #tpu.memory_space<hbm>>
      tpu.enqueue_dma source(%dma_start3A_58 : memref<80x256xf32, #tpu.memory_space<hbm>>) target(%arg12 : memref<80x256xf32, #tpu.memory_space<vmem>>) target_semaphore(%arg15 : memref<!tpu.dma_semaphore, #tpu.memory_space<semaphore_mem>>)
    } else {
    }
    %add3A_19 = arith.constant 96 : i32
    %add3A_20 = arith.addi %add3A, %add3A_19 : i32
    %lt3A_21 = arith.constant 125 : i32
    %lt3A_22 = arith.cmpi slt, %add3A_20, %lt3A_21 : i32
    %convert_element_type3A_23 = arith.extui %lt3A_22 : i1 to i32
    %cond3A_24 = arith.constant 0 : i32
    %cond3A_25 = arith.cmpi ne, %convert_element_type3A_23, %cond3A_24 : i32
    scf.if %cond3A_25 {
      %mul3A_54 = arith.constant 80 : i32
      %mul3A_55 = arith.muli %add3A_20, %mul3A_54 : i32
      "tpu.region"() ({
        %run_scoped3A = tpu.sem_alloc : memref<!tpu.dma_semaphore, #tpu.memory_space<semaphore_mem>>
        %dma_start3A_59 = tpu.memref_slice %arg2[%mul3A_55] : memref<10240xi32, #tpu.memory_space<hbm>> -> memref<80xi32, #tpu.memory_space<hbm>>
        %dma_start3A_60 = tpu.memref_slice %arg2[%mul3A_55] : memref<10240xi32, #tpu.memory_space<hbm>> -> memref<80xi32, #tpu.memory_space<hbm>>
        tpu.enqueue_dma source(%dma_start3A_60 : memref<80xi32, #tpu.memory_space<hbm>>) target(%arg9 : memref<80xi32, #tpu.memory_space<vmem>>) target_semaphore(%run_scoped3A : memref<!tpu.dma_semaphore, #tpu.memory_space<semaphore_mem>>)
        %dma_wait3A = tpu.memref_slice %arg2[%mul3A_55] : memref<10240xi32, #tpu.memory_space<hbm>> -> memref<80xi32, #tpu.memory_space<hbm>>
        %dma_wait3A_61 = tpu.memref_slice %arg2[%mul3A_55] : memref<10240xi32, #tpu.memory_space<hbm>> -> memref<80xi32, #tpu.memory_space<hbm>>
        tpu.wait_dma2 semaphore(%run_scoped3A : memref<!tpu.dma_semaphore, #tpu.memory_space<semaphore_mem>>) src(%dma_wait3A_61 : memref<80xi32, #tpu.memory_space<hbm>>) dst(%arg9 : memref<80xi32, #tpu.memory_space<vmem>>)
        tpu.yield
      }) : () -> ()
      %dma_start3A = arith.constant 0 : i32
      %dma_start3A_56 = tpu.memref_slice %arg3[%mul3A_55, %dma_start3A] : memref<10000x256xf32, #tpu.memory_space<hbm>> -> memref<80x256xf32, #tpu.memory_space<hbm>>
      %dma_start3A_57 = arith.constant 0 : i32
      %dma_start3A_58 = tpu.memref_slice %arg3[%mul3A_55, %dma_start3A_57] : memref<10000x256xf32, #tpu.memory_space<hbm>> -> memref<80x256xf32, #tpu.memory_space<hbm>>
      tpu.enqueue_dma source(%dma_start3A_58 : memref<80x256xf32, #tpu.memory_space<hbm>>) target(%arg13 : memref<80x256xf32, #tpu.memory_space<vmem>>) target_semaphore(%arg15 : memref<!tpu.dma_semaphore, #tpu.memory_space<semaphore_mem>>)
    } else {
    }
    %add3A_26 = arith.constant 0 : i32
    %add3A_27 = arith.addi %add3A, %add3A_26 : i32
    %lt3A_28 = arith.constant 125 : i32
    %lt3A_29 = arith.cmpi slt, %add3A_27, %lt3A_28 : i32
    %convert_element_type3A_30 = arith.extui %lt3A_29 : i1 to i32
    %cond3A_31 = arith.constant 0 : i32
    %cond3A_32 = arith.cmpi ne, %convert_element_type3A_30, %cond3A_31 : i32
    scf.if %cond3A_32 {
      %mul3A_54 = arith.constant 80 : i32
      %mul3A_55 = arith.muli %add3A_27, %mul3A_54 : i32
      %dma_wait3A = arith.constant 0 : i32
      %dma_wait3A_56 = tpu.memref_slice %arg3[%mul3A_55, %dma_wait3A] : memref<10000x256xf32, #tpu.memory_space<hbm>> -> memref<80x256xf32, #tpu.memory_space<hbm>>
      %dma_wait3A_57 = arith.constant 0 : i32
      %dma_wait3A_58 = tpu.memref_slice %arg3[%mul3A_55, %dma_wait3A_57] : memref<10000x256xf32, #tpu.memory_space<hbm>> -> memref<80x256xf32, #tpu.memory_space<hbm>>
      tpu.wait_dma2 semaphore(%arg15 : memref<!tpu.dma_semaphore, #tpu.memory_space<semaphore_mem>>) src(%dma_wait3A_58 : memref<80x256xf32, #tpu.memory_space<hbm>>) dst(%arg10 : memref<80x256xf32, #tpu.memory_space<vmem>>)
      %dma_start3A = arith.constant 0 : i32
      %dma_start3A_59 = arith.constant 0 : i32
      %dma_start3A_60 = tpu.memref_slice %arg4[%dma_start3A, %dma_start3A_59] : memref<10000x256xf32, #tpu.memory_space<hbm>> -> memref<10000x256xf32, #tpu.memory_space<hbm>>
      tpu.enqueue_indirect_dma source(%arg10 : memref<80x256xf32, #tpu.memory_space<vmem>>) target(%dma_start3A_60 : memref<10000x256xf32, #tpu.memory_space<hbm>>) offsets(%arg6 : memref<80xi32, #tpu.memory_space<vmem>>) semaphore(%arg15 : memref<!tpu.dma_semaphore, #tpu.memory_space<semaphore_mem>>)
      %dma_wait3A_61 = arith.constant 0 : i32
      %dma_wait3A_62 = arith.constant 0 : i32
      %dma_wait3A_63 = tpu.memref_slice %arg4[%dma_wait3A_61, %dma_wait3A_62] : memref<10000x256xf32, #tpu.memory_space<hbm>> -> memref<10000x256xf32, #tpu.memory_space<hbm>>
      tpu.wait_indirect_dma semaphore(%arg15 : memref<!tpu.dma_semaphore, #tpu.memory_space<semaphore_mem>>) src(%arg10 : memref<80x256xf32, #tpu.memory_space<vmem>>) dst(%dma_wait3A_63 : memref<10000x256xf32, #tpu.memory_space<hbm>>)
      %scan3A = arith.constant 0 : i32
      %scan3A_64 = arith.constant 0 : i32
      %scan3A_65 = arith.constant 5 : i32
      %scan3A_66 = arith.addi %scan3A_64, %scan3A_65 : i32
      %scan3A_67 = arith.constant 1 : i32
      %scan3A_68 = scf.for %scan3A_74 = %scan3A_64 to %scan3A_66 step %scan3A_67 iter_args(%scan3A_75 = %scan3A) -> (i32)  : i32 {
        %mul3A_76 = arith.constant 16 : i32
        %mul3A_77 = arith.muli %scan3A_74, %mul3A_76 : i32
        %multiple_of3A = tpu.assume_multiple %mul3A_77, 16 : i32
        %iota3A = tpu.iota {dimensions = array<i32: 0>} : vector<16xi32>
        %mul3A_78 = arith.constant 16 : i32
        %mul3A_79 = arith.muli %scan3A_74, %mul3A_78 : i32
        %add3A_80 = arith.addi %mul3A_55, %mul3A_79 : i32
        %add3A_81 = vector.broadcast %add3A_80 : i32 to vector<16xi32>
        %add3A_82 = arith.addi %iota3A, %add3A_81 : vector<16xi32>
        %swap3A = arith.index_cast %multiple_of3A : i32 to index
        %swap3A_83 = tpu.vector_load %arg14[%swap3A] {strides = array<i32>} : memref<80xi32, #tpu.memory_space<vmem>>, vector<16xi32>,
        tpu.vector_store %arg14[%swap3A], %add3A_82 {strides = array<i32>} : memref<80xi32, #tpu.memory_space<vmem>>, vector<16xi32>,
        %scan3A_84 = arith.constant 0 : i32
        scf.yield %scan3A_84 : i32
      }
      %scan3A_69 = arith.constant 5 : i32
      %dma_start3A_70 = arith.constant 0 : i32
      %dma_start3A_71 = tpu.memref_slice %arg5[%dma_start3A_70] : memref<10000xi32, #tpu.memory_space<hbm>> -> memref<10000xi32, #tpu.memory_space<hbm>>
      tpu.enqueue_indirect_dma source(%arg14 : memref<80xi32, #tpu.memory_space<vmem>>) target(%dma_start3A_71 : memref<10000xi32, #tpu.memory_space<hbm>>) offsets(%arg6 : memref<80xi32, #tpu.memory_space<vmem>>) semaphore(%arg16 : memref<!tpu.dma_semaphore, #tpu.memory_space<semaphore_mem>>)
      %dma_wait3A_72 = arith.constant 0 : i32
      %dma_wait3A_73 = tpu.memref_slice %arg5[%dma_wait3A_72] : memref<10000xi32, #tpu.memory_space<hbm>> -> memref<10000xi32, #tpu.memory_space<hbm>>
      tpu.wait_indirect_dma semaphore(%arg16 : memref<!tpu.dma_semaphore, #tpu.memory_space<semaphore_mem>>) src(%arg14 : memref<80xi32, #tpu.memory_space<vmem>>) dst(%dma_wait3A_73 : memref<10000xi32, #tpu.memory_space<hbm>>)
    } else {
    }
    %add3A_33 = arith.constant 32 : i32
    %add3A_34 = arith.addi %add3A, %add3A_33 : i32
    %lt3A_35 = arith.constant 125 : i32
    %lt3A_36 = arith.cmpi slt, %add3A_34, %lt3A_35 : i32
    %convert_element_type3A_37 = arith.extui %lt3A_36 : i1 to i32
    %cond3A_38 = arith.constant 0 : i32
    %cond3A_39 = arith.cmpi ne, %convert_element_type3A_37, %cond3A_38 : i32
    scf.if %cond3A_39 {
      %mul3A_54 = arith.constant 80 : i32
      %mul3A_55 = arith.muli %add3A_34, %mul3A_54 : i32
      %dma_wait3A = arith.constant 0 : i32
      %dma_wait3A_56 = tpu.memref_slice %arg3[%mul3A_55, %dma_wait3A] : memref<10000x256xf32, #tpu.memory_space<hbm>> -> memref<80x256xf32, #tpu.memory_space<hbm>>
      %dma_wait3A_57 = arith.constant 0 : i32
      %dma_wait3A_58 = tpu.memref_slice %arg3[%mul3A_55, %dma_wait3A_57] : memref<10000x256xf32, #tpu.memory_space<hbm>> -> memref<80x256xf32, #tpu.memory_space<hbm>>
      tpu.wait_dma2 semaphore(%arg15 : memref<!tpu.dma_semaphore, #tpu.memory_space<semaphore_mem>>) src(%dma_wait3A_58 : memref<80x256xf32, #tpu.memory_space<hbm>>) dst(%arg11 : memref<80x256xf32, #tpu.memory_space<vmem>>)
      %dma_start3A = arith.constant 0 : i32
      %dma_start3A_59 = arith.constant 0 : i32
      %dma_start3A_60 = tpu.memref_slice %arg4[%dma_start3A, %dma_start3A_59] : memref<10000x256xf32, #tpu.memory_space<hbm>> -> memref<10000x256xf32, #tpu.memory_space<hbm>>
      tpu.enqueue_indirect_dma source(%arg11 : memref<80x256xf32, #tpu.memory_space<vmem>>) target(%dma_start3A_60 : memref<10000x256xf32, #tpu.memory_space<hbm>>) offsets(%arg7 : memref<80xi32, #tpu.memory_space<vmem>>) semaphore(%arg15 : memref<!tpu.dma_semaphore, #tpu.memory_space<semaphore_mem>>)
      %dma_wait3A_61 = arith.constant 0 : i32
      %dma_wait3A_62 = arith.constant 0 : i32
      %dma_wait3A_63 = tpu.memref_slice %arg4[%dma_wait3A_61, %dma_wait3A_62] : memref<10000x256xf32, #tpu.memory_space<hbm>> -> memref<10000x256xf32, #tpu.memory_space<hbm>>
      tpu.wait_indirect_dma semaphore(%arg15 : memref<!tpu.dma_semaphore, #tpu.memory_space<semaphore_mem>>) src(%arg11 : memref<80x256xf32, #tpu.memory_space<vmem>>) dst(%dma_wait3A_63 : memref<10000x256xf32, #tpu.memory_space<hbm>>)
      %scan3A = arith.constant 0 : i32
      %scan3A_64 = arith.constant 0 : i32
      %scan3A_65 = arith.constant 5 : i32
      %scan3A_66 = arith.addi %scan3A_64, %scan3A_65 : i32
      %scan3A_67 = arith.constant 1 : i32
      %scan3A_68 = scf.for %scan3A_74 = %scan3A_64 to %scan3A_66 step %scan3A_67 iter_args(%scan3A_75 = %scan3A) -> (i32)  : i32 {
        %mul3A_76 = arith.constant 16 : i32
        %mul3A_77 = arith.muli %scan3A_74, %mul3A_76 : i32
        %multiple_of3A = tpu.assume_multiple %mul3A_77, 16 : i32
        %iota3A = tpu.iota {dimensions = array<i32: 0>} : vector<16xi32>
        %mul3A_78 = arith.constant 16 : i32
        %mul3A_79 = arith.muli %scan3A_74, %mul3A_78 : i32
        %add3A_80 = arith.addi %mul3A_55, %mul3A_79 : i32
        %add3A_81 = vector.broadcast %add3A_80 : i32 to vector<16xi32>
        %add3A_82 = arith.addi %iota3A, %add3A_81 : vector<16xi32>
        %swap3A = arith.index_cast %multiple_of3A : i32 to index
        %swap3A_83 = tpu.vector_load %arg14[%swap3A] {strides = array<i32>} : memref<80xi32, #tpu.memory_space<vmem>>, vector<16xi32>,
        tpu.vector_store %arg14[%swap3A], %add3A_82 {strides = array<i32>} : memref<80xi32, #tpu.memory_space<vmem>>, vector<16xi32>,
        %scan3A_84 = arith.constant 0 : i32
        scf.yield %scan3A_84 : i32
      }
      %scan3A_69 = arith.constant 5 : i32
      %dma_start3A_70 = arith.constant 0 : i32
      %dma_start3A_71 = tpu.memref_slice %arg5[%dma_start3A_70] : memref<10000xi32, #tpu.memory_space<hbm>> -> memref<10000xi32, #tpu.memory_space<hbm>>
      tpu.enqueue_indirect_dma source(%arg14 : memref<80xi32, #tpu.memory_space<vmem>>) target(%dma_start3A_71 : memref<10000xi32, #tpu.memory_space<hbm>>) offsets(%arg7 : memref<80xi32, #tpu.memory_space<vmem>>) semaphore(%arg16 : memref<!tpu.dma_semaphore, #tpu.memory_space<semaphore_mem>>)
      %dma_wait3A_72 = arith.constant 0 : i32
      %dma_wait3A_73 = tpu.memref_slice %arg5[%dma_wait3A_72] : memref<10000xi32, #tpu.memory_space<hbm>> -> memref<10000xi32, #tpu.memory_space<hbm>>
      tpu.wait_indirect_dma semaphore(%arg16 : memref<!tpu.dma_semaphore, #tpu.memory_space<semaphore_mem>>) src(%arg14 : memref<80xi32, #tpu.memory_space<vmem>>) dst(%dma_wait3A_73 : memref<10000xi32, #tpu.memory_space<hbm>>)
    } else {
    }
    %add3A_40 = arith.constant 64 : i32
    %add3A_41 = arith.addi %add3A, %add3A_40 : i32
    %lt3A_42 = arith.constant 125 : i32
    %lt3A_43 = arith.cmpi slt, %add3A_41, %lt3A_42 : i32
    %convert_element_type3A_44 = arith.extui %lt3A_43 : i1 to i32
    %cond3A_45 = arith.constant 0 : i32
    %cond3A_46 = arith.cmpi ne, %convert_element_type3A_44, %cond3A_45 : i32
    scf.if %cond3A_46 {
      %mul3A_54 = arith.constant 80 : i32
      %mul3A_55 = arith.muli %add3A_41, %mul3A_54 : i32
      %dma_wait3A = arith.constant 0 : i32
      %dma_wait3A_56 = tpu.memref_slice %arg3[%mul3A_55, %dma_wait3A] : memref<10000x256xf32, #tpu.memory_space<hbm>> -> memref<80x256xf32, #tpu.memory_space<hbm>>
      %dma_wait3A_57 = arith.constant 0 : i32
      %dma_wait3A_58 = tpu.memref_slice %arg3[%mul3A_55, %dma_wait3A_57] : memref<10000x256xf32, #tpu.memory_space<hbm>> -> memref<80x256xf32, #tpu.memory_space<hbm>>
      tpu.wait_dma2 semaphore(%arg15 : memref<!tpu.dma_semaphore, #tpu.memory_space<semaphore_mem>>) src(%dma_wait3A_58 : memref<80x256xf32, #tpu.memory_space<hbm>>) dst(%arg12 : memref<80x256xf32, #tpu.memory_space<vmem>>)
      %dma_start3A = arith.constant 0 : i32
      %dma_start3A_59 = arith.constant 0 : i32
      %dma_start3A_60 = tpu.memref_slice %arg4[%dma_start3A, %dma_start3A_59] : memref<10000x256xf32, #tpu.memory_space<hbm>> -> memref<10000x256xf32, #tpu.memory_space<hbm>>
      tpu.enqueue_indirect_dma source(%arg12 : memref<80x256xf32, #tpu.memory_space<vmem>>) target(%dma_start3A_60 : memref<10000x256xf32, #tpu.memory_space<hbm>>) offsets(%arg8 : memref<80xi32, #tpu.memory_space<vmem>>) semaphore(%arg15 : memref<!tpu.dma_semaphore, #tpu.memory_space<semaphore_mem>>)
      %dma_wait3A_61 = arith.constant 0 : i32
      %dma_wait3A_62 = arith.constant 0 : i32
      %dma_wait3A_63 = tpu.memref_slice %arg4[%dma_wait3A_61, %dma_wait3A_62] : memref<10000x256xf32, #tpu.memory_space<hbm>> -> memref<10000x256xf32, #tpu.memory_space<hbm>>
      tpu.wait_indirect_dma semaphore(%arg15 : memref<!tpu.dma_semaphore, #tpu.memory_space<semaphore_mem>>) src(%arg12 : memref<80x256xf32, #tpu.memory_space<vmem>>) dst(%dma_wait3A_63 : memref<10000x256xf32, #tpu.memory_space<hbm>>)
      %scan3A = arith.constant 0 : i32
      %scan3A_64 = arith.constant 0 : i32
      %scan3A_65 = arith.constant 5 : i32
      %scan3A_66 = arith.addi %scan3A_64, %scan3A_65 : i32
      %scan3A_67 = arith.constant 1 : i32
      %scan3A_68 = scf.for %scan3A_74 = %scan3A_64 to %scan3A_66 step %scan3A_67 iter_args(%scan3A_75 = %scan3A) -> (i32)  : i32 {
        %mul3A_76 = arith.constant 16 : i32
        %mul3A_77 = arith.muli %scan3A_74, %mul3A_76 : i32
        %multiple_of3A = tpu.assume_multiple %mul3A_77, 16 : i32
        %iota3A = tpu.iota {dimensions = array<i32: 0>} : vector<16xi32>
        %mul3A_78 = arith.constant 16 : i32
        %mul3A_79 = arith.muli %scan3A_74, %mul3A_78 : i32
        %add3A_80 = arith.addi %mul3A_55, %mul3A_79 : i32
        %add3A_81 = vector.broadcast %add3A_80 : i32 to vector<16xi32>
        %add3A_82 = arith.addi %iota3A, %add3A_81 : vector<16xi32>
        %swap3A = arith.index_cast %multiple_of3A : i32 to index
        %swap3A_83 = tpu.vector_load %arg14[%swap3A] {strides = array<i32>} : memref<80xi32, #tpu.memory_space<vmem>>, vector<16xi32>,
        tpu.vector_store %arg14[%swap3A], %add3A_82 {strides = array<i32>} : memref<80xi32, #tpu.memory_space<vmem>>, vector<16xi32>,
        %scan3A_84 = arith.constant 0 : i32
        scf.yield %scan3A_84 : i32
      }
      %scan3A_69 = arith.constant 5 : i32
      %dma_start3A_70 = arith.constant 0 : i32
      %dma_start3A_71 = tpu.memref_slice %arg5[%dma_start3A_70] : memref<10000xi32, #tpu.memory_space<hbm>> -> memref<10000xi32, #tpu.memory_space<hbm>>
      tpu.enqueue_indirect_dma source(%arg14 : memref<80xi32, #tpu.memory_space<vmem>>) target(%dma_start3A_71 : memref<10000xi32, #tpu.memory_space<hbm>>) offsets(%arg8 : memref<80xi32, #tpu.memory_space<vmem>>) semaphore(%arg16 : memref<!tpu.dma_semaphore, #tpu.memory_space<semaphore_mem>>)
      %dma_wait3A_72 = arith.constant 0 : i32
      %dma_wait3A_73 = tpu.memref_slice %arg5[%dma_wait3A_72] : memref<10000xi32, #tpu.memory_space<hbm>> -> memref<10000xi32, #tpu.memory_space<hbm>>
      tpu.wait_indirect_dma semaphore(%arg16 : memref<!tpu.dma_semaphore, #tpu.memory_space<semaphore_mem>>) src(%arg14 : memref<80xi32, #tpu.memory_space<vmem>>) dst(%dma_wait3A_73 : memref<10000xi32, #tpu.memory_space<hbm>>)
    } else {
    }
    %add3A_47 = arith.constant 96 : i32
    %add3A_48 = arith.addi %add3A, %add3A_47 : i32
    %lt3A_49 = arith.constant 125 : i32
    %lt3A_50 = arith.cmpi slt, %add3A_48, %lt3A_49 : i32
    %convert_element_type3A_51 = arith.extui %lt3A_50 : i1 to i32
    %cond3A_52 = arith.constant 0 : i32
    %cond3A_53 = arith.cmpi ne, %convert_element_type3A_51, %cond3A_52 : i32
    scf.if %cond3A_53 {
      %mul3A_54 = arith.constant 80 : i32
      %mul3A_55 = arith.muli %add3A_48, %mul3A_54 : i32
      %dma_wait3A = arith.constant 0 : i32
      %dma_wait3A_56 = tpu.memref_slice %arg3[%mul3A_55, %dma_wait3A] : memref<10000x256xf32, #tpu.memory_space<hbm>> -> memref<80x256xf32, #tpu.memory_space<hbm>>
      %dma_wait3A_57 = arith.constant 0 : i32
      %dma_wait3A_58 = tpu.memref_slice %arg3[%mul3A_55, %dma_wait3A_57] : memref<10000x256xf32, #tpu.memory_space<hbm>> -> memref<80x256xf32, #tpu.memory_space<hbm>>
      tpu.wait_dma2 semaphore(%arg15 : memref<!tpu.dma_semaphore, #tpu.memory_space<semaphore_mem>>) src(%dma_wait3A_58 : memref<80x256xf32, #tpu.memory_space<hbm>>) dst(%arg13 : memref<80x256xf32, #tpu.memory_space<vmem>>)
      %dma_start3A = arith.constant 0 : i32
      %dma_start3A_59 = arith.constant 0 : i32
      %dma_start3A_60 = tpu.memref_slice %arg4[%dma_start3A, %dma_start3A_59] : memref<10000x256xf32, #tpu.memory_space<hbm>> -> memref<10000x256xf32, #tpu.memory_space<hbm>>
      tpu.enqueue_indirect_dma source(%arg13 : memref<80x256xf32, #tpu.memory_space<vmem>>) target(%dma_start3A_60 : memref<10000x256xf32, #tpu.memory_space<hbm>>) offsets(%arg9 : memref<80xi32, #tpu.memory_space<vmem>>) semaphore(%arg15 : memref<!tpu.dma_semaphore, #tpu.memory_space<semaphore_mem>>)
      %dma_wait3A_61 = arith.constant 0 : i32
      %dma_wait3A_62 = arith.constant 0 : i32
      %dma_wait3A_63 = tpu.memref_slice %arg4[%dma_wait3A_61, %dma_wait3A_62] : memref<10000x256xf32, #tpu.memory_space<hbm>> -> memref<10000x256xf32, #tpu.memory_space<hbm>>
      tpu.wait_indirect_dma semaphore(%arg15 : memref<!tpu.dma_semaphore, #tpu.memory_space<semaphore_mem>>) src(%arg13 : memref<80x256xf32, #tpu.memory_space<vmem>>) dst(%dma_wait3A_63 : memref<10000x256xf32, #tpu.memory_space<hbm>>)
      %scan3A = arith.constant 0 : i32
      %scan3A_64 = arith.constant 0 : i32
      %scan3A_65 = arith.constant 5 : i32
      %scan3A_66 = arith.addi %scan3A_64, %scan3A_65 : i32
      %scan3A_67 = arith.constant 1 : i32
      %scan3A_68 = scf.for %scan3A_74 = %scan3A_64 to %scan3A_66 step %scan3A_67 iter_args(%scan3A_75 = %scan3A) -> (i32)  : i32 {
        %mul3A_76 = arith.constant 16 : i32
        %mul3A_77 = arith.muli %scan3A_74, %mul3A_76 : i32
        %multiple_of3A = tpu.assume_multiple %mul3A_77, 16 : i32
        %iota3A = tpu.iota {dimensions = array<i32: 0>} : vector<16xi32>
        %mul3A_78 = arith.constant 16 : i32
        %mul3A_79 = arith.muli %scan3A_74, %mul3A_78 : i32
        %add3A_80 = arith.addi %mul3A_55, %mul3A_79 : i32
        %add3A_81 = vector.broadcast %add3A_80 : i32 to vector<16xi32>
        %add3A_82 = arith.addi %iota3A, %add3A_81 : vector<16xi32>
        %swap3A = arith.index_cast %multiple_of3A : i32 to index
        %swap3A_83 = tpu.vector_load %arg14[%swap3A] {strides = array<i32>} : memref<80xi32, #tpu.memory_space<vmem>>, vector<16xi32>,
        tpu.vector_store %arg14[%swap3A], %add3A_82 {strides = array<i32>} : memref<80xi32, #tpu.memory_space<vmem>>, vector<16xi32>,
        %scan3A_84 = arith.constant 0 : i32
        scf.yield %scan3A_84 : i32
      }
      %scan3A_69 = arith.constant 5 : i32
      %dma_start3A_70 = arith.constant 0 : i32
      %dma_start3A_71 = tpu.memref_slice %arg5[%dma_start3A_70] : memref<10000xi32, #tpu.memory_space<hbm>> -> memref<10000xi32, #tpu.memory_space<hbm>>
      tpu.enqueue_indirect_dma source(%arg14 : memref<80xi32, #tpu.memory_space<vmem>>) target(%dma_start3A_71 : memref<10000xi32, #tpu.memory_space<hbm>>) offsets(%arg9 : memref<80xi32, #tpu.memory_space<vmem>>) semaphore(%arg16 : memref<!tpu.dma_semaphore, #tpu.memory_space<semaphore_mem>>)
      %dma_wait3A_72 = arith.constant 0 : i32
      %dma_wait3A_73 = tpu.memref_slice %arg5[%dma_wait3A_72] : memref<10000xi32, #tpu.memory_space<hbm>> -> memref<10000xi32, #tpu.memory_space<hbm>>
      tpu.wait_indirect_dma semaphore(%arg16 : memref<!tpu.dma_semaphore, #tpu.memory_space<semaphore_mem>>) src(%arg14 : memref<80xi32, #tpu.memory_space<vmem>>) dst(%dma_wait3A_73 : memref<10000xi32, #tpu.memory_space<hbm>>)
    } else {
    }
    return
  }
}

module attributes {stable_mosaic.version = 14 : i64} {
  func.func @_mv_kern(%arg0: i32, %arg1: memref<1024x256xf32, #tpu.memory_space<vmem>>, %arg2: memref<256x1xf32, #tpu.memory_space<vmem>>, %arg3: memref<1024xf32, #tpu.memory_space<vmem>>) attributes {dimension_semantics = [#tpu.dimension_semantics<arbitrary>], iteration_bounds = array<i64: 10>, scalar_prefetch = 0 : i64, scratch_operands = 0 : i64, tpu.core_type = #tpu.core_type<tc>, window_params = [{transform_indices = @transform_0, window_bounds = array<i64: 1024, 256>}, {pipeline_mode = #tpu.pipeline_mode<synchronous>, transform_indices = @transform_1, window_bounds = array<i64: 256, 1>}, {transform_indices = @transform_2, window_bounds = array<i64: 1024>}]} {
    %get3A = arith.constant 0 : index
    %get3A_0 = arith.constant 0 : index
    %get3A_1 = vector.load %arg1[%get3A, %get3A_0] : memref<1024x256xf32, #tpu.memory_space<vmem>>, vector<1024x256xf32>
    %get3A_2 = arith.constant 0 : index
    %get3A_3 = arith.constant 0 : index
    %get3A_4 = vector.load %arg2[%get3A_2, %get3A_3] : memref<256x1xf32, #tpu.memory_space<vmem>>, vector<256x1xf32>
    %dot_general3A = arith.constant dense<0.000000e+00> : vector<1024x1xf32>
    %dot_general3A_5 = tpu.matmul %get3A_1, %get3A_4, %dot_general3A {dimension_numbers = #tpu.dot_dimension_numbers<[1], [0], [0], [1], [0, 0, 1, 1], [], []>, transpose_lhs_hint = false} : vector<1024x256xf32>, vector<256x1xf32>, vector<1024x1xf32> -> vector<1024x1xf32>
    %squeeze3A = vector.shape_cast %dot_general3A_5 : vector<1024x1xf32> to vector<1024xf32>
    %swap3A = arith.constant 0 : index
    %swap3A_6 = vector.load %arg3[%swap3A] : memref<1024xf32, #tpu.memory_space<vmem>>, vector<1024xf32>
    tpu.vector_store %arg3[%swap3A], %squeeze3A {strides = array<i32>} : memref<1024xf32, #tpu.memory_space<vmem>>, vector<1024xf32>,
    return
  }
  func.func @transform_0(%arg0: i32) -> (i32, i32) {
    %c0_i32 = arith.constant 0 : i32
    %c0_i32_0 = arith.constant 0 : i32
    return %arg0, %c0_i32 : i32, i32
  }
  func.func @transform_1(%arg0: i32) -> (i32, i32) {
    %c0_i32 = arith.constant 0 : i32
    %c0_i32_0 = arith.constant 0 : i32
    %c0_i32_1 = arith.constant 0 : i32
    return %c0_i32, %c0_i32_0 : i32, i32
  }
  func.func @transform_2(%arg0: i32) -> i32 {
    %c0_i32 = arith.constant 0 : i32
    return %arg0 : i32
  }
}

module attributes {stable_mosaic.version = 14 : i64} {
  func.func @_rank_kern(%arg0: memref<10240xf32, #tpu.memory_space<vmem>>, %arg1: memref<10240xf32, #tpu.memory_space<vmem>>, %arg2: memref<10240xf32, #tpu.memory_space<vmem>>, %arg3: memref<10240xi32, #tpu.memory_space<vmem>>, %arg4: memref<10240xi32, #tpu.memory_space<vmem>>, %arg5: memref<256x256xi32, #tpu.memory_space<vmem>>) attributes {dimension_semantics = [], scalar_prefetch = 0 : i64, scratch_operands = 2 : i64, tpu.core_type = #tpu.core_type<tc>} {
    %get3A = arith.constant 0 : index
    %get3A_0 = vector.load %arg0[%get3A] : memref<10240xf32, #tpu.memory_space<vmem>>, vector<10240xf32>
    %get3A_1 = arith.constant 0 : index
    %get3A_2 = vector.load %arg1[%get3A_1] : memref<10240xf32, #tpu.memory_space<vmem>>, vector<10240xf32>
    %add3A = arith.addf %get3A_0, %get3A_2 : vector<10240xf32>
    %swap3A = arith.constant 0 : index
    %swap3A_3 = vector.load %arg2[%swap3A] : memref<10240xf32, #tpu.memory_space<vmem>>, vector<10240xf32>
    tpu.vector_store %arg2[%swap3A], %add3A {strides = array<i32>} : memref<10240xf32, #tpu.memory_space<vmem>>, vector<10240xf32>,
    %bitcast_convert_type3A = tpu.bitcast %add3A : vector<10240xf32> -> vector<10240xi32>
    %ge3A = arith.constant -2147483648 : i32
    %ge3A_4 = vector.broadcast %ge3A : i32 to vector<10240xi32>
    %ge3A_5 = arith.cmpi uge, %bitcast_convert_type3A, %ge3A_4 : vector<10240xi32>
    %jit3A = arith.constant -1 : i32
    %jit3A_6 = arith.constant -2147483648 : i32
    %broadcast_in_dim3A = vector.broadcast %jit3A : i32 to vector<10240xi32>
    %broadcast_in_dim3A_7 = vector.broadcast %jit3A_6 : i32 to vector<10240xi32>
    %select_n3A = arith.select %ge3A_5, %broadcast_in_dim3A, %broadcast_in_dim3A_7 : vector<10240xi1>, vector<10240xi32>
    %xor3A = arith.xori %bitcast_convert_type3A, %select_n3A : vector<10240xi32>
    %iota3A = tpu.iota {dimensions = array<i32: 1>} : vector<1x10240xi32>
    %iota3A_8 = vector.shape_cast %iota3A : vector<1x10240xi32> to vector<10240xi32>
    %lt3A = arith.constant 10000 : i32
    %lt3A_9 = vector.broadcast %lt3A : i32 to vector<10240xi32>
    %lt3A_10 = arith.cmpi slt, %iota3A_8, %lt3A_9 : vector<10240xi32>
    %jit3A_11 = arith.constant 0 : i32
    %broadcast_in_dim3A_12 = vector.broadcast %jit3A_11 : i32 to vector<10240xi32>
    %select_n3A_13 = arith.select %lt3A_10, %xor3A, %broadcast_in_dim3A_12 : vector<10240xi1>, vector<10240xi32>
    %swap3A_14 = arith.constant 0 : index
    %swap3A_15 = vector.load %arg4[%swap3A_14] : memref<10240xi32, #tpu.memory_space<vmem>>, vector<10240xi32>
    tpu.vector_store %arg4[%swap3A_14], %select_n3A_13 {strides = array<i32>} : memref<10240xi32, #tpu.memory_space<vmem>>, vector<10240xi32>,
    %scan3A = arith.constant 0 : i32
    %scan3A_16 = arith.constant 40 : i32
    %scan3A_17 = arith.addi %scan3A, %scan3A_16 : i32
    %scan3A_18 = arith.constant 1 : i32
    scf.for %scan3A_20 = %scan3A to %scan3A_17 step %scan3A_18  : i32 {
      %mul3A = arith.constant 256 : i32
      %mul3A_21 = arith.muli %scan3A_20, %mul3A : i32
      %get3A_22 = arith.index_cast %mul3A_21 : i32 to index
      %get3A_23 = vector.load %arg4[%get3A_22] : memref<10240xi32, #tpu.memory_space<vmem>>, vector<256xi32>
      %reshape3A = vector.shape_cast %get3A_23 : vector<256xi32> to vector<256x1xi32>
      %broadcast_in_dim3A_24 = arith.constant 0 : i32
      %broadcast_in_dim3A_25 = vector.broadcast %broadcast_in_dim3A_24 : i32 to vector<256x256xi32>
      %swap3A_26 = arith.constant 0 : index
      %swap3A_27 = arith.constant 0 : index
      %swap3A_28 = vector.load %arg5[%swap3A_26, %swap3A_27] : memref<256x256xi32, #tpu.memory_space<vmem>>, vector<256x256xi32>
      tpu.vector_store %arg5[%swap3A_26, %swap3A_27], %broadcast_in_dim3A_25 {strides = array<i32>} : memref<256x256xi32, #tpu.memory_space<vmem>>, vector<256x256xi32>,
      %while3A = arith.constant 0 : i32
      %while3A_29 = arith.constant 0 : i32
      %while3A_30 = arith.subi %scan3A_20, %while3A : i32
      %while3A_31 = arith.addi %while3A, %while3A_30 : i32
      %while3A_32 = arith.constant 1 : i32
      %while3A_33 = arith.divsi %while3A_30, %while3A_32 : i32
      %while3A_34 = arith.muli %while3A_33, %while3A_32 : i32
      %while3A_35 = arith.addi %while3A, %while3A_34 : i32
      %while3A_36 = arith.constant 1 : i32
      %while3A_37 = scf.for %while3A_83 = %while3A to %while3A_35 step %while3A_36 iter_args(%while3A_84 = %while3A_29) -> (i32)  : i32 {
        %mul3A_85 = arith.constant 256 : i32
        %mul3A_86 = arith.muli %while3A_83, %mul3A_85 : i32
        %get3A_87 = arith.index_cast %mul3A_86 : i32 to index
        %get3A_88 = vector.load %arg4[%get3A_87] : memref<10240xi32, #tpu.memory_space<vmem>>, vector<256xi32>
        %reshape3A_89 = vector.shape_cast %get3A_88 : vector<256xi32> to vector<1x256xi32>
        %get3A_90 = arith.constant 0 : index
        %get3A_91 = arith.constant 0 : index
        %get3A_92 = vector.load %arg5[%get3A_90, %get3A_91] : memref<256x256xi32, #tpu.memory_space<vmem>>, vector<256x256xi32>
        %ge3A_93 = vector.broadcast %reshape3A_89 : vector<1x256xi32> to vector<256x256xi32>
        %ge3A_94 = vector.broadcast %reshape3A : vector<256x1xi32> to vector<256x256xi32>
        %ge3A_95 = arith.cmpi uge, %ge3A_93, %ge3A_94 : vector<256x256xi32>
        %convert_element_type3A_96 = arith.extui %ge3A_95 : vector<256x256xi1> to vector<256x256xi32>
        %add3A_97 = arith.addi %get3A_92, %convert_element_type3A_96 : vector<256x256xi32>
        %swap3A_98 = arith.constant 0 : index
        %swap3A_99 = arith.constant 0 : index
        %swap3A_100 = vector.load %arg5[%swap3A_98, %swap3A_99] : memref<256x256xi32, #tpu.memory_space<vmem>>, vector<256x256xi32>
        tpu.vector_store %arg5[%swap3A_98, %swap3A_99], %add3A_97 {strides = array<i32>} : memref<256x256xi32, #tpu.memory_space<vmem>>, vector<256x256xi32>,
        %while3A_101 = arith.constant 0 : i32
        scf.yield %while3A_101 : i32
      }
      %while3A_38 = arith.constant 1 : i32
      %while3A_39 = scf.for %while3A_83 = %while3A_35 to %while3A_31 step %while3A_38 iter_args(%while3A_84 = %while3A_37) -> (i32)  : i32 {
        %mul3A_85 = arith.constant 256 : i32
        %mul3A_86 = arith.muli %while3A_83, %mul3A_85 : i32
        %get3A_87 = arith.index_cast %mul3A_86 : i32 to index
        %get3A_88 = vector.load %arg4[%get3A_87] : memref<10240xi32, #tpu.memory_space<vmem>>, vector<256xi32>
        %reshape3A_89 = vector.shape_cast %get3A_88 : vector<256xi32> to vector<1x256xi32>
        %get3A_90 = arith.constant 0 : index
        %get3A_91 = arith.constant 0 : index
        %get3A_92 = vector.load %arg5[%get3A_90, %get3A_91] : memref<256x256xi32, #tpu.memory_space<vmem>>, vector<256x256xi32>
        %ge3A_93 = vector.broadcast %reshape3A_89 : vector<1x256xi32> to vector<256x256xi32>
        %ge3A_94 = vector.broadcast %reshape3A : vector<256x1xi32> to vector<256x256xi32>
        %ge3A_95 = arith.cmpi uge, %ge3A_93, %ge3A_94 : vector<256x256xi32>
        %convert_element_type3A_96 = arith.extui %ge3A_95 : vector<256x256xi1> to vector<256x256xi32>
        %add3A_97 = arith.addi %get3A_92, %convert_element_type3A_96 : vector<256x256xi32>
        %swap3A_98 = arith.constant 0 : index
        %swap3A_99 = arith.constant 0 : index
        %swap3A_100 = vector.load %arg5[%swap3A_98, %swap3A_99] : memref<256x256xi32, #tpu.memory_space<vmem>>, vector<256x256xi32>
        tpu.vector_store %arg5[%swap3A_98, %swap3A_99], %add3A_97 {strides = array<i32>} : memref<256x256xi32, #tpu.memory_space<vmem>>, vector<256x256xi32>,
        %while3A_101 = arith.constant 0 : i32
        scf.yield %while3A_101 : i32
      }
      %add3A_40 = arith.constant 1 : i32
      %add3A_41 = arith.addi %scan3A_20, %add3A_40 : i32
      %while3A_42 = arith.constant 40 : i32
      %while3A_43 = arith.constant 0 : i32
      %while3A_44 = arith.subi %while3A_42, %add3A_41 : i32
      %while3A_45 = arith.addi %add3A_41, %while3A_44 : i32
      %while3A_46 = arith.constant 1 : i32
      %while3A_47 = arith.divsi %while3A_44, %while3A_46 : i32
      %while3A_48 = arith.muli %while3A_47, %while3A_46 : i32
      %while3A_49 = arith.addi %add3A_41, %while3A_48 : i32
      %while3A_50 = arith.constant 1 : i32
      %while3A_51 = scf.for %while3A_83 = %add3A_41 to %while3A_49 step %while3A_50 iter_args(%while3A_84 = %while3A_43) -> (i32)  : i32 {
        %mul3A_85 = arith.constant 256 : i32
        %mul3A_86 = arith.muli %while3A_83, %mul3A_85 : i32
        %get3A_87 = arith.index_cast %mul3A_86 : i32 to index
        %get3A_88 = vector.load %arg4[%get3A_87] : memref<10240xi32, #tpu.memory_space<vmem>>, vector<256xi32>
        %reshape3A_89 = vector.shape_cast %get3A_88 : vector<256xi32> to vector<1x256xi32>
        %get3A_90 = arith.constant 0 : index
        %get3A_91 = arith.constant 0 : index
        %get3A_92 = vector.load %arg5[%get3A_90, %get3A_91] : memref<256x256xi32, #tpu.memory_space<vmem>>, vector<256x256xi32>
        %gt3A_93 = vector.broadcast %reshape3A_89 : vector<1x256xi32> to vector<256x256xi32>
        %gt3A_94 = vector.broadcast %reshape3A : vector<256x1xi32> to vector<256x256xi32>
        %gt3A_95 = arith.cmpi ugt, %gt3A_93, %gt3A_94 : vector<256x256xi32>
        %convert_element_type3A_96 = arith.extui %gt3A_95 : vector<256x256xi1> to vector<256x256xi32>
        %add3A_97 = arith.addi %get3A_92, %convert_element_type3A_96 : vector<256x256xi32>
        %swap3A_98 = arith.constant 0 : index
        %swap3A_99 = arith.constant 0 : index
        %swap3A_100 = vector.load %arg5[%swap3A_98, %swap3A_99] : memref<256x256xi32, #tpu.memory_space<vmem>>, vector<256x256xi32>
        tpu.vector_store %arg5[%swap3A_98, %swap3A_99], %add3A_97 {strides = array<i32>} : memref<256x256xi32, #tpu.memory_space<vmem>>, vector<256x256xi32>,
        %while3A_101 = arith.constant 0 : i32
        scf.yield %while3A_101 : i32
      }
      %while3A_52 = arith.constant 1 : i32
      %while3A_53 = scf.for %while3A_83 = %while3A_49 to %while3A_45 step %while3A_52 iter_args(%while3A_84 = %while3A_51) -> (i32)  : i32 {
        %mul3A_85 = arith.constant 256 : i32
        %mul3A_86 = arith.muli %while3A_83, %mul3A_85 : i32
        %get3A_87 = arith.index_cast %mul3A_86 : i32 to index
        %get3A_88 = vector.load %arg4[%get3A_87] : memref<10240xi32, #tpu.memory_space<vmem>>, vector<256xi32>
        %reshape3A_89 = vector.shape_cast %get3A_88 : vector<256xi32> to vector<1x256xi32>
        %get3A_90 = arith.constant 0 : index
        %get3A_91 = arith.constant 0 : index
        %get3A_92 = vector.load %arg5[%get3A_90, %get3A_91] : memref<256x256xi32, #tpu.memory_space<vmem>>, vector<256x256xi32>
        %gt3A_93 = vector.broadcast %reshape3A_89 : vector<1x256xi32> to vector<256x256xi32>
        %gt3A_94 = vector.broadcast %reshape3A : vector<256x1xi32> to vector<256x256xi32>
        %gt3A_95 = arith.cmpi ugt, %gt3A_93, %gt3A_94 : vector<256x256xi32>
        %convert_element_type3A_96 = arith.extui %gt3A_95 : vector<256x256xi1> to vector<256x256xi32>
        %add3A_97 = arith.addi %get3A_92, %convert_element_type3A_96 : vector<256x256xi32>
        %swap3A_98 = arith.constant 0 : index
        %swap3A_99 = arith.constant 0 : index
        %swap3A_100 = vector.load %arg5[%swap3A_98, %swap3A_99] : memref<256x256xi32, #tpu.memory_space<vmem>>, vector<256x256xi32>
        tpu.vector_store %arg5[%swap3A_98, %swap3A_99], %add3A_97 {strides = array<i32>} : memref<256x256xi32, #tpu.memory_space<vmem>>, vector<256x256xi32>,
        %while3A_101 = arith.constant 0 : i32
        scf.yield %while3A_101 : i32
      }
      %mul3A_54 = arith.constant 256 : i32
      %mul3A_55 = arith.muli %scan3A_20, %mul3A_54 : i32
      %get3A_56 = arith.index_cast %mul3A_55 : i32 to index
      %get3A_57 = vector.load %arg4[%get3A_56] : memref<10240xi32, #tpu.memory_space<vmem>>, vector<256xi32>
      %reshape3A_58 = vector.shape_cast %get3A_57 : vector<256xi32> to vector<1x256xi32>
      %iota3A_59 = tpu.iota {dimensions = array<i32: 0>} : vector<256x1xi32>
      %iota3A_60 = tpu.iota {dimensions = array<i32: 1>} : vector<1x256xi32>
      %gt3A = vector.broadcast %reshape3A_58 : vector<1x256xi32> to vector<256x256xi32>
      %gt3A_61 = vector.broadcast %reshape3A : vector<256x1xi32> to vector<256x256xi32>
      %gt3A_62 = arith.cmpi ugt, %gt3A, %gt3A_61 : vector<256x256xi32>
      %eq3A = vector.broadcast %reshape3A_58 : vector<1x256xi32> to vector<256x256xi32>
      %eq3A_63 = vector.broadcast %reshape3A : vector<256x1xi32> to vector<256x256xi32>
      %eq3A_64 = arith.cmpi eq, %eq3A, %eq3A_63 : vector<256x256xi32>
      %lt3A_65 = vector.broadcast %iota3A_60 : vector<1x256xi32> to vector<256x256xi32>
      %lt3A_66 = vector.broadcast %iota3A_59 : vector<256x1xi32> to vector<256x256xi32>
      %lt3A_67 = arith.cmpi slt, %lt3A_65, %lt3A_66 : vector<256x256xi32>
      %and3A = arith.andi %eq3A_64, %lt3A_67 : vector<256x256xi1>
      %or3A = arith.ori %gt3A_62, %and3A : vector<256x256xi1>
      %get3A_68 = arith.constant 0 : index
      %get3A_69 = arith.constant 0 : index
      %get3A_70 = vector.load %arg5[%get3A_68, %get3A_69] : memref<256x256xi32, #tpu.memory_space<vmem>>, vector<256x256xi32>
      %convert_element_type3A = arith.extui %or3A : vector<256x256xi1> to vector<256x256xi32>
      %add3A_71 = arith.addi %get3A_70, %convert_element_type3A : vector<256x256xi32>
      %swap3A_72 = arith.constant 0 : index
      %swap3A_73 = arith.constant 0 : index
      %swap3A_74 = vector.load %arg5[%swap3A_72, %swap3A_73] : memref<256x256xi32, #tpu.memory_space<vmem>>, vector<256x256xi32>
      tpu.vector_store %arg5[%swap3A_72, %swap3A_73], %add3A_71 {strides = array<i32>} : memref<256x256xi32, #tpu.memory_space<vmem>>, vector<256x256xi32>,
      %get3A_75 = arith.constant 0 : index
      %get3A_76 = arith.constant 0 : index
      %get3A_77 = vector.load %arg5[%get3A_75, %get3A_76] : memref<256x256xi32, #tpu.memory_space<vmem>>, vector<256x256xi32>
      %reduce_sum3A = arith.constant dense<0> : vector<256xi32>
      %reduce_sum3A_78 = vector.multi_reduction <add>, %get3A_77, %reduce_sum3A [1] : vector<256x256xi32> to vector<256xi32>
      %mul3A_79 = arith.constant 256 : i32
      %mul3A_80 = arith.muli %scan3A_20, %mul3A_79 : i32
      %swap3A_81 = arith.index_cast %mul3A_80 : i32 to index
      %swap3A_82 = vector.load %arg3[%swap3A_81] : memref<10240xi32, #tpu.memory_space<vmem>>, vector<256xi32>
      tpu.vector_store %arg3[%swap3A_81], %reduce_sum3A_78 {strides = array<i32>} : memref<10240xi32, #tpu.memory_space<vmem>>, vector<256xi32>,
    }
    %scan3A_19 = arith.constant 40 : i32
    return
  }
}

</mosaic_0001>

<sc_bundles>
// kernel: kernel.11.cloned.1.call-start
scs
__scs_entry_jumppad:
0x0: {  	(pc) =	sbr.rel $0x88, $3  }
0x1: {  	(tag) =	ssettag $0x0;
	lr =	simm.s32 $0x1  }
0x2: {  	[smem:$0x3F9B] =	sst lr;
	_ =	strace $0xD0000000  }
0x3: {  	_ = 	snop  }
0x4: {  	_ = 	snop  }
0x5: {  	_ = 	snop  }
0x6: {  	_ = 	snop  }
0x7: {  	_ = 	snop  }
__scs_overlays_trampoline_lowered:
0x8: {  	[smem:$0x3FAA] =	sst s0  }
0x9: {  	[smem:$0x3FAB] =	sst s1  }
0xa: {  	[smem:$0x3FAC] =	sst s2  }
0xb: {  	[smem:$0x3FAD] =	sst s3  }
0xc: {  	[smem:$0x3FAE] =	sst s4  }
0xd: {  	[smem:$0x3FAF] =	sst s5  }
0xe: {  	[smem:$0x3FB0] =	sst s6  }
0xf: {  	[smem:$0x3FB1] =	sst s7  }
0x10: {  	[smem:$0x3FB2] =	sst s8  }
0x11: {  	[smem:$0x3FB3] =	sst s9;
	s0 =	simm.s32 @!p0 $0x0  }
0x12: {  	s1 =	sld [smem:$0x3F99];
	s0 =	simm.s32 @p0 $0x1  }
0x13: {  	[smem:$0x3FB4] =	sst s0;
	s0 =	simm.s32 @!p1 $0x0  }
0x14: {  	s2 =	sld [smem:$0x3F98];
	s0 =	simm.s32 @p1 $0x1  }
0x15: {  	[smem:$0x3FB5] =	sst s0;
	s0 =	simm.s32 @!p2 $0x0  }
0x16: {  	s3 =	sld [smem:$0x3FDB];
	s0 =	simm.s32 @p2 $0x1  }
0x17: {  	s4 =	simm.s32 $0x1BF5;
	[smem:$0x3FB7] =	sst s0  }
0x18: {  	s0 =	sld [smem:$0x3F9A];
	_ =	swait.ge [sflag:s4], $0x0  }
0x19: {  	s7 =	sld [smem:$0x3F9B]  }
0x1a: {  	s8 =	sadd.s32 $0xFFFFE003, lr  }
0x1b: {  	s9 =	sadd.s32 $0xFFFFFEF7, lr;
	s5 =	simm.s32 $0xFFFFFFFF;
	p2 =	slt.u32 s8, $0xFFFFF086  }
0x1c: {  	p1 =	slt.u32 s9, $0xF7A;
	s5 =	simm.s32 @!p2 $0x0  }
0x1d: {  	s5 =	simm.s32 @p1 $0x1;
	p0 =	seq.s32 s7, s2  }
0x1e: {  	s7 =	smul.u32 @!p0 $0xF7A, s2;
	p2 =	seq.s32 @!p0 s5, $0x0  }
0x1f: {  	s9 =	smul.u32 $0xF7A, s1;
	s8 =	simm.s32 @!p0 $0x1BF5;
	p2 =	por !p2, p0  }
0x20: {  	[sflag:s8] =	ssyncset.s32 @!p0 $0xFFFFF086;
	s6 =	sadd.s32 @!p0 s3, s7;
	s7 =	simm.s32 @!p0 $0x108  }
0x21: {  	s3 =	sadd.s32 s3, s9;
	s6 =	sadd.s32 @!p0 $0x88, s6;
	s7 =	simm.s32 @p2 $0x1082  }
0x22: {  	[simem:s7], [sflag:s8] =	dma.local @!p0 [hbm:s6], $0xF7A  }
0x23: {  	s9 =	sor.u32 $0xD0000000, s2;
	s6 =	simm.s32 $0x108;
	_ =	swait.ge @!p0 [sflag:s8], $0x0  }
0x24: {  	s3 =	sadd.s32 $0x88, s3;
	s6 =	simm.s32 @!p1 $0x1082;
	[sflag:s4] =	ssyncset.s32 $0xFFFFF086  }
0x25: {  	[simem:s6], [sflag:s4] =	dma.local [hbm:s3], $0xF7A  }
0x26: {  	[smem:$0x3F9B] =	sst s1;
	(tag) =	ssettag s2;
	_ =	strace s9  }
0x27: {  	s1 =	sld [smem:$0x3FAB]  }
0x28: {  	s2 =	sld [smem:$0x3FAC]  }
0x29: {  	s4 =	sld [smem:$0x3FAE]  }
0x2a: {  	p0 =	seq.s32 s5, $0x0;
	s5 =	sld [smem:$0x3FAF]  }
0x2b: {  	s6 =	sld [smem:$0x3FB0]  }
0x2c: {  	s7 =	sld [smem:$0x3FB1]  }
0x2d: {  	s3 =	simm.s32 $0x108;
	s8 =	sld [smem:$0x3FB2]  }
0x2e: {  	s3 =	simm.s32 @!p0 $0x1082;
	s9 =	sld [smem:$0x3FB3]  }
0x2f: {  	lr =	sadd.s32 s0, s3;
	s0 =	sld [smem:$0x3FAA]  }
0x30: {  	s3 =	sld [smem:$0x3FAD]  }
0x31: {  	[smem:$0x3FB6] =	sst s10  }
0x32: {  	s10 =	sld [smem:$0x3FB4];
	_ =	sdelay $0x3  }
0x33: {  	p0 =	seq.s32 s10, $0x1;
	s10 =	sld [smem:$0x3FB6];
	_ =	sdelay $0x3  }
0x34: {  	[smem:$0x3FB6] =	sst s10  }
0x35: {  	s10 =	sld [smem:$0x3FB5];
	_ =	sdelay $0x3  }
0x36: {  	p1 =	seq.s32 s10, $0x1;
	s10 =	sld [smem:$0x3FB6];
	_ =	sdelay $0x3  }
0x37: {  	[smem:$0x3FB6] =	sst s10  }
0x38: {  	s10 =	sld [smem:$0x3FB7]  }
0x39: {  	_ = 	snop;
	(pc) =	sbr.ind lr, $3  }
0x3a: {  	_ = 	snop  }
0x3b: {  	_ = 	snop  }
0x3c: {  	p2 =	seq.s32 s10, $0x1;
	s10 =	sld [smem:$0x3FB6]  }
0x3d: {  	_ =	shalt  }
0x3e: {  	_ =	shalt  }
0x3f: {  	_ =	shalt  }
0x40: {  	_ =	shalt  }
0x41: {  	_ =	shalt  }
0x42: {  	_ =	shalt  }
0x43: {  	_ =	shalt  }
0x44: {  	_ =	shalt  }
0x45: {  	_ =	shalt  }
0x46: {  	_ =	shalt  }
0x47: {  	_ =	shalt  }
0x48: {  	_ =	shalt  }
0x49: {  	_ =	shalt  }
0x4a: {  	_ =	shalt  }
0x4b: {  	_ =	shalt  }
0x4c: {  	_ =	shalt  }
0x4d: {  	_ =	shalt  }
0x4e: {  	_ =	shalt  }
0x4f: {  	_ =	shalt  }
0x50: {  	_ =	shalt  }
0x51: {  	_ =	shalt  }
0x52: {  	_ =	shalt  }
0x53: {  	_ =	shalt  }
0x54: {  	_ =	shalt  }
0x55: {  	_ =	shalt  }
0x56: {  	_ =	shalt  }
0x57: {  	_ =	shalt  }
0x58: {  	_ =	shalt  }
0x59: {  	_ =	shalt  }
0x5a: {  	_ =	shalt  }
0x5b: {  	_ =	shalt  }
0x5c: {  	_ =	shalt  }
0x5d: {  	_ =	shalt  }
0x5e: {  	_ =	shalt  }
0x5f: {  	_ =	shalt  }
0x60: {  	_ =	shalt  }
0x61: {  	_ =	shalt  }
0x62: {  	_ =	shalt  }
0x63: {  	_ =	shalt  }
0x64: {  	_ =	shalt  }
0x65: {  	_ =	shalt  }
0x66: {  	_ =	shalt  }
0x67: {  	_ =	shalt  }
0x68: {  	_ =	shalt  }
0x69: {  	_ =	shalt  }
0x6a: {  	_ =	shalt  }
0x6b: {  	_ =	shalt  }
0x6c: {  	_ =	shalt  }
0x6d: {  	_ =	shalt  }
0x6e: {  	_ =	shalt  }
0x6f: {  	_ =	shalt  }
0x70: {  	_ =	shalt  }
0x71: {  	_ =	shalt  }
0x72: {  	_ =	shalt  }
0x73: {  	_ =	shalt  }
0x74: {  	_ =	shalt  }
0x75: {  	_ =	shalt  }
0x76: {  	_ =	shalt  }
0x77: {  	_ =	shalt  }
0x78: {  	_ =	shalt  }
0x79: {  	_ =	shalt  }
0x7a: {  	_ =	shalt  }
0x7b: {  	_ =	shalt  }
0x7c: {  	_ =	shalt  }
0x7d: {  	_ =	shalt  }
0x7e: {  	_ =	shalt  }
0x7f: {  	_ =	shalt  }
0x80: {  	_ =	shalt  }
0x81: {  	_ =	shalt  }
0x82: {  	_ =	shalt  }
0x83: {  	_ =	shalt  }
0x84: {  	_ =	shalt  }
0x85: {  	_ =	shalt  }
0x86: {  	_ =	shalt  }
0x87: {  	_ =	shalt  }
.Lfunc_end0:
.L_simem_size_0:
called_computation.3_lowered:
.L_overlay_start_0:
0x88: {  	s2 =	sld [smem:$0x3FD9]  }
0x89: {  	s3 =	sld [smem:$0x3FFE];
	_ =	sdelay $0x1  }
0x8a: {  	s1 =	srdreg.scid  }
0x8b: {  	s0 =	sand.u32 $0x1, s1  }
0x8c: {  	s16 =	sshll.u32 s0, $0xA;
	s2 =	sadd.s32 s3, s2  }
0x8d: {  	s2 =	sadd.s32 s2, s16  }
0x8e: {  	[smem:$0x3FC2] =	sst s2  }
0x8f: {  	_ = 	snop  }
0x90: {  	(tm) =	ssettm $0x1  }
0x91: {  	s17 =	sld [smem:$0x3FFB];
	_ =	sdelay $0x3  }
0x92: {  	_ =	strace s17  }
0x93: {  	s2 =	sld [smem:$0x3FFC];
	_ =	sdelay $0x3  }
0x94: {  	_ =	strace s2  }
0x95: {  	s2 =	sld [smem:$0x3FFD];
	_ =	sdelay $0x3  }
0x96: {  	_ =	strace s2  }
0x97: {  	_ =	strace $0x8FFFFFFF  }
0x98: {  	s18 =	sld [smem:$0x3FDB];
	_ =	sdelay $0x1  }
0x99: {  	s19 =	simm.s32 $_scs_section_size  }
0x9a: {  	s4 =	simm.s32 $_size__tile_overlayer_lowered;
	s5 =	simm.s32 $_tile_overlayer_lowered  }
0x9b: {  	s22 =	simm.s32 $0x1BFF;
	s21 =	sshll.u32 s5, $0x1;
	s2 =	sadd.s32 s19, s18  }
0x9c: {  	s6 =	simm.s32 $0x0;
	s20 =	sshll.u32 s4, $0x1;
	s4 =	sadd.s32 s21, s2  }
0x9d: {  	[timem:s6], [sflag:s22] =	dma.local [hbm:s4], s20  }
0x9e: {  	_ =	swait.ge [sflag:s22], s20  }
0x9f: {  	s3 =	ssub.s32 $0x0, s20;
	[sflag:s22] =	ssyncset.done $0x0  }
0xa0: {  	[sflag:s22] =	ssyncadd.s32 s3;
	_ =	sdelay $0x1  }
0xa1: {  	s23 =	simm.s32 $0x1B8B  }
0xa2: {  	_ =	swait.ge [sflag:s23], $0x1  }
0xa3: {  	[sflag:s23] =	ssyncset.done $0x0  }
0xa4: {  	s25 =	simm.s32 $0x1B8E;
	s24 =	sld [smem:$0x3FFE];
	[sflag:s23] =	ssyncadd.s32 $0xFFFFFFFF  }
0xa5: {  	s26 =	simm.s32 $execute0_lowered;
	[smem:$0x3FD2] =	sst s25  }
0xa6: {  	s4 =	sshll.u32 s26, $0x1;
	_ =	strace $0x80000049;
	[dreg:$0x1] =	wrdreg $0xFFFFFFFF  }
0xa7: {  	s28 =	simm.s32 $_size_execute0_lowered;
	s2 =	sadd.s32 s2, s4;
	[dreg:$0x0] =	wrdreg $0x0  }
0xa8: {  	s4 =	sshll.u32 s28, $0x1;
	[dreg:$0x2] =	wrdreg s2  }
0xa9: {  	[dreg:$0x3] =	wrdreg s4  }
0xaa: {  	[dreg:$0x4] =	wrdreg $0xC0  }
0xab: {  	_ =	task [dreg:s6], $0x5FFFF  }
0xac: {  	[dreg:$0x1] =	wrdreg $0xFFFFFFFF  }
0xad: {  	[dreg:$0x0] =	wrdreg $0x60  }
0xae: {  	[dreg:$0x2] =	wrdreg s24  }
0xaf: {  	[dreg:$0x3] =	wrdreg $0x9  }
0xb0: {  	_ =	task.clear_ibuf [dreg:s6], $0x4FFFF;
	_ =	strace $0x90000049  }
0xb1: {  	s29 =	simm.s32 $0x9;
	_ =	strace $0x8000004B  }
0xb2: {  	_ =	swait.ge [sflag:s29], $0x1  }
0xb3: {  	[sflag:s29] =	ssyncadd.s32 $0xFFFFFFFF  }
0xb4: {  	_ =	strace $0x9000004B  }
0xb5: {  	_ =	sfence  }
0xb6: {  	s30 =	sld [smem:$0x0];
	_ =	sdelay $0x2  }
0xb7: {  	s31 =	sshll.u32 s1, $0xD;
	s1 =	sshrl.u32 s1, $0x2  }
0xb8: {  	s3 =	sand.u32 $0x4000, s31;
	s1 =	sadd.s32 s1, s30  }
0xb9: {  	s0 =	sor.u32 s3, s0;
	s1 =	sshll.u32 s1, $0x11  }
0xba: {  	s0 =	sor.u32 s1, s0  }
0xbb: {  	s0 =	sadd.s32 $0x8F2B, s0  }
0xbc: {  	[sflag:s0] =	ssyncadd.remote.s32 $0x1  }
0xbd: {  	_ =	sfence.sel $0xFFFF  }
0xbe: {  	[dreg:$0x0] =	wrdreg $0xFFFFFFFF;
	(pc) =	sbr.abs _section_cstart, $3  }
0xbf: {  	[dreg:$0x1] =	wrdreg $0xFFFFFFFF  }
0xc0: {  	_ =	task.clear_ibuf [dreg:s6], $0x2FFFF;
	_ =	strace $0x9FFFFFFF  }
0xc1: {  	(tm) =	ssettm $0x7FFFFFFF  }
tec
execute0_lowered:
.L_overlay_start_1:
0x0: {  	(tag) =	ssettag $0x1  }
0x1: {  	s1 =	srdreg.scid  }
0x2: {  	s0 =	stileid.u32;
	s4 =	rddreg [dreg:$0x0]  }
0x3: {  	s2 =	simm.s32 $0x0;
	s9 =	simm.s32 $0x1;
	s10 =	simm.s32 $0x2900  }
0x4: {  	s11 =	simm.s32 $0x5200;
	s12 =	simm.s32 $0x6700;
	s13 =	simm.s32 $0x7C00  }
0x5: {  	s14 =	simm.s32 $0x0;
	s3 =	sand.u32 $0x1, s1;
	s5 =	sshll.u32 s0, $0x1  }
0x6: {  	s1 =	rddreg [dreg:$0x1];
	s5 =	sor.u32 s3, s5;
	s6 =	ssub.s32 $0x2, s3  }
0x7: {  	[smem:$0x7FF] =	sst s2;
	s5 =	smul.u32 $0x2A0, s5;
	s31 =	sshrl.u32 s6, $0x1  }
0x8: {  	_ =	strace $0x8000004A;
	s3 =	sadd.s32 $0xB400, s4;
	s8 =	ssub.s32 s6, s31  }
0x9: {  	s7 =	sadd.s32 s5, s4;
	s4 =	sadd.s32 $0xB920, s4;
	s8 =	smax.u32 s8, $0x1  }
0xa: {  	s5 =	sadd.s32 $0x6000, s7;
	s6 =	sadd.s32 $0xC00, s7;
	s7 =	sadd.s32 $0x11400, s7  }
.LBB2_1:
0xb: {  	[tilespmem:s2], [sflag:$0x1] =	stream.linear.gather [hbm4b:s3+s2], $0x2900, $0x38;
	[tilespmem:$0x9100] =	vst v63  }
0xc: {  	_ =	swait.ge [sflag:s9], $0x2900  }
0xd: {  	[sflag:s9] =	ssyncset.done $0x0  }
0xe: {  	[sflag:s9] =	ssyncadd.s32 $0xFFFFD700  }
0xf: {  	[tilespmem:s10], [sflag:$0x1] =	stream.linear.gather [hbm4b:s4+s2], $0x2900, $0x38;
	[tilespmem:$0x9100] =	vst v63  }
0x10: {  	_ =	swait.ge [sflag:s9], $0x2900  }
0x11: {  	[sflag:s9] =	ssyncset.done $0x0  }
0x12: {  	s15 =	simm.s32 $0x0;
	[sflag:s9] =	ssyncadd.s32 $0xFFFFD700  }
0x13: {  	s16 =	simm.s32 $0x40;
	v0 =	vld [tilespmem:s15+$0x2900]  }
.LBB2_2:
0x14: {  	p0 =	sne.s32 s16, $0xA3C0;
	v1 =	vld [tilespmem:s15+$0x0];
	_ =	sdelay $0x1  }
.Ltmp0:
0x15: {  	(pc) =	sbr.rel @p0 .LBB2_2-.Ltmp0, $3  }
0x16: {  	_ =	sdelay $0x1  }
0x17: {  	s17 =	sshra.s32 s16, $0x2;
	v1 =	vmax.f32 v1, v0  }
0x18: {  	s16 =	sadd.s32 $0x40, s16;
	v0 =	vld [tilespmem:s17+$0x2900];
	[tilespmem:s15+$0x0] =	vst v1;
	s15 =	smov.u32 s17  }
0x19: {  	v1 =	vld [tilespmem:s15+$0x0];
	_ =	sdelay $0x4  }
0x1a: {  	v0 =	vmax.f32 v1, v0  }
0x1b: {  	s31 =	simm.s32 $0x0;
	[tilespmem:s15+$0x0] =	vst v0  }
0x1c: {  	[tilespmem:s11], [sflag:$0x1] =	stream.linear.gather [hbm4b:s5+s31], $0x1500, $0x38;
	[tilespmem:$0x9100] =	vst v63  }
0x1d: {  	_ =	swait.ge [sflag:s9], $0x1500  }
0x1e: {  	[sflag:s9] =	ssyncset.done $0x0  }
0x1f: {  	[sflag:s9] =	ssyncadd.s32 $0xFFFFEB00  }
0x20: {  	[tilespmem:s12], [sflag:$0x1] =	stream.linear.gather [hbm4b:s6+s31], $0x1500, $0x38;
	[tilespmem:$0x9100] =	vst v63  }
0x21: {  	_ =	swait.ge [sflag:s9], $0x1500  }
0x22: {  	[sflag:s9] =	ssyncset.done $0x0  }
0x23: {  	s15 =	simm.s32 $0x0;
	[sflag:s9] =	ssyncadd.s32 $0xFFFFEB00  }
0x24: {  	v62 =	vld [tilespmem:s15+$0x6700];
	_ =	sdelay $0x6  }
0x25: {  	v63 =	vld [tilespmem:s15+$0x5200]  }
0x26: {  	v0 =	vld.idx.msk [tilespmem:v62+s2+$0x0], $0xffff;
	_ =	sdelay $0x4  }
0x27: {  	v0 =	vsub.f32 v63, v0;
	_ =	sdelay $0x1  }
0x28: {  	v0 =	vmul.f32 $1.442695020e+00, v0;
	_ =	sdelay $0x1  }
0x29: {  	(erf) = vpow2.f32 v0;
	_ =	sdelay $0x1  }
0x2a: {  	s17 =	simm.s32 $0x10;
	s16 =	simm.s32 $0x80  }
.LBB2_4:
0x2b: {  	p0 =	sne.s32 s16, $0x53C0;
	v0 =	vld [tilespmem:s17+$0x6700];
	_ =	sdelay $0x5  }
0x2c: {  	v1 =	vpop (erf)  }
0x2d: {  	[tilespmem:s15+$0x7C00] =	vst v1;
	s15 =	smov.u32 s17  }
0x2e: {  	v0 =	vld.idx.msk [tilespmem:v0+s2+$0x0], $0xffff  }
0x2f: {  	v1 =	vld [tilespmem:s15+$0x5200];
	_ =	sdelay $0x4  }
0x30: {  	v0 =	vsub.f32 v1, v0;
	_ =	sdelay $0x1  }
.Ltmp1:
0x31: {  	v0 =	vmul.f32 $1.442695020e+00, v0;
	(pc) =	sbr.rel @p0 .LBB2_4-.Ltmp1, $3  }
0x32: {  	_ = 	snop  }
0x33: {  	(erf) = vpow2.f32 v0;
	_ =	sdelay $0x1  }
0x34: {  	s17 =	sshra.s32 s16, $0x2;
	s16 =	sadd.s32 $0x40, s16  }
0x35: {  	v0 =	vld [tilespmem:s17+$0x6700];
	_ =	sdelay $0x5  }
0x36: {  	v1 =	vpop (erf)  }
0x37: {  	[tilespmem:s15+$0x7C00] =	vst v1  }
0x38: {  	v0 =	vld.idx.msk [tilespmem:v0+s2+$0x0], $0xffff  }
0x39: {  	v1 =	vld [tilespmem:s17+$0x5200];
	_ =	sdelay $0x4  }
0x3a: {  	v0 =	vsub.f32 v1, v0;
	_ =	sdelay $0x1  }
0x3b: {  	v0 =	vmul.f32 $1.442695020e+00, v0;
	_ =	sdelay $0x1  }
0x3c: {  	(erf) = vpow2.f32 v0;
	_ =	sdelay $0x7  }
0x3d: {  	s14 =	sadd.s32 $0x1, s14  }
0x3e: {  	p0 =	sne.s32 s14, s8;
	v0 =	vpop (erf)  }
.Ltmp2:
0x3f: {  	[tilespmem:s17+$0x7C00] =	vst v0;
	(pc) =	sbr.rel @p0 .LBB2_1-.Ltmp2, $4  }
0x40: {  	[hbm4b:s7+s2] =	stream.linear.scatter [tilespmem:s13], [sflag:$0x1], $0x1500, $0x38;
	[tilespmem:$0x9100] =	vst v63  }
0x41: {  	_ =	swait.ge [sflag:s9], $0x1500  }
0x42: {  	[sflag:s9] =	ssyncset.done $0x0  }
0x43: {  	[sflag:s9] =	ssyncadd.s32 $0xFFFFEB00  }
0x44: {  	_ =	sfence.sel $0x180000  }
0x45: {  	[bflag:$0x0] =	sbarrier.arrive $0xFFFF  }
0x46: {  	p0 =	sne.s32 s0, $0x0;
	_ =	strace $0x9000004A  }
0x47: {  	s0 =	sadd.s32 @!p0 $0x100000, s1;
	[bflag:$0x2] =	sbarrier.arrive $0xFFFF  }
0x48: {  	[sflag:s0] =	ssyncadd.tile.s32 @!p0 $0x1;
	_ =	shalt  }
.Lfunc_end2:
_tile_overlayer_lowered:
.L_overlay_start_2:
0x49: {  	(tag) =	ssettag $0x2  }
0x4a: {  	s0 =	rddreg [dreg:$0x0];
	s2 =	stileid.u32  }
0x4b: {  	s1 =	rddreg [dreg:$0x1];
	p0 =	sne.s32 s2, $0x0  }
0x4c: {  	s3 =	rddreg [dreg:$0x2];
	[bflag:$0x3] =	sbarrier.arrive $0xFFFF;
	s2 =	simm.s32 @!p0 $0x1C01  }
0x4d: {  	[timem:s3], [sflag:s2] =	dma.local @!p0 [hbm:s0], s1  }
0x4e: {  	s0 =	simm.s32 @!p0 $0x1  }
0x4f: {  	_ =	swait.ge @!p0 [sflag:s0], s1  }
0x50: {  	s1 =	ssub.s32 @!p0 $0x0, s1;
	[sflag:s0] =	ssyncset.done @!p0 $0x0  }
0x51: {  	[sflag:s0] =	ssyncadd.s32 @!p0 s1  }
0x52: {  	[bflag:$0x3] =	sbarrier.arrive $0xFFFF  }
0x53: {  	_ =	shalt  }

// kernel: kernel.14.cloned.1.call-start
scs
__scs_entry_jumppad:
0x0: {  	(pc) =	sbr.rel $0x88, $3  }
0x1: {  	(tag) =	ssettag $0x0;
	lr =	simm.s32 $0x1  }
0x2: {  	[smem:$0x3F9B] =	sst lr;
	_ =	strace $0xD0000000  }
0x3: {  	_ = 	snop  }
0x4: {  	_ = 	snop  }
0x5: {  	_ = 	snop  }
0x6: {  	_ = 	snop  }
0x7: {  	_ = 	snop  }
__scs_overlays_trampoline_lowered:
0x8: {  	[smem:$0x3FAA] =	sst s0  }
0x9: {  	[smem:$0x3FAB] =	sst s1  }
0xa: {  	[smem:$0x3FAC] =	sst s2  }
0xb: {  	[smem:$0x3FAD] =	sst s3  }
0xc: {  	[smem:$0x3FAE] =	sst s4  }
0xd: {  	[smem:$0x3FAF] =	sst s5  }
0xe: {  	[smem:$0x3FB0] =	sst s6  }
0xf: {  	[smem:$0x3FB1] =	sst s7  }
0x10: {  	[smem:$0x3FB2] =	sst s8  }
0x11: {  	[smem:$0x3FB3] =	sst s9;
	s0 =	simm.s32 @!p0 $0x0  }
0x12: {  	s1 =	sld [smem:$0x3F99];
	s0 =	simm.s32 @p0 $0x1  }
0x13: {  	[smem:$0x3FB4] =	sst s0;
	s0 =	simm.s32 @!p1 $0x0  }
0x14: {  	s2 =	sld [smem:$0x3F98];
	s0 =	simm.s32 @p1 $0x1  }
0x15: {  	[smem:$0x3FB5] =	sst s0;
	s0 =	simm.s32 @!p2 $0x0  }
0x16: {  	s3 =	sld [smem:$0x3FDB];
	s0 =	simm.s32 @p2 $0x1  }
0x17: {  	s4 =	simm.s32 $0x1BF5;
	[smem:$0x3FB7] =	sst s0  }
0x18: {  	s0 =	sld [smem:$0x3F9A];
	_ =	swait.ge [sflag:s4], $0x0  }
0x19: {  	s7 =	sld [smem:$0x3F9B]  }
0x1a: {  	s8 =	sadd.s32 $0xFFFFE003, lr  }
0x1b: {  	s9 =	sadd.s32 $0xFFFFFEF7, lr;
	s5 =	simm.s32 $0xFFFFFFFF;
	p2 =	slt.u32 s8, $0xFFFFF086  }
0x1c: {  	p1 =	slt.u32 s9, $0xF7A;
	s5 =	simm.s32 @!p2 $0x0  }
0x1d: {  	s5 =	simm.s32 @p1 $0x1;
	p0 =	seq.s32 s7, s2  }
0x1e: {  	s7 =	smul.u32 @!p0 $0xF7A, s2;
	p2 =	seq.s32 @!p0 s5, $0x0  }
0x1f: {  	s9 =	smul.u32 $0xF7A, s1;
	s8 =	simm.s32 @!p0 $0x1BF5;
	p2 =	por !p2, p0  }
0x20: {  	[sflag:s8] =	ssyncset.s32 @!p0 $0xFFFFF086;
	s6 =	sadd.s32 @!p0 s3, s7;
	s7 =	simm.s32 @!p0 $0x108  }
0x21: {  	s3 =	sadd.s32 s3, s9;
	s6 =	sadd.s32 @!p0 $0x88, s6;
	s7 =	simm.s32 @p2 $0x1082  }
0x22: {  	[simem:s7], [sflag:s8] =	dma.local @!p0 [hbm:s6], $0xF7A  }
0x23: {  	s9 =	sor.u32 $0xD0000000, s2;
	s6 =	simm.s32 $0x108;
	_ =	swait.ge @!p0 [sflag:s8], $0x0  }
0x24: {  	s3 =	sadd.s32 $0x88, s3;
	s6 =	simm.s32 @!p1 $0x1082;
	[sflag:s4] =	ssyncset.s32 $0xFFFFF086  }
0x25: {  	[simem:s6], [sflag:s4] =	dma.local [hbm:s3], $0xF7A  }
0x26: {  	[smem:$0x3F9B] =	sst s1;
	(tag) =	ssettag s2;
	_ =	strace s9  }
0x27: {  	s1 =	sld [smem:$0x3FAB]  }
0x28: {  	s2 =	sld [smem:$0x3FAC]  }
0x29: {  	s4 =	sld [smem:$0x3FAE]  }
0x2a: {  	p0 =	seq.s32 s5, $0x0;
	s5 =	sld [smem:$0x3FAF]  }
0x2b: {  	s6 =	sld [smem:$0x3FB0]  }
0x2c: {  	s7 =	sld [smem:$0x3FB1]  }
0x2d: {  	s3 =	simm.s32 $0x108;
	s8 =	sld [smem:$0x3FB2]  }
0x2e: {  	s3 =	simm.s32 @!p0 $0x1082;
	s9 =	sld [smem:$0x3FB3]  }
0x2f: {  	lr =	sadd.s32 s0, s3;
	s0 =	sld [smem:$0x3FAA]  }
0x30: {  	s3 =	sld [smem:$0x3FAD]  }
0x31: {  	[smem:$0x3FB6] =	sst s10  }
0x32: {  	s10 =	sld [smem:$0x3FB4];
	_ =	sdelay $0x3  }
0x33: {  	p0 =	seq.s32 s10, $0x1;
	s10 =	sld [smem:$0x3FB6];
	_ =	sdelay $0x3  }
0x34: {  	[smem:$0x3FB6] =	sst s10  }
0x35: {  	s10 =	sld [smem:$0x3FB5];
	_ =	sdelay $0x3  }
0x36: {  	p1 =	seq.s32 s10, $0x1;
	s10 =	sld [smem:$0x3FB6];
	_ =	sdelay $0x3  }
0x37: {  	[smem:$0x3FB6] =	sst s10  }
0x38: {  	s10 =	sld [smem:$0x3FB7]  }
0x39: {  	_ = 	snop;
	(pc) =	sbr.ind lr, $3  }
0x3a: {  	_ = 	snop  }
0x3b: {  	_ = 	snop  }
0x3c: {  	p2 =	seq.s32 s10, $0x1;
	s10 =	sld [smem:$0x3FB6]  }
0x3d: {  	_ =	shalt  }
0x3e: {  	_ =	shalt  }
0x3f: {  	_ =	shalt  }
0x40: {  	_ =	shalt  }
0x41: {  	_ =	shalt  }
0x42: {  	_ =	shalt  }
0x43: {  	_ =	shalt  }
0x44: {  	_ =	shalt  }
0x45: {  	_ =	shalt  }
0x46: {  	_ =	shalt  }
0x47: {  	_ =	shalt  }
0x48: {  	_ =	shalt  }
0x49: {  	_ =	shalt  }
0x4a: {  	_ =	shalt  }
0x4b: {  	_ =	shalt  }
0x4c: {  	_ =	shalt  }
0x4d: {  	_ =	shalt  }
0x4e: {  	_ =	shalt  }
0x4f: {  	_ =	shalt  }
0x50: {  	_ =	shalt  }
0x51: {  	_ =	shalt  }
0x52: {  	_ =	shalt  }
0x53: {  	_ =	shalt  }
0x54: {  	_ =	shalt  }
0x55: {  	_ =	shalt  }
0x56: {  	_ =	shalt  }
0x57: {  	_ =	shalt  }
0x58: {  	_ =	shalt  }
0x59: {  	_ =	shalt  }
0x5a: {  	_ =	shalt  }
0x5b: {  	_ =	shalt  }
0x5c: {  	_ =	shalt  }
0x5d: {  	_ =	shalt  }
0x5e: {  	_ =	shalt  }
0x5f: {  	_ =	shalt  }
0x60: {  	_ =	shalt  }
0x61: {  	_ =	shalt  }
0x62: {  	_ =	shalt  }
0x63: {  	_ =	shalt  }
0x64: {  	_ =	shalt  }
0x65: {  	_ =	shalt  }
0x66: {  	_ =	shalt  }
0x67: {  	_ =	shalt  }
0x68: {  	_ =	shalt  }
0x69: {  	_ =	shalt  }
0x6a: {  	_ =	shalt  }
0x6b: {  	_ =	shalt  }
0x6c: {  	_ =	shalt  }
0x6d: {  	_ =	shalt  }
0x6e: {  	_ =	shalt  }
0x6f: {  	_ =	shalt  }
0x70: {  	_ =	shalt  }
0x71: {  	_ =	shalt  }
0x72: {  	_ =	shalt  }
0x73: {  	_ =	shalt  }
0x74: {  	_ =	shalt  }
0x75: {  	_ =	shalt  }
0x76: {  	_ =	shalt  }
0x77: {  	_ =	shalt  }
0x78: {  	_ =	shalt  }
0x79: {  	_ =	shalt  }
0x7a: {  	_ =	shalt  }
0x7b: {  	_ =	shalt  }
0x7c: {  	_ =	shalt  }
0x7d: {  	_ =	shalt  }
0x7e: {  	_ =	shalt  }
0x7f: {  	_ =	shalt  }
0x80: {  	_ =	shalt  }
0x81: {  	_ =	shalt  }
0x82: {  	_ =	shalt  }
0x83: {  	_ =	shalt  }
0x84: {  	_ =	shalt  }
0x85: {  	_ =	shalt  }
0x86: {  	_ =	shalt  }
0x87: {  	_ =	shalt  }
.Lfunc_end0:
.L_simem_size_0:
called_computation.4_lowered:
.L_overlay_start_0:
0x88: {  	s2 =	sld [smem:$0x3FD9]  }
0x89: {  	s3 =	sld [smem:$0x3FFE];
	_ =	sdelay $0x1  }
0x8a: {  	s1 =	srdreg.scid  }
0x8b: {  	s0 =	sand.u32 $0x1, s1  }
0x8c: {  	s14 =	sshll.u32 s0, $0xA;
	s2 =	sadd.s32 s3, s2  }
0x8d: {  	s2 =	sadd.s32 s2, s14  }
0x8e: {  	[smem:$0x3FC2] =	sst s2  }
0x8f: {  	_ = 	snop  }
0x90: {  	s2 =	sld [smem:$0x3FD0];
	_ =	sdelay $0x2  }
0x91: {  	s15 =	simm.s32 $0xB;
	s4 =	simm.s32 $0x10  }
0x92: {  	[smem:s4], [sflag:s15] =	dma.local [hbm:s2], $0x1  }
0x93: {  	_ =	swait.eq [sflag:s15], $0x1  }
0x94: {  	[sflag:s15] =	ssyncset.done $0x0  }
0x95: {  	[sflag:s15] =	ssyncadd.s32 $0xFFFFFFFF  }
0x96: {  	s16 =	sld [smem:$0x10];
	(tm) =	ssettm $0x1  }
0x97: {  	s17 =	sld [smem:$0x3FFB];
	_ =	sdelay $0x3  }
0x98: {  	_ =	strace s17  }
0x99: {  	s3 =	sld [smem:$0x3FFC];
	_ =	sdelay $0x3  }
0x9a: {  	_ =	strace s3  }
0x9b: {  	s3 =	sld [smem:$0x3FFD];
	_ =	sdelay $0x3  }
0x9c: {  	_ =	strace s3  }
0x9d: {  	_ =	strace $0x8FFFFFFF  }
0x9e: {  	s18 =	sld [smem:$0x3FDB];
	_ =	sdelay $0x1  }
0x9f: {  	s19 =	simm.s32 $_scs_section_size  }
0xa0: {  	s5 =	simm.s32 $_size__tile_overlayer_lowered;
	s6 =	simm.s32 $_tile_overlayer_lowered  }
0xa1: {  	s22 =	simm.s32 $0x1BFF;
	s21 =	sshll.u32 s6, $0x1;
	s3 =	sadd.s32 s19, s18  }
0xa2: {  	s7 =	simm.s32 $0x0;
	s20 =	sshll.u32 s5, $0x1;
	s5 =	sadd.s32 s21, s3  }
0xa3: {  	[timem:s7], [sflag:s22] =	dma.local [hbm:s5], s20  }
0xa4: {  	_ =	swait.ge [sflag:s22], s20  }
0xa5: {  	s4 =	ssub.s32 $0x0, s20;
	[sflag:s22] =	ssyncset.done $0x0  }
0xa6: {  	[sflag:s22] =	ssyncadd.s32 s4;
	_ =	sdelay $0x1  }
0xa7: {  	s23 =	simm.s32 $0x1B8B  }
0xa8: {  	_ =	swait.ge [sflag:s23], $0x1  }
0xa9: {  	[sflag:s23] =	ssyncset.done $0x0  }
0xaa: {  	s25 =	simm.s32 $0x1B8E;
	s24 =	sld [smem:$0x3FFE];
	[sflag:s23] =	ssyncadd.s32 $0xFFFFFFFF  }
0xab: {  	s26 =	simm.s32 $execute0_lowered;
	[smem:$0x3FD2] =	sst s25  }
0xac: {  	s5 =	sshll.u32 s26, $0x1;
	_ =	strace $0x80000052;
	[dreg:$0x1] =	wrdreg $0xFFFFFFFF  }
0xad: {  	s28 =	simm.s32 $_size_execute0_lowered;
	s3 =	sadd.s32 s3, s5;
	[dreg:$0x0] =	wrdreg $0x0  }
0xae: {  	s5 =	sshll.u32 s28, $0x1;
	[dreg:$0x2] =	wrdreg s3  }
0xaf: {  	[dreg:$0x3] =	wrdreg s5  }
0xb0: {  	[dreg:$0x4] =	wrdreg $0xC0  }
0xb1: {  	_ =	task [dreg:s7], $0x5FFFF  }
0xb2: {  	[dreg:$0x1] =	wrdreg $0xFFFFFFFF  }
0xb3: {  	[dreg:$0x0] =	wrdreg $0x60  }
0xb4: {  	[dreg:$0x2] =	wrdreg s24  }
0xb5: {  	[dreg:$0x3] =	wrdreg s16  }
0xb6: {  	[dreg:$0x4] =	wrdreg $0x9  }
0xb7: {  	_ =	task.clear_ibuf [dreg:s7], $0x5FFFF;
	_ =	strace $0x90000052  }
0xb8: {  	s29 =	simm.s32 $0x9;
	_ =	strace $0x80000054  }
0xb9: {  	_ =	swait.ge [sflag:s29], $0x1  }
0xba: {  	[sflag:s29] =	ssyncadd.s32 $0xFFFFFFFF  }
0xbb: {  	_ =	strace $0x90000054  }
0xbc: {  	_ =	sfence  }
0xbd: {  	s30 =	sld [smem:$0x0];
	_ =	sdelay $0x2  }
0xbe: {  	s31 =	sshll.u32 s1, $0xD;
	s1 =	sshrl.u32 s1, $0x2  }
0xbf: {  	s3 =	sand.u32 $0x4000, s31;
	s1 =	sadd.s32 s1, s30  }
0xc0: {  	s0 =	sor.u32 s3, s0;
	s1 =	sshll.u32 s1, $0x11  }
0xc1: {  	s0 =	sor.u32 s1, s0  }
0xc2: {  	s0 =	sadd.s32 $0x8F2B, s0  }
0xc3: {  	[sflag:s0] =	ssyncadd.remote.s32 $0x1  }
0xc4: {  	_ =	sfence.sel $0xFFFF  }
0xc5: {  	[dreg:$0x0] =	wrdreg $0xFFFFFFFF;
	(pc) =	sbr.abs _section_cstart, $3  }
0xc6: {  	[dreg:$0x1] =	wrdreg $0xFFFFFFFF  }
0xc7: {  	_ =	task.clear_ibuf [dreg:s7], $0x2FFFF;
	_ =	strace $0x9FFFFFFF  }
0xc8: {  	(tm) =	ssettm $0x7FFFFFFF  }
0xc9: {  	_ =	shalt  }
tec
execute0_lowered:
.L_overlay_start_1:
0x0: {  	(tag) =	ssettag $0x1  }
0x1: {  	s4 =	rddreg [dreg:$0x0];
	s1 =	srdreg.scid  }
0x2: {  	s0 =	stileid.u32;
	s7 =	rddreg [dreg:$0x1]  }
0x3: {  	s2 =	simm.s32 $0x0;
	s10 =	simm.s32 $0x2900;
	s11 =	simm.s32 $0x3E00  }
0x4: {  	s12 =	simm.s32 $0x5300;
	s3 =	sand.u32 $0x1, s1;
	s5 =	sshll.u32 s0, $0x1  }
0x5: {  	s13 =	simm.s32 $0x6800;
	s14 =	simm.s32 $0x0;
	s5 =	sor.u32 s3, s5  }
0x6: {  	[smem:$0x7FF] =	sst s2;
	s30 =	ssub.s32 $0x2, s3;
	s8 =	smul.u32 $0x2A0, s5  }
0x7: {  	s1 =	rddreg [dreg:$0x2];
	_ =	strace $0x80000053;
	s31 =	sshrl.u32 s30, $0x1  }
0x8: {  	s3 =	sadd.s32 $0x400, s4;
	s9 =	ssub.s32 s30, s31;
	s6 =	sadd.s32 s8, s4  }
0x9: {  	s7 =	sadd.s32 s7, s8;
	s8 =	smax.u32 s9, $0x1;
	s9 =	simm.s32 $0x1  }
0xa: {  	s4 =	sadd.s32 $0x11400, s6;
	s5 =	sadd.s32 $0xC000, s6;
	s6 =	sadd.s32 $0xC00, s6  }
.LBB2_1:
0xb: {  	[tilespmem:s2], [sflag:$0x1] =	stream.linear.gather [hbm4b:s3+s2], $0x2900, $0x38;
	[tilespmem:$0x7D00] =	vst v63  }
0xc: {  	_ =	swait.ge [sflag:s9], $0x2900  }
0xd: {  	[sflag:s9] =	ssyncset.done $0x0  }
0xe: {  	[sflag:s9] =	ssyncadd.s32 $0xFFFFD700  }
0xf: {  	[tilespmem:s10], [sflag:$0x1] =	stream.linear.gather [hbm4b:s4+s2], $0x1500, $0x38;
	[tilespmem:$0x7D00] =	vst v63  }
0x10: {  	_ =	swait.ge [sflag:s9], $0x1500  }
0x11: {  	[sflag:s9] =	ssyncset.done $0x0  }
0x12: {  	[sflag:s9] =	ssyncadd.s32 $0xFFFFEB00  }
0x13: {  	[tilespmem:s11], [sflag:$0x1] =	stream.linear.gather [hbm4b:s5+s2], $0x1500, $0x38;
	[tilespmem:$0x7D00] =	vst v63  }
0x14: {  	_ =	swait.ge [sflag:s9], $0x1500  }
0x15: {  	[sflag:s9] =	ssyncset.done $0x0  }
0x16: {  	[sflag:s9] =	ssyncadd.s32 $0xFFFFEB00  }
0x17: {  	[tilespmem:s12], [sflag:$0x1] =	stream.linear.gather [hbm4b:s6+s2], $0x1500, $0x38;
	[tilespmem:$0x7D00] =	vst v63  }
0x18: {  	_ =	swait.ge [sflag:s9], $0x1500  }
0x19: {  	[sflag:s9] =	ssyncset.done $0x0  }
0x1a: {  	s15 =	simm.s32 $0x0;
	[sflag:s9] =	ssyncadd.s32 $0xFFFFEB00  }
0x1b: {  	v0 =	vld [tilespmem:s15+$0x5300];
	_ =	sdelay $0x7  }
0x1c: {  	v1 =	vld.idx.msk [tilespmem:v0+s2+$0x0], $0xffff;
	_ =	sdelay $0x4  }
0x1d: {  	(erf) = vrcp.f32 v1;
	_ =	sdelay $0x4  }
0x1e: {  	v0 =	vld [tilespmem:s15+$0x2900]  }
0x1f: {  	s17 =	simm.s32 $0x10;
	s16 =	simm.s32 $0x80;
	v1 =	vld [tilespmem:s15+$0x3E00]  }
.LBB2_2:
0x20: {  	p0 =	sne.s32 s16, $0x53C0;
	v2 =	vld [tilespmem:s17+$0x5300];
	_ =	sdelay $0x1  }
0x21: {  	v3 =	vpop (erf)  }
0x22: {  	v0 =	vmul.f32 v3, v0;
	_ =	sdelay $0x1  }
0x23: {  	v0 =	vmul.f32 v0, v1;
	_ =	sdelay $0x1  }
0x24: {  	[tilespmem:s15+$0x6800] =	vst v0;
	s15 =	smov.u32 s17  }
0x25: {  	v0 =	vld.idx.msk [tilespmem:v2+s2+$0x0], $0xffff;
	_ =	sdelay $0x5  }
0x26: {  	(erf) = vrcp.f32 v0;
	_ =	sdelay $0x1  }
.Ltmp0:
0x27: {  	(pc) =	sbr.rel @p0 .LBB2_2-.Ltmp0, $3  }
0x28: {  	_ =	sdelay $0x1  }
0x29: {  	v0 =	vld [tilespmem:s15+$0x2900]  }
0x2a: {  	s17 =	sshra.s32 s16, $0x2;
	s16 =	sadd.s32 $0x40, s16;
	v1 =	vld [tilespmem:s15+$0x3E00]  }
0x2b: {  	v2 =	vld [tilespmem:s17+$0x5300];
	_ =	sdelay $0x1  }
0x2c: {  	v3 =	vpop (erf)  }
0x2d: {  	v0 =	vmul.f32 v3, v0;
	_ =	sdelay $0x1  }
0x2e: {  	v0 =	vmul.f32 v0, v1;
	_ =	sdelay $0x1  }
0x2f: {  	[tilespmem:s15+$0x6800] =	vst v0  }
0x30: {  	v0 =	vld.idx.msk [tilespmem:v2+s2+$0x0], $0xffff;
	_ =	sdelay $0x4  }
0x31: {  	(erf) = vrcp.f32 v0;
	_ =	sdelay $0x4  }
0x32: {  	v61 =	vld [tilespmem:s17+$0x2900];
	_ =	sdelay $0x1  }
0x33: {  	v62 =	vld [tilespmem:s17+$0x3E00];
	_ =	sdelay $0x1  }
0x34: {  	v63 =	vpop (erf)  }
0x35: {  	v0 =	vmul.f32 v63, v61;
	_ =	sdelay $0x1  }
0x36: {  	s14 =	sadd.s32 $0x1, s14;
	v0 =	vmul.f32 v0, v62  }
0x37: {  	p0 =	sne.s32 s14, s8  }
.Ltmp1:
0x38: {  	[tilespmem:s17+$0x6800] =	vst v0;
	(pc) =	sbr.rel @p0 .LBB2_1-.Ltmp1, $4  }
0x39: {  	[hbm4b:s7+s2] =	stream.linear.scatter [tilespmem:s13], [sflag:$0x1], $0x1500, $0x38;
	[tilespmem:$0x7D00] =	vst v63  }
0x3a: {  	_ =	swait.ge [sflag:s9], $0x1500  }
0x3b: {  	[sflag:s9] =	ssyncset.done $0x0  }
0x3c: {  	[sflag:s9] =	ssyncadd.s32 $0xFFFFEB00  }
0x3d: {  	_ =	sfence.sel $0x180000  }
0x3e: {  	[bflag:$0x0] =	sbarrier.arrive $0xFFFF  }
0x3f: {  	p0 =	sne.s32 s0, $0x0;
	_ =	strace $0x90000053  }
0x40: {  	s0 =	sadd.s32 @!p0 $0x100000, s1;
	[bflag:$0x2] =	sbarrier.arrive $0xFFFF  }
0x41: {  	[sflag:s0] =	ssyncadd.tile.s32 @!p0 $0x1;
	_ =	shalt  }
.Lfunc_end2:
_tile_overlayer_lowered:
.L_overlay_start_2:
0x42: {  	(tag) =	ssettag $0x2  }
0x43: {  	s0 =	rddreg [dreg:$0x0];
	s2 =	stileid.u32  }
0x44: {  	s1 =	rddreg [dreg:$0x1];
	p0 =	sne.s32 s2, $0x0  }
0x45: {  	s3 =	rddreg [dreg:$0x2];
	[bflag:$0x3] =	sbarrier.arrive $0xFFFF;
	s2 =	simm.s32 @!p0 $0x1C01  }
0x46: {  	[timem:s3], [sflag:s2] =	dma.local @!p0 [hbm:s0], s1  }
0x47: {  	s0 =	simm.s32 @!p0 $0x1  }
0x48: {  	_ =	swait.ge @!p0 [sflag:s0], s1  }
0x49: {  	s1 =	ssub.s32 @!p0 $0x0, s1;
	[sflag:s0] =	ssyncset.done @!p0 $0x0  }
0x4a: {  	[sflag:s0] =	ssyncadd.s32 @!p0 s1  }
0x4b: {  	[bflag:$0x3] =	sbarrier.arrive $0xFFFF  }
0x4c: {  	_ =	shalt  }

// kernel: kernel.17.cloned.1.call-start
scs
__scs_entry_jumppad:
0x0: {  	(pc) =	sbr.rel $0x88, $3  }
0x1: {  	(tag) =	ssettag $0x0;
	lr =	simm.s32 $0x1  }
0x2: {  	[smem:$0x3F9B] =	sst lr;
	_ =	strace $0xD0000000  }
0x3: {  	_ = 	snop  }
0x4: {  	_ = 	snop  }
0x5: {  	_ = 	snop  }
0x6: {  	_ = 	snop  }
0x7: {  	_ = 	snop  }
__scs_overlays_trampoline_lowered:
0x8: {  	[smem:$0x3FAA] =	sst s0  }
0x9: {  	[smem:$0x3FAB] =	sst s1  }
0xa: {  	[smem:$0x3FAC] =	sst s2  }
0xb: {  	[smem:$0x3FAD] =	sst s3  }
0xc: {  	[smem:$0x3FAE] =	sst s4  }
0xd: {  	[smem:$0x3FAF] =	sst s5  }
0xe: {  	[smem:$0x3FB0] =	sst s6  }
0xf: {  	[smem:$0x3FB1] =	sst s7  }
0x10: {  	[smem:$0x3FB2] =	sst s8  }
0x11: {  	[smem:$0x3FB3] =	sst s9;
	s0 =	simm.s32 @!p0 $0x0  }
0x12: {  	s1 =	sld [smem:$0x3F99];
	s0 =	simm.s32 @p0 $0x1  }
0x13: {  	[smem:$0x3FB4] =	sst s0;
	s0 =	simm.s32 @!p1 $0x0  }
0x14: {  	s2 =	sld [smem:$0x3F98];
	s0 =	simm.s32 @p1 $0x1  }
0x15: {  	[smem:$0x3FB5] =	sst s0;
	s0 =	simm.s32 @!p2 $0x0  }
0x16: {  	s3 =	sld [smem:$0x3FDB];
	s0 =	simm.s32 @p2 $0x1  }
0x17: {  	s4 =	simm.s32 $0x1BF5;
	[smem:$0x3FB7] =	sst s0  }
0x18: {  	s0 =	sld [smem:$0x3F9A];
	_ =	swait.ge [sflag:s4], $0x0  }
0x19: {  	s7 =	sld [smem:$0x3F9B]  }
0x1a: {  	s8 =	sadd.s32 $0xFFFFE003, lr  }
0x1b: {  	s9 =	sadd.s32 $0xFFFFFEF7, lr;
	s5 =	simm.s32 $0xFFFFFFFF;
	p2 =	slt.u32 s8, $0xFFFFF086  }
0x1c: {  	p1 =	slt.u32 s9, $0xF7A;
	s5 =	simm.s32 @!p2 $0x0  }
0x1d: {  	s5 =	simm.s32 @p1 $0x1;
	p0 =	seq.s32 s7, s2  }
0x1e: {  	s7 =	smul.u32 @!p0 $0xF7A, s2;
	p2 =	seq.s32 @!p0 s5, $0x0  }
0x1f: {  	s9 =	smul.u32 $0xF7A, s1;
	s8 =	simm.s32 @!p0 $0x1BF5;
	p2 =	por !p2, p0  }
0x20: {  	[sflag:s8] =	ssyncset.s32 @!p0 $0xFFFFF086;
	s6 =	sadd.s32 @!p0 s3, s7;
	s7 =	simm.s32 @!p0 $0x108  }
0x21: {  	s3 =	sadd.s32 s3, s9;
	s6 =	sadd.s32 @!p0 $0x88, s6;
	s7 =	simm.s32 @p2 $0x1082  }
0x22: {  	[simem:s7], [sflag:s8] =	dma.local @!p0 [hbm:s6], $0xF7A  }
0x23: {  	s9 =	sor.u32 $0xD0000000, s2;
	s6 =	simm.s32 $0x108;
	_ =	swait.ge @!p0 [sflag:s8], $0x0  }
0x24: {  	s3 =	sadd.s32 $0x88, s3;
	s6 =	simm.s32 @!p1 $0x1082;
	[sflag:s4] =	ssyncset.s32 $0xFFFFF086  }
0x25: {  	[simem:s6], [sflag:s4] =	dma.local [hbm:s3], $0xF7A  }
0x26: {  	[smem:$0x3F9B] =	sst s1;
	(tag) =	ssettag s2;
	_ =	strace s9  }
0x27: {  	s1 =	sld [smem:$0x3FAB]  }
0x28: {  	s2 =	sld [smem:$0x3FAC]  }
0x29: {  	s4 =	sld [smem:$0x3FAE]  }
0x2a: {  	p0 =	seq.s32 s5, $0x0;
	s5 =	sld [smem:$0x3FAF]  }
0x2b: {  	s6 =	sld [smem:$0x3FB0]  }
0x2c: {  	s7 =	sld [smem:$0x3FB1]  }
0x2d: {  	s3 =	simm.s32 $0x108;
	s8 =	sld [smem:$0x3FB2]  }
0x2e: {  	s3 =	simm.s32 @!p0 $0x1082;
	s9 =	sld [smem:$0x3FB3]  }
0x2f: {  	lr =	sadd.s32 s0, s3;
	s0 =	sld [smem:$0x3FAA]  }
0x30: {  	s3 =	sld [smem:$0x3FAD]  }
0x31: {  	[smem:$0x3FB6] =	sst s10  }
0x32: {  	s10 =	sld [smem:$0x3FB4];
	_ =	sdelay $0x3  }
0x33: {  	p0 =	seq.s32 s10, $0x1;
	s10 =	sld [smem:$0x3FB6];
	_ =	sdelay $0x3  }
0x34: {  	[smem:$0x3FB6] =	sst s10  }
0x35: {  	s10 =	sld [smem:$0x3FB5];
	_ =	sdelay $0x3  }
0x36: {  	p1 =	seq.s32 s10, $0x1;
	s10 =	sld [smem:$0x3FB6];
	_ =	sdelay $0x3  }
0x37: {  	[smem:$0x3FB6] =	sst s10  }
0x38: {  	s10 =	sld [smem:$0x3FB7]  }
0x39: {  	_ = 	snop;
	(pc) =	sbr.ind lr, $3  }
0x3a: {  	_ = 	snop  }
0x3b: {  	_ = 	snop  }
0x3c: {  	p2 =	seq.s32 s10, $0x1;
	s10 =	sld [smem:$0x3FB6]  }
0x3d: {  	_ =	shalt  }
0x3e: {  	_ =	shalt  }
0x3f: {  	_ =	shalt  }
0x40: {  	_ =	shalt  }
0x41: {  	_ =	shalt  }
0x42: {  	_ =	shalt  }
0x43: {  	_ =	shalt  }
0x44: {  	_ =	shalt  }
0x45: {  	_ =	shalt  }
0x46: {  	_ =	shalt  }
0x47: {  	_ =	shalt  }
0x48: {  	_ =	shalt  }
0x49: {  	_ =	shalt  }
0x4a: {  	_ =	shalt  }
0x4b: {  	_ =	shalt  }
0x4c: {  	_ =	shalt  }
0x4d: {  	_ =	shalt  }
0x4e: {  	_ =	shalt  }
0x4f: {  	_ =	shalt  }
0x50: {  	_ =	shalt  }
0x51: {  	_ =	shalt  }
0x52: {  	_ =	shalt  }
0x53: {  	_ =	shalt  }
0x54: {  	_ =	shalt  }
0x55: {  	_ =	shalt  }
0x56: {  	_ =	shalt  }
0x57: {  	_ =	shalt  }
0x58: {  	_ =	shalt  }
0x59: {  	_ =	shalt  }
0x5a: {  	_ =	shalt  }
0x5b: {  	_ =	shalt  }
0x5c: {  	_ =	shalt  }
0x5d: {  	_ =	shalt  }
0x5e: {  	_ =	shalt  }
0x5f: {  	_ =	shalt  }
0x60: {  	_ =	shalt  }
0x61: {  	_ =	shalt  }
0x62: {  	_ =	shalt  }
0x63: {  	_ =	shalt  }
0x64: {  	_ =	shalt  }
0x65: {  	_ =	shalt  }
0x66: {  	_ =	shalt  }
0x67: {  	_ =	shalt  }
0x68: {  	_ =	shalt  }
0x69: {  	_ =	shalt  }
0x6a: {  	_ =	shalt  }
0x6b: {  	_ =	shalt  }
0x6c: {  	_ =	shalt  }
0x6d: {  	_ =	shalt  }
0x6e: {  	_ =	shalt  }
0x6f: {  	_ =	shalt  }
0x70: {  	_ =	shalt  }
0x71: {  	_ =	shalt  }
0x72: {  	_ =	shalt  }
0x73: {  	_ =	shalt  }
0x74: {  	_ =	shalt  }
0x75: {  	_ =	shalt  }
0x76: {  	_ =	shalt  }
0x77: {  	_ =	shalt  }
0x78: {  	_ =	shalt  }
0x79: {  	_ =	shalt  }
0x7a: {  	_ =	shalt  }
0x7b: {  	_ =	shalt  }
0x7c: {  	_ =	shalt  }
0x7d: {  	_ =	shalt  }
0x7e: {  	_ =	shalt  }
0x7f: {  	_ =	shalt  }
0x80: {  	_ =	shalt  }
0x81: {  	_ =	shalt  }
0x82: {  	_ =	shalt  }
0x83: {  	_ =	shalt  }
0x84: {  	_ =	shalt  }
0x85: {  	_ =	shalt  }
0x86: {  	_ =	shalt  }
0x87: {  	_ =	shalt  }
.Lfunc_end0:
.L_simem_size_0:
called_computation.5_lowered:
.L_overlay_start_0:
0x88: {  	s2 =	sld [smem:$0x3FD9]  }
0x89: {  	s3 =	sld [smem:$0x3FFE];
	_ =	sdelay $0x1  }
0x8a: {  	s1 =	srdreg.scid  }
0x8b: {  	s0 =	sand.u32 $0x1, s1  }
0x8c: {  	s14 =	sshll.u32 s0, $0xA;
	s2 =	sadd.s32 s3, s2  }
0x8d: {  	s2 =	sadd.s32 s2, s14  }
0x8e: {  	[smem:$0x3FC2] =	sst s2  }
0x8f: {  	_ = 	snop  }
0x90: {  	s2 =	sld [smem:$0x3FD0];
	_ =	sdelay $0x2  }
0x91: {  	s4 =	simm.s32 $0xB;
	s5 =	simm.s32 $0x10;
	s15 =	sld [smem:$0x3FC9]  }
0x92: {  	[smem:s5], [sflag:s4] =	dma.local [hbm:s2], $0x1  }
0x93: {  	_ =	swait.eq [sflag:s4], $0x1  }
0x94: {  	[sflag:s4] =	ssyncset.done $0x0  }
0x95: {  	s16 =	sld [smem:$0x10];
	[sflag:s4] =	ssyncadd.s32 $0xFFFFFFFF  }
0x96: {  	s17 =	sld [smem:$0x11];
	(tm) =	ssettm $0x1  }
0x97: {  	s18 =	sld [smem:$0x3FFB];
	_ =	sdelay $0x3  }
0x98: {  	_ =	strace s18  }
0x99: {  	s5 =	sld [smem:$0x3FFC];
	_ =	sdelay $0x3  }
0x9a: {  	_ =	strace s5  }
0x9b: {  	s5 =	sld [smem:$0x3FFD];
	_ =	sdelay $0x3  }
0x9c: {  	_ =	strace s5  }
0x9d: {  	_ =	strace $0x8FFFFFFF  }
0x9e: {  	s19 =	sld [smem:$0x3FDB];
	_ =	sdelay $0x1  }
0x9f: {  	s6 =	simm.s32 $_scs_section_size  }
0xa0: {  	s7 =	simm.s32 $_size__tile_overlayer_lowered;
	s8 =	simm.s32 $_tile_overlayer_lowered  }
0xa1: {  	s22 =	simm.s32 $0x1BFF;
	s21 =	sshll.u32 s8, $0x1;
	s5 =	sadd.s32 s6, s19  }
0xa2: {  	s9 =	simm.s32 $0x0;
	s20 =	sshll.u32 s7, $0x1;
	s7 =	sadd.s32 s21, s5  }
0xa3: {  	[timem:s9], [sflag:s22] =	dma.local [hbm:s7], s20  }
0xa4: {  	_ =	swait.ge [sflag:s22], s20  }
0xa5: {  	s6 =	ssub.s32 $0x0, s20;
	[sflag:s22] =	ssyncset.done $0x0  }
0xa6: {  	[sflag:s22] =	ssyncadd.s32 s6;
	_ =	sdelay $0x1  }
0xa7: {  	s23 =	simm.s32 $0x1B8B  }
0xa8: {  	_ =	swait.ge [sflag:s23], $0x1  }
0xa9: {  	[sflag:s23] =	ssyncset.done $0x0  }
0xaa: {  	s25 =	simm.s32 $0x1B8E;
	s24 =	sld [smem:$0x3FFE];
	[sflag:s23] =	ssyncadd.s32 $0xFFFFFFFF  }
0xab: {  	s26 =	simm.s32 $execute0_lowered;
	[smem:$0x3FD2] =	sst s25  }
0xac: {  	s7 =	sshll.u32 s26, $0x1;
	_ =	strace $0x80000058;
	[dreg:$0x1] =	wrdreg $0xFFFFFFFF  }
0xad: {  	s28 =	simm.s32 $_size_execute0_lowered;
	s5 =	sadd.s32 s5, s7;
	[dreg:$0x0] =	wrdreg $0x0  }
0xae: {  	s7 =	sshll.u32 s28, $0x1;
	[dreg:$0x2] =	wrdreg s5  }
0xaf: {  	[dreg:$0x3] =	wrdreg s7  }
0xb0: {  	[dreg:$0x4] =	wrdreg $0xC0  }
0xb1: {  	_ =	task [dreg:s9], $0x5FFFF  }
0xb2: {  	[dreg:$0x1] =	wrdreg $0xFFFFFFFF  }
0xb3: {  	[dreg:$0x0] =	wrdreg $0x60  }
0xb4: {  	[dreg:$0x2] =	wrdreg s24  }
0xb5: {  	[dreg:$0x3] =	wrdreg s15  }
0xb6: {  	[dreg:$0x4] =	wrdreg s16  }
0xb7: {  	[dreg:$0x5] =	wrdreg s17  }
0xb8: {  	[dreg:$0x6] =	wrdreg $0x9  }
0xb9: {  	_ =	task.clear_ibuf [dreg:s9], $0x7FFFF;
	_ =	strace $0x90000058  }
0xba: {  	s29 =	simm.s32 $0x9;
	_ =	strace $0x8000005A  }
0xbb: {  	_ =	swait.ge [sflag:s29], $0x1  }
0xbc: {  	[sflag:s29] =	ssyncadd.s32 $0xFFFFFFFF  }
0xbd: {  	_ =	strace $0x9000005A  }
0xbe: {  	_ =	sfence  }
0xbf: {  	s30 =	sld [smem:$0x0];
	_ =	sdelay $0x2  }
0xc0: {  	s31 =	sshll.u32 s1, $0xD;
	s1 =	sshrl.u32 s1, $0x2  }
0xc1: {  	s3 =	sand.u32 $0x4000, s31;
	s1 =	sadd.s32 s1, s30  }
0xc2: {  	s0 =	sor.u32 s3, s0;
	s1 =	sshll.u32 s1, $0x11  }
0xc3: {  	s0 =	sor.u32 s1, s0  }
0xc4: {  	s0 =	sadd.s32 $0x8F2B, s0  }
0xc5: {  	[sflag:s0] =	ssyncadd.remote.s32 $0x1  }
0xc6: {  	_ =	sfence.sel $0xFFFF  }
0xc7: {  	[dreg:$0x0] =	wrdreg $0xFFFFFFFF;
	(pc) =	sbr.abs _section_cstart, $3  }
0xc8: {  	[dreg:$0x1] =	wrdreg $0xFFFFFFFF  }
0xc9: {  	_ =	task.clear_ibuf [dreg:s9], $0x2FFFF;
	_ =	strace $0x9FFFFFFF  }
0xca: {  	(tm) =	ssettm $0x7FFFFFFF  }
0xcb: {  	_ =	shalt  }
tec
execute0_lowered:
.L_overlay_start_1:
0x0: {  	(tag) =	ssettag $0x1  }
0x1: {  	s0 =	srdreg.scid;
	s2 =	stileid.u32  }
0x2: {  	s0 =	sand.u32 $0x1, s0;
	s2 =	sshll.u32 s2, $0x1  }
0x3: {  	s14 =	sor.u32 s0, s2  }
0x4: {  	s5 =	smul.u32 $0xA, s14  }
0x5: {  	s1 =	rddreg [dreg:$0x0];
	s6 =	smul.u32 $0xA00, s14  }
0x6: {  	s12 =	rddreg [dreg:$0x1];
	s9 =	sor.u32 $0x20, s14;
	s21 =	smul.u32 $0x50, s14  }
0x7: {  	s3 =	rddreg [dreg:$0x3];
	s7 =	smul.u32 $0xA, s9  }
0x8: {  	s4 =	simm.s32 $0x0;
	s11 =	sor.u32 $0x40, s14;
	s8 =	smul.u32 $0xA00, s9  }
0x9: {  	[smem:$0x7FF] =	sst s4;
	s1 =	sadd.s32 $0x400, s1;
	s10 =	smul.u32 $0xA, s11  }
0xa: {  	s2 =	rddreg [dreg:$0x2];
	s0 =	ssub.s32 $0x2, s0;
	s13 =	smul.u32 $0xA00, s11  }
0xb: {  	_ =	strace $0x80000059;
	s15 =	sor.u32 $0x60, s14;
	s22 =	smul.u32 $0x50, s9  }
0xc: {  	s16 =	sshrl.u32 s0, $0x1;
	p0 =	sgt.u32 s14, $0x1C;
	s17 =	smul.u32 $0xA, s15  }
0xd: {  	s26 =	smul.u32 $0x50, s11;
	s5 =	sadd.s32 s1, s5;
	s18 =	sadd.s32 $0x20, s22  }
0xe: {  	s7 =	sadd.s32 s1, s7;
	s19 =	sadd.s32 $0x30, s22;
	[dreg:$0xd] =	wrdreg s18  }
0xf: {  	s9 =	sadd.s32 s1, s10;
	s20 =	sadd.s32 $0x40, s22;
	[dreg:$0xe] =	wrdreg s19  }
0x10: {  	s11 =	sadd.s32 s1, s17;
	s1 =	sadd.s32 $0x10, s26;
	[dreg:$0xf] =	wrdreg s20  }
0x11: {  	s25 =	smul.u32 $0xA00, s15;
	s14 =	sadd.s32 $0x20, s26;
	[dreg:$0xb] =	wrdreg s1  }
0x12: {  	s30 =	smul.u32 $0x50, s15;
	s15 =	sadd.s32 $0x30, s26;
	[dreg:$0xc] =	wrdreg s14  }
0x13: {  	s0 =	ssub.s32 s0, s16;
	s16 =	sadd.s32 $0x40, s26;
	[dreg:$0x9] =	wrdreg s15  }
0x14: {  	s17 =	sadd.s32 $0x10, s30;
	[dreg:$0xa] =	wrdreg s16  }
0x15: {  	[dreg:$0x6] =	wrdreg s17;
	s18 =	sadd.s32 $0x20, s30  }
0x16: {  	s19 =	sadd.s32 $0x30, s30;
	[dreg:$0x7] =	wrdreg s18  }
0x17: {  	s6 =	sadd.s32 s12, s6;
	s20 =	sadd.s32 $0x40, s30;
	[dreg:$0x8] =	wrdreg s19  }
0x18: {  	v22 =	vlaneseq.u32;
	s23 =	sadd.s32 $0x10, s21;
	s24 =	sadd.s32 $0x20, s21;
	[dreg:$0x5] =	wrdreg s20  }
0x19: {  	s8 =	sadd.s32 s12, s8;
	s10 =	sadd.s32 s12, s13;
	v1 =	vor.u32 s23, v22;
	s23 =	rddreg [dreg:$0xd]  }
0x1a: {  	s12 =	sadd.s32 s12, s25;
	s25 =	sadd.s32 $0x30, s21;
	v2 =	vor.u32 s24, v22;
	s24 =	rddreg [dreg:$0xe]  }
0x1b: {  	s31 =	simm.s32 $0x50;
	s28 =	sadd.s32 $0x40, s21;
	v3 =	vor.u32 s25, v22;
	s25 =	rddreg [dreg:$0xf]  }
0x1c: {  	s13 =	smax.u32 s0, $0x1;
	s29 =	sadd.s32 $0x10, s22;
	v5 =	vor.u32 s22, v22;
	s22 =	rddreg [dreg:$0xb]  }
0x1d: {  	s0 =	simm.s32 $0x2;
	v4 =	vor.u32 s28, v22;
	v10 =	vor.u32 s26, v22;
	s28 =	simm.s32 $0xDA00;
	s26 =	rddreg [dreg:$0xc]  }
0x1e: {  	s14 =	simm.s32 $0x3;
	s15 =	simm.s32 $0x200;
	v11 =	vor.u32 s22, v22;
	s22 =	rddreg [dreg:$0x9]  }
0x1f: {  	vm0 =	vmmov $0xffff;
	v21 =	vshrl.u32 v22, $0x3;
	s16 =	simm.s32 $0x80;
	s17 =	simm.s32 $0x5200;
	v13 =	vor.u32 s22, v22;
	s22 =	rddreg [dreg:$0xa]  }
.Ltmp0:
0x20: {  	v20 =	vand.u32 $0x7, v22;
	v21 =	vmul.u32 $0x8, v21;
	s1 =	simm.s32 $0x14200;
	v14 =	vor.u32 s22, v22;
	s22 =	rddreg [dreg:$0x6];
	(pc) =	sbr.rel .LBB2_1-.Ltmp0, $4  }
0x21: {  	v15 =	vor.u32 s30, v22;
	v6 =	vor.u32 s29, v22;
	s29 =	simm.s32 $0xE200;
	s30 =	simm.s32 $0xEA00;
	v16 =	vor.u32 s22, v22;
	s22 =	rddreg [dreg:$0x7]  }
0x22: {  	v0 =	vor.u32 s21, v22;
	s18 =	simm.s32 $0x100;
	s19 =	simm.s32 $0xA200;
	v7 =	vor.u32 s23, v22;
	v17 =	vor.u32 s22, v22;
	s22 =	rddreg [dreg:$0x8]  }
0x23: {  	s20 =	simm.s32 $0x1;
	v8 =	vor.u32 s24, v22;
	v9 =	vor.u32 s25, v22;
	s23 =	simm.s32 $0xBA00;
	v18 =	vor.u32 s22, v22;
	s22 =	rddreg [dreg:$0x5]  }
0x24: {  	s24 =	simm.s32 $0xC200;
	s25 =	simm.s32 $0xCA00;
	v12 =	vor.u32 s26, v22;
	s26 =	simm.s32 $0xD200;
	v19 =	vor.u32 s22, v22;
	v22 =	vor.u32 $0x8, v22  }
.LBB2_3:
0x25: {  	s13 =	sadd.s32 $0xFFFFFFFF, s13  }
0x26: {  	p1 =	sne.s32 s13, $0x0  }
.Ltmp1:
0x27: {  	_ = 	snop;
	(pc) =	sbr.rel @!p1 .LBB2_4-.Ltmp1, $1  }
0x28: {  	_ =	sdelay $0x3  }
.LBB2_1:
0x29: {  	[tilespmem:s4], [sflag:$0x3] =	stream.linear.gather [hbm4b:s5+s4], $0x50, $0x38;
	[tilespmem:$0x14280] =	vst v63  }
0x2a: {  	_ =	swait.ge [sflag:s14], $0x50  }
0x2b: {  	[sflag:s14] =	ssyncset.done $0x0  }
0x2c: {  	[sflag:s14] =	ssyncadd.s32 $0xFFFFFFB0  }
0x2d: {  	[tilespmem:s15], [sflag:$0x1] =	stream.linear.gather [hbm4b:s6+s4], $0x5000, $0x38;
	[tilespmem:$0x14280] =	vst v63  }
0x2e: {  	_ = 	snop  }
0x2f: {  	[tilespmem:s16], [sflag:$0x3] =	stream.linear.gather [hbm4b:s7+s4], $0x50, $0x38;
	[tilespmem:$0x14280] =	vst v63  }
0x30: {  	_ =	swait.ge [sflag:s14], $0x50  }
0x31: {  	[sflag:s14] =	ssyncset.done $0x0  }
0x32: {  	[sflag:s14] =	ssyncadd.s32 $0xFFFFFFB0  }
0x33: {  	[tilespmem:s17], [sflag:$0x1] =	stream.linear.gather [hbm4b:s8+s4], $0x5000, $0x38;
	[tilespmem:$0x14280] =	vst v63  }
0x34: {  	_ = 	snop  }
0x35: {  	[tilespmem:s18], [sflag:$0x3] =	stream.linear.gather [hbm4b:s9+s4], $0x50, $0x38;
	[tilespmem:$0x14280] =	vst v63  }
0x36: {  	_ =	swait.ge [sflag:s14], $0x50  }
0x37: {  	[sflag:s14] =	ssyncset.done $0x0  }
0x38: {  	[sflag:s14] =	ssyncadd.s32 $0xFFFFFFB0  }
0x39: {  	[tilespmem:s19], [sflag:$0x1] =	stream.linear.gather [hbm4b:s10+s4], $0x5000, $0x38;
	[tilespmem:$0x14280] =	vst v63  }
0x3a: {  	s21 =	simm.s32 @!p0 $0x0;
	s22 =	simm.s32 @!p0 $0x180  }
0x3b: {  	[tilespmem:s22], [sflag:$0x3] =	stream.linear.gather @!p0 [hbm4b:s11+s21], $0x50, $0x38;
	[tilespmem:$0x14280] =	vst v63  }
0x3c: {  	s22 =	simm.s32 @!p0 $0x3  }
0x3d: {  	_ =	swait.ge @!p0 [sflag:s22], $0x50  }
0x3e: {  	[sflag:s22] =	ssyncset.done @!p0 $0x0  }
0x3f: {  	[sflag:s22] =	ssyncadd.s32 @!p0 $0xFFFFFFB0;
	s22 =	simm.s32 @!p0 $0xF200  }
0x40: {  	[tilespmem:s22], [sflag:$0x1] =	stream.linear.gather @!p0 [hbm4b:s12+s21], $0x5000, $0x38;
	[tilespmem:$0x14280] =	vst v63  }
0x41: {  	_ =	swait.ge [sflag:s20], $0x5000  }
0x42: {  	[sflag:s20] =	ssyncset.done $0x0  }
0x43: {  	[sflag:s20] =	ssyncadd.s32 $0xFFFFB000  }
0x44: {  	v23 =	vld [tilespmem:$0x0];
	_ =	sdelay $0x4  }
0x45: {  	v24 =	vshll.u32 v23, $0x1  }
0x46: {  	v23 =	vand.u32 $0x7, v23;
	v24 =	vand.u32 $0xFFFFFFF0, v24  }
0x47: {  	v23 =	vor.u32 v23, v24  }
0x48: {  	v24 =	vperm.xlane v23, v20;
	_ =	sdelay $0x1  }
0x49: {  	v23 =	vperm.xlane v23, v22;
	v24 =	vadd.s32 v21, v24;
	_ =	sdelay $0x1  }
0x4a: {  	v23 =	vadd.s32 v21, v23;
	_ =	sdelay $0x2  }
0x4b: {  	[hbm4b:s2+s4] =	stream.indirect_vreg.scatter [tilespmem:s15], [sflag:$0x1], $0x80, v24, vm0, $0xb8;
	[tilespmem:$0x14280] =	vst v63  }
0x4c: {  	s22 =	simm.s32 $0xA00  }
0x4d: {  	[hbm4b:s2+s4] =	stream.indirect_vreg.scatter [tilespmem:s22], [sflag:$0x1], $0x80, v23, vm0, $0xb8;
	[tilespmem:$0x14280] =	vst v63  }
0x4e: {  	v23 =	vld [tilespmem:$0x10];
	_ =	sdelay $0x4  }
0x4f: {  	v50 =	vshll.u32 v23, $0x1  }
0x50: {  	v23 =	vand.u32 $0x7, v23;
	v24 =	vand.u32 $0xFFFFFFF0, v50  }
0x51: {  	v23 =	vor.u32 v23, v24  }
0x52: {  	v24 =	vperm.xlane v23, v20;
	_ =	sdelay $0x1  }
0x53: {  	v23 =	vperm.xlane v23, v22;
	v24 =	vadd.s32 v21, v24;
	_ =	sdelay $0x1  }
0x54: {  	v23 =	vadd.s32 v21, v23;
	_ =	sdelay $0x1  }
0x55: {  	s22 =	simm.s32 $0x1200  }
0x56: {  	[hbm4b:s2+s4] =	stream.indirect_vreg.scatter [tilespmem:s22], [sflag:$0x1], $0x80, v24, vm0, $0xb8;
	[tilespmem:$0x14280] =	vst v63  }
0x57: {  	s22 =	simm.s32 $0x1A00  }
0x58: {  	[hbm4b:s2+s4] =	stream.indirect_vreg.scatter [tilespmem:s22], [sflag:$0x1], $0x80, v23, vm0, $0xb8;
	[tilespmem:$0x14280] =	vst v63  }
0x59: {  	v23 =	vld [tilespmem:$0x20];
	_ =	sdelay $0x4  }
0x5a: {  	v51 =	vshll.u32 v23, $0x1  }
0x5b: {  	v23 =	vand.u32 $0x7, v23;
	v24 =	vand.u32 $0xFFFFFFF0, v51  }
0x5c: {  	v23 =	vor.u32 v23, v24  }
0x5d: {  	v24 =	vperm.xlane v23, v20;
	_ =	sdelay $0x1  }
0x5e: {  	v23 =	vperm.xlane v23, v22;
	v24 =	vadd.s32 v21, v24;
	_ =	sdelay $0x1  }
0x5f: {  	v23 =	vadd.s32 v21, v23;
	_ =	sdelay $0x1  }
0x60: {  	s22 =	simm.s32 $0x2200  }
0x61: {  	[hbm4b:s2+s4] =	stream.indirect_vreg.scatter [tilespmem:s22], [sflag:$0x1], $0x80, v24, vm0, $0xb8;
	[tilespmem:$0x14280] =	vst v63  }
0x62: {  	s22 =	simm.s32 $0x2A00  }
0x63: {  	[hbm4b:s2+s4] =	stream.indirect_vreg.scatter [tilespmem:s22], [sflag:$0x1], $0x80, v23, vm0, $0xb8;
	[tilespmem:$0x14280] =	vst v63  }
0x64: {  	v23 =	vld [tilespmem:$0x30];
	_ =	sdelay $0x4  }
0x65: {  	v52 =	vshll.u32 v23, $0x1  }
0x66: {  	v23 =	vand.u32 $0x7, v23;
	v24 =	vand.u32 $0xFFFFFFF0, v52  }
0x67: {  	v23 =	vor.u32 v23, v24  }
0x68: {  	v24 =	vperm.xlane v23, v20;
	_ =	sdelay $0x1  }
0x69: {  	v23 =	vperm.xlane v23, v22;
	v24 =	vadd.s32 v21, v24;
	_ =	sdelay $0x1  }
0x6a: {  	v23 =	vadd.s32 v21, v23;
	_ =	sdelay $0x1  }
0x6b: {  	s22 =	simm.s32 $0x3200  }
0x6c: {  	[hbm4b:s2+s4] =	stream.indirect_vreg.scatter [tilespmem:s22], [sflag:$0x1], $0x80, v24, vm0, $0xb8;
	[tilespmem:$0x14280] =	vst v63  }
0x6d: {  	s22 =	simm.s32 $0x3A00  }
0x6e: {  	[hbm4b:s2+s4] =	stream.indirect_vreg.scatter [tilespmem:s22], [sflag:$0x1], $0x80, v23, vm0, $0xb8;
	[tilespmem:$0x14280] =	vst v63  }
0x6f: {  	v23 =	vld [tilespmem:$0x40];
	_ =	sdelay $0x4  }
0x70: {  	v53 =	vshll.u32 v23, $0x1  }
0x71: {  	v23 =	vand.u32 $0x7, v23;
	v24 =	vand.u32 $0xFFFFFFF0, v53  }
0x72: {  	v23 =	vor.u32 v23, v24  }
0x73: {  	v24 =	vperm.xlane v23, v20;
	_ =	sdelay $0x1  }
0x74: {  	v23 =	vperm.xlane v23, v22;
	v24 =	vadd.s32 v21, v24;
	_ =	sdelay $0x1  }
0x75: {  	v23 =	vadd.s32 v21, v23;
	_ =	sdelay $0x1  }
0x76: {  	s22 =	simm.s32 $0x4200  }
0x77: {  	[hbm4b:s2+s4] =	stream.indirect_vreg.scatter [tilespmem:s22], [sflag:$0x1], $0x80, v24, vm0, $0xb8;
	[tilespmem:$0x14280] =	vst v63  }
0x78: {  	s22 =	simm.s32 $0x4A00  }
0x79: {  	[hbm4b:s2+s4] =	stream.indirect_vreg.scatter [tilespmem:s22], [sflag:$0x1], $0x80, v23, vm0, $0xb8;
	[tilespmem:$0x14280] =	vst v63  }
0x7a: {  	_ =	swait.ge [sflag:s20], $0x5000  }
0x7b: {  	[sflag:s20] =	ssyncset.done $0x0  }
0x7c: {  	[sflag:s20] =	ssyncadd.s32 $0xFFFFB000  }
0x7d: {  	[tilespmem:$0x14200] =	vst v0  }
0x7e: {  	[tilespmem:$0x14210] =	vst v1  }
0x7f: {  	[tilespmem:$0x14220] =	vst v2  }
0x80: {  	[tilespmem:$0x14230] =	vst v3  }
0x81: {  	[tilespmem:$0x14240] =	vst v4  }
0x82: {  	[hbm4b:s3+s31] =	stream.indirect.scatter [tilespmem:s1], [sflag:$0x2], $0x1, s4, s31, $0xb8;
	[tilespmem:$0x14280] =	vst v63  }
0x83: {  	_ =	swait.ge [sflag:s0], $0x50  }
0x84: {  	[sflag:s0] =	ssyncset.done $0x0  }
0x85: {  	[sflag:s0] =	ssyncadd.s32 $0xFFFFFFB0  }
0x86: {  	_ =	swait.ge [sflag:s20], $0x5000  }
0x87: {  	[sflag:s20] =	ssyncset.done $0x0  }
0x88: {  	[sflag:s20] =	ssyncadd.s32 $0xFFFFB000  }
0x89: {  	v23 =	vld [tilespmem:$0x80];
	_ =	sdelay $0x4  }
0x8a: {  	v54 =	vshll.u32 v23, $0x1  }
0x8b: {  	v23 =	vand.u32 $0x7, v23;
	v24 =	vand.u32 $0xFFFFFFF0, v54  }
0x8c: {  	v23 =	vor.u32 v23, v24  }
0x8d: {  	v24 =	vperm.xlane v23, v20;
	_ =	sdelay $0x1  }
0x8e: {  	v23 =	vperm.xlane v23, v22;
	v24 =	vadd.s32 v21, v24;
	_ =	sdelay $0x1  }
0x8f: {  	v23 =	vadd.s32 v21, v23;
	_ =	sdelay $0x2  }
0x90: {  	[hbm4b:s2+s4] =	stream.indirect_vreg.scatter [tilespmem:s17], [sflag:$0x1], $0x80, v24, vm0, $0xb8;
	[tilespmem:$0x14280] =	vst v63  }
0x91: {  	s22 =	simm.s32 $0x5A00  }
0x92: {  	[hbm4b:s2+s4] =	stream.indirect_vreg.scatter [tilespmem:s22], [sflag:$0x1], $0x80, v23, vm0, $0xb8;
	[tilespmem:$0x14280] =	vst v63  }
0x93: {  	v23 =	vld [tilespmem:$0x90];
	_ =	sdelay $0x4  }
0x94: {  	v55 =	vshll.u32 v23, $0x1  }
0x95: {  	v23 =	vand.u32 $0x7, v23;
	v24 =	vand.u32 $0xFFFFFFF0, v55  }
0x96: {  	v23 =	vor.u32 v23, v24  }
0x97: {  	v24 =	vperm.xlane v23, v20;
	_ =	sdelay $0x1  }
0x98: {  	v23 =	vperm.xlane v23, v22;
	v24 =	vadd.s32 v21, v24;
	_ =	sdelay $0x1  }
0x99: {  	v23 =	vadd.s32 v21, v23;
	_ =	sdelay $0x1  }
0x9a: {  	s22 =	simm.s32 $0x6200  }
0x9b: {  	[hbm4b:s2+s4] =	stream.indirect_vreg.scatter [tilespmem:s22], [sflag:$0x1], $0x80, v24, vm0, $0xb8;
	[tilespmem:$0x14280] =	vst v63  }
0x9c: {  	s22 =	simm.s32 $0x6A00  }
0x9d: {  	[hbm4b:s2+s4] =	stream.indirect_vreg.scatter [tilespmem:s22], [sflag:$0x1], $0x80, v23, vm0, $0xb8;
	[tilespmem:$0x14280] =	vst v63  }
0x9e: {  	v23 =	vld [tilespmem:$0xA0];
	_ =	sdelay $0x4  }
0x9f: {  	v56 =	vshll.u32 v23, $0x1  }
0xa0: {  	v23 =	vand.u32 $0x7, v23;
	v24 =	vand.u32 $0xFFFFFFF0, v56  }
0xa1: {  	v23 =	vor.u32 v23, v24  }
0xa2: {  	v24 =	vperm.xlane v23, v20;
	_ =	sdelay $0x1  }
0xa3: {  	v23 =	vperm.xlane v23, v22;
	v24 =	vadd.s32 v21, v24;
	_ =	sdelay $0x1  }
0xa4: {  	v23 =	vadd.s32 v21, v23;
	_ =	sdelay $0x1  }
0xa5: {  	s22 =	simm.s32 $0x7200  }
0xa6: {  	[hbm4b:s2+s4] =	stream.indirect_vreg.scatter [tilespmem:s22], [sflag:$0x1], $0x80, v24, vm0, $0xb8;
	[tilespmem:$0x14280] =	vst v63  }
0xa7: {  	s22 =	simm.s32 $0x7A00  }
0xa8: {  	[hbm4b:s2+s4] =	stream.indirect_vreg.scatter [tilespmem:s22], [sflag:$0x1], $0x80, v23, vm0, $0xb8;
	[tilespmem:$0x14280] =	vst v63  }
0xa9: {  	v23 =	vld [tilespmem:$0xB0];
	_ =	sdelay $0x4  }
0xaa: {  	v57 =	vshll.u32 v23, $0x1  }
0xab: {  	v23 =	vand.u32 $0x7, v23;
	v24 =	vand.u32 $0xFFFFFFF0, v57  }
0xac: {  	v23 =	vor.u32 v23, v24  }
0xad: {  	v24 =	vperm.xlane v23, v20;
	_ =	sdelay $0x1  }
0xae: {  	v23 =	vperm.xlane v23, v22;
	v24 =	vadd.s32 v21, v24;
	_ =	sdelay $0x1  }
0xaf: {  	v23 =	vadd.s32 v21, v23;
	_ =	sdelay $0x1  }
0xb0: {  	s22 =	simm.s32 $0x8200  }
0xb1: {  	[hbm4b:s2+s4] =	stream.indirect_vreg.scatter [tilespmem:s22], [sflag:$0x1], $0x80, v24, vm0, $0xb8;
	[tilespmem:$0x14280] =	vst v63  }
0xb2: {  	s22 =	simm.s32 $0x8A00  }
0xb3: {  	[hbm4b:s2+s4] =	stream.indirect_vreg.scatter [tilespmem:s22], [sflag:$0x1], $0x80, v23, vm0, $0xb8;
	[tilespmem:$0x14280] =	vst v63  }
0xb4: {  	v23 =	vld [tilespmem:$0xC0];
	_ =	sdelay $0x4  }
0xb5: {  	v58 =	vshll.u32 v23, $0x1  }
0xb6: {  	v23 =	vand.u32 $0x7, v23;
	v24 =	vand.u32 $0xFFFFFFF0, v58  }
0xb7: {  	v23 =	vor.u32 v23, v24  }
0xb8: {  	v24 =	vperm.xlane v23, v20;
	_ =	sdelay $0x1  }
0xb9: {  	v23 =	vperm.xlane v23, v22;
	v24 =	vadd.s32 v21, v24;
	_ =	sdelay $0x1  }
0xba: {  	v23 =	vadd.s32 v21, v23;
	_ =	sdelay $0x1  }
0xbb: {  	s22 =	simm.s32 $0x9200  }
0xbc: {  	[hbm4b:s2+s4] =	stream.indirect_vreg.scatter [tilespmem:s22], [sflag:$0x1], $0x80, v24, vm0, $0xb8;
	[tilespmem:$0x14280] =	vst v63  }
0xbd: {  	s22 =	simm.s32 $0x9A00  }
0xbe: {  	[hbm4b:s2+s4] =	stream.indirect_vreg.scatter [tilespmem:s22], [sflag:$0x1], $0x80, v23, vm0, $0xb8;
	[tilespmem:$0x14280] =	vst v63  }
0xbf: {  	_ =	swait.ge [sflag:s20], $0x5000  }
0xc0: {  	[sflag:s20] =	ssyncset.done $0x0  }
0xc1: {  	[sflag:s20] =	ssyncadd.s32 $0xFFFFB000  }
0xc2: {  	[tilespmem:$0x14200] =	vst v5  }
0xc3: {  	[tilespmem:$0x14210] =	vst v6  }
0xc4: {  	[tilespmem:$0x14220] =	vst v7  }
0xc5: {  	[tilespmem:$0x14230] =	vst v8  }
0xc6: {  	[tilespmem:$0x14240] =	vst v9  }
0xc7: {  	[hbm4b:s3+s31] =	stream.indirect.scatter [tilespmem:s1], [sflag:$0x2], $0x1, s16, s31, $0xb8;
	[tilespmem:$0x14280] =	vst v63  }
0xc8: {  	_ =	swait.ge [sflag:s0], $0x50  }
0xc9: {  	[sflag:s0] =	ssyncset.done $0x0  }
0xca: {  	[sflag:s0] =	ssyncadd.s32 $0xFFFFFFB0  }
0xcb: {  	_ =	swait.ge [sflag:s20], $0x5000  }
0xcc: {  	[sflag:s20] =	ssyncset.done $0x0  }
0xcd: {  	[sflag:s20] =	ssyncadd.s32 $0xFFFFB000  }
0xce: {  	v23 =	vld [tilespmem:$0x100];
	_ =	sdelay $0x4  }
0xcf: {  	v59 =	vshll.u32 v23, $0x1  }
0xd0: {  	v23 =	vand.u32 $0x7, v23;
	v24 =	vand.u32 $0xFFFFFFF0, v59  }
0xd1: {  	v23 =	vor.u32 v23, v24  }
0xd2: {  	v24 =	vperm.xlane v23, v20;
	_ =	sdelay $0x1  }
0xd3: {  	v23 =	vperm.xlane v23, v22;
	v24 =	vadd.s32 v21, v24;
	_ =	sdelay $0x1  }
0xd4: {  	v23 =	vadd.s32 v21, v23;
	_ =	sdelay $0x2  }
0xd5: {  	[hbm4b:s2+s4] =	stream.indirect_vreg.scatter [tilespmem:s19], [sflag:$0x1], $0x80, v24, vm0, $0xb8;
	[tilespmem:$0x14280] =	vst v63  }
0xd6: {  	s22 =	simm.s32 $0xAA00  }
0xd7: {  	[hbm4b:s2+s4] =	stream.indirect_vreg.scatter [tilespmem:s22], [sflag:$0x1], $0x80, v23, vm0, $0xb8;
	[tilespmem:$0x14280] =	vst v63  }
0xd8: {  	v23 =	vld [tilespmem:$0x110];
	_ =	sdelay $0x4  }
0xd9: {  	v60 =	vshll.u32 v23, $0x1  }
0xda: {  	v23 =	vand.u32 $0x7, v23;
	v24 =	vand.u32 $0xFFFFFFF0, v60  }
0xdb: {  	v23 =	vor.u32 v23, v24  }
0xdc: {  	v24 =	vperm.xlane v23, v20;
	_ =	sdelay $0x1  }
0xdd: {  	v23 =	vperm.xlane v23, v22;
	v24 =	vadd.s32 v21, v24;
	_ =	sdelay $0x1  }
0xde: {  	v23 =	vadd.s32 v21, v23;
	_ =	sdelay $0x1  }
0xdf: {  	s22 =	simm.s32 $0xB200  }
0xe0: {  	[hbm4b:s2+s4] =	stream.indirect_vreg.scatter [tilespmem:s22], [sflag:$0x1], $0x80, v24, vm0, $0xb8;
	[tilespmem:$0x14280] =	vst v63  }
0xe1: {  	_ = 	snop  }
0xe2: {  	[hbm4b:s2+s4] =	stream.indirect_vreg.scatter [tilespmem:s23], [sflag:$0x1], $0x80, v23, vm0, $0xb8;
	[tilespmem:$0x14280] =	vst v63  }
0xe3: {  	v23 =	vld [tilespmem:$0x120];
	_ =	sdelay $0x4  }
0xe4: {  	v61 =	vshll.u32 v23, $0x1  }
0xe5: {  	v23 =	vand.u32 $0x7, v23;
	v24 =	vand.u32 $0xFFFFFFF0, v61  }
0xe6: {  	v23 =	vor.u32 v23, v24  }
0xe7: {  	v24 =	vperm.xlane v23, v20;
	_ =	sdelay $0x1  }
0xe8: {  	v23 =	vperm.xlane v23, v22;
	v24 =	vadd.s32 v21, v24;
	_ =	sdelay $0x1  }
0xe9: {  	v23 =	vadd.s32 v21, v23;
	_ =	sdelay $0x2  }
0xea: {  	[hbm4b:s2+s4] =	stream.indirect_vreg.scatter [tilespmem:s24], [sflag:$0x1], $0x80, v24, vm0, $0xb8;
	[tilespmem:$0x14280] =	vst v63  }
0xeb: {  	_ = 	snop  }
0xec: {  	[hbm4b:s2+s4] =	stream.indirect_vreg.scatter [tilespmem:s25], [sflag:$0x1], $0x80, v23, vm0, $0xb8;
	[tilespmem:$0x14280] =	vst v63  }
0xed: {  	v23 =	vld [tilespmem:$0x130];
	_ =	sdelay $0x4  }
0xee: {  	v62 =	vshll.u32 v23, $0x1  }
0xef: {  	v23 =	vand.u32 $0x7, v23;
	v24 =	vand.u32 $0xFFFFFFF0, v62  }
0xf0: {  	v23 =	vor.u32 v23, v24  }
0xf1: {  	v24 =	vperm.xlane v23, v20;
	_ =	sdelay $0x1  }
0xf2: {  	v23 =	vperm.xlane v23, v22;
	v24 =	vadd.s32 v21, v24;
	_ =	sdelay $0x1  }
0xf3: {  	v23 =	vadd.s32 v21, v23;
	_ =	sdelay $0x2  }
0xf4: {  	[hbm4b:s2+s4] =	stream.indirect_vreg.scatter [tilespmem:s26], [sflag:$0x1], $0x80, v24, vm0, $0xb8;
	[tilespmem:$0x14280] =	vst v63  }
0xf5: {  	_ = 	snop  }
0xf6: {  	[hbm4b:s2+s4] =	stream.indirect_vreg.scatter [tilespmem:s28], [sflag:$0x1], $0x80, v23, vm0, $0xb8;
	[tilespmem:$0x14280] =	vst v63  }
0xf7: {  	v23 =	vld [tilespmem:$0x140];
	_ =	sdelay $0x4  }
0xf8: {  	v63 =	vshll.u32 v23, $0x1  }
0xf9: {  	v23 =	vand.u32 $0x7, v23;
	v24 =	vand.u32 $0xFFFFFFF0, v63  }
0xfa: {  	v23 =	vor.u32 v23, v24  }
0xfb: {  	v24 =	vperm.xlane v23, v20;
	_ =	sdelay $0x1  }
0xfc: {  	v23 =	vperm.xlane v23, v22;
	v24 =	vadd.s32 v21, v24;
	_ =	sdelay $0x1  }
0xfd: {  	v23 =	vadd.s32 v21, v23;
	_ =	sdelay $0x2  }
0xfe: {  	[hbm4b:s2+s4] =	stream.indirect_vreg.scatter [tilespmem:s29], [sflag:$0x1], $0x80, v24, vm0, $0xb8;
	[tilespmem:$0x14280] =	vst v63  }
0xff: {  	_ = 	snop  }
0x100: {  	[hbm4b:s2+s4] =	stream.indirect_vreg.scatter [tilespmem:s30], [sflag:$0x1], $0x80, v23, vm0, $0xb8;
	[tilespmem:$0x14280] =	vst v63  }
0x101: {  	_ =	swait.ge [sflag:s20], $0x5000  }
0x102: {  	[sflag:s20] =	ssyncset.done $0x0  }
0x103: {  	[sflag:s20] =	ssyncadd.s32 $0xFFFFB000  }
0x104: {  	[tilespmem:$0x14200] =	vst v10  }
0x105: {  	[tilespmem:$0x14210] =	vst v11  }
0x106: {  	[tilespmem:$0x14220] =	vst v12  }
0x107: {  	[tilespmem:$0x14230] =	vst v13  }
.Ltmp2:
0x108: {  	[tilespmem:$0x14240] =	vst v14;
	(pc) =	sbr.rel @p0 .LBB2_3-.Ltmp2, $4  }
0x109: {  	[hbm4b:s3+s31] =	stream.indirect.scatter [tilespmem:s1], [sflag:$0x2], $0x1, s18, s31, $0xb8;
	[tilespmem:$0x14280] =	vst v63  }
0x10a: {  	_ =	swait.ge [sflag:s0], $0x50  }
0x10b: {  	[sflag:s0] =	ssyncset.done $0x0  }
0x10c: {  	[sflag:s0] =	ssyncadd.s32 $0xFFFFFFB0  }
0x10d: {  	_ =	swait.ge [sflag:s20], $0x5000  }
0x10e: {  	[sflag:s20] =	ssyncset.done $0x0  }
0x10f: {  	[sflag:s20] =	ssyncadd.s32 $0xFFFFB000  }
0x110: {  	v23 =	vld [tilespmem:$0x180];
	_ =	sdelay $0x4  }
0x111: {  	v24 =	vshll.u32 v23, $0x1  }
0x112: {  	v23 =	vand.u32 $0x7, v23;
	v24 =	vand.u32 $0xFFFFFFF0, v24  }
0x113: {  	v23 =	vor.u32 v23, v24  }
0x114: {  	v24 =	vperm.xlane v23, v20;
	_ =	sdelay $0x1  }
0x115: {  	v23 =	vperm.xlane v23, v22;
	v24 =	vadd.s32 v21, v24;
	_ =	sdelay $0x1  }
0x116: {  	v23 =	vadd.s32 v21, v23;
	_ =	sdelay $0x1  }
0x117: {  	s21 =	simm.s32 $0xF200  }
0x118: {  	[hbm4b:s2+s4] =	stream.indirect_vreg.scatter [tilespmem:s21], [sflag:$0x1], $0x80, v24, vm0, $0xb8;
	[tilespmem:$0x14280] =	vst v63  }
0x119: {  	s22 =	simm.s32 $0xFA00  }
0x11a: {  	[hbm4b:s2+s4] =	stream.indirect_vreg.scatter [tilespmem:s22], [sflag:$0x1], $0x80, v23, vm0, $0xb8;
	[tilespmem:$0x14280] =	vst v63  }
0x11b: {  	v23 =	vld [tilespmem:$0x190];
	_ =	sdelay $0x4  }
0x11c: {  	v60 =	vshll.u32 v23, $0x1  }
0x11d: {  	v23 =	vand.u32 $0x7, v23;
	v24 =	vand.u32 $0xFFFFFFF0, v60  }
0x11e: {  	v23 =	vor.u32 v23, v24  }
0x11f: {  	v24 =	vperm.xlane v23, v20;
	_ =	sdelay $0x1  }
0x120: {  	v23 =	vperm.xlane v23, v22;
	v24 =	vadd.s32 v21, v24;
	_ =	sdelay $0x1  }
0x121: {  	v23 =	vadd.s32 v21, v23;
	_ =	sdelay $0x1  }
0x122: {  	s22 =	simm.s32 $0x10200  }
0x123: {  	[hbm4b:s2+s4] =	stream.indirect_vreg.scatter [tilespmem:s22], [sflag:$0x1], $0x80, v24, vm0, $0xb8;
	[tilespmem:$0x14280] =	vst v63  }
0x124: {  	s22 =	simm.s32 $0x10A00  }
0x125: {  	[hbm4b:s2+s4] =	stream.indirect_vreg.scatter [tilespmem:s22], [sflag:$0x1], $0x80, v23, vm0, $0xb8;
	[tilespmem:$0x14280] =	vst v63  }
0x126: {  	v23 =	vld [tilespmem:$0x1A0];
	_ =	sdelay $0x4  }
0x127: {  	v61 =	vshll.u32 v23, $0x1  }
0x128: {  	v23 =	vand.u32 $0x7, v23;
	v24 =	vand.u32 $0xFFFFFFF0, v61  }
0x129: {  	v23 =	vor.u32 v23, v24  }
0x12a: {  	v24 =	vperm.xlane v23, v20;
	_ =	sdelay $0x1  }
0x12b: {  	v23 =	vperm.xlane v23, v22;
	v24 =	vadd.s32 v21, v24;
	_ =	sdelay $0x1  }
0x12c: {  	v23 =	vadd.s32 v21, v23;
	_ =	sdelay $0x1  }
0x12d: {  	s22 =	simm.s32 $0x11200  }
0x12e: {  	[hbm4b:s2+s4] =	stream.indirect_vreg.scatter [tilespmem:s22], [sflag:$0x1], $0x80, v24, vm0, $0xb8;
	[tilespmem:$0x14280] =	vst v63  }
0x12f: {  	s22 =	simm.s32 $0x11A00  }
0x130: {  	[hbm4b:s2+s4] =	stream.indirect_vreg.scatter [tilespmem:s22], [sflag:$0x1], $0x80, v23, vm0, $0xb8;
	[tilespmem:$0x14280] =	vst v63  }
0x131: {  	v23 =	vld [tilespmem:$0x1B0];
	_ =	sdelay $0x4  }
0x132: {  	v62 =	vshll.u32 v23, $0x1  }
0x133: {  	v23 =	vand.u32 $0x7, v23;
	v24 =	vand.u32 $0xFFFFFFF0, v62  }
0x134: {  	v23 =	vor.u32 v23, v24  }
0x135: {  	v24 =	vperm.xlane v23, v20;
	_ =	sdelay $0x1  }
0x136: {  	v23 =	vperm.xlane v23, v22;
	v24 =	vadd.s32 v21, v24;
	_ =	sdelay $0x1  }
0x137: {  	v23 =	vadd.s32 v21, v23;
	_ =	sdelay $0x1  }
0x138: {  	s22 =	simm.s32 $0x12200  }
0x139: {  	[hbm4b:s2+s4] =	stream.indirect_vreg.scatter [tilespmem:s22], [sflag:$0x1], $0x80, v24, vm0, $0xb8;
	[tilespmem:$0x14280] =	vst v63  }
0x13a: {  	s22 =	simm.s32 $0x12A00  }
0x13b: {  	[hbm4b:s2+s4] =	stream.indirect_vreg.scatter [tilespmem:s22], [sflag:$0x1], $0x80, v23, vm0, $0xb8;
	[tilespmem:$0x14280] =	vst v63  }
0x13c: {  	v23 =	vld [tilespmem:$0x1C0];
	_ =	sdelay $0x4  }
0x13d: {  	v63 =	vshll.u32 v23, $0x1  }
0x13e: {  	v23 =	vand.u32 $0x7, v23;
	v24 =	vand.u32 $0xFFFFFFF0, v63  }
0x13f: {  	v23 =	vor.u32 v23, v24  }
0x140: {  	v24 =	vperm.xlane v23, v20;
	_ =	sdelay $0x1  }
0x141: {  	v23 =	vperm.xlane v23, v22;
	v24 =	vadd.s32 v21, v24;
	_ =	sdelay $0x1  }
0x142: {  	v23 =	vadd.s32 v21, v23;
	_ =	sdelay $0x1  }
0x143: {  	s22 =	simm.s32 $0x13200  }
0x144: {  	[hbm4b:s2+s4] =	stream.indirect_vreg.scatter [tilespmem:s22], [sflag:$0x1], $0x80, v24, vm0, $0xb8;
	[tilespmem:$0x14280] =	vst v63  }
0x145: {  	s22 =	simm.s32 $0x13A00  }
0x146: {  	[hbm4b:s2+s4] =	stream.indirect_vreg.scatter [tilespmem:s22], [sflag:$0x1], $0x80, v23, vm0, $0xb8;
	[tilespmem:$0x14280] =	vst v63  }
0x147: {  	_ =	swait.ge [sflag:s20], $0x5000  }
0x148: {  	[sflag:s20] =	ssyncset.done $0x0  }
0x149: {  	[sflag:s20] =	ssyncadd.s32 $0xFFFFB000  }
0x14a: {  	[tilespmem:$0x14200] =	vst v15  }
0x14b: {  	[tilespmem:$0x14210] =	vst v16  }
0x14c: {  	[tilespmem:$0x14220] =	vst v17  }
0x14d: {  	[tilespmem:$0x14230] =	vst v18  }
.Ltmp3:
0x14e: {  	s22 =	simm.s32 $0x180;
	[tilespmem:$0x14240] =	vst v19;
	(pc) =	sbr.rel .LBB2_3-.Ltmp3, $4  }
0x14f: {  	[hbm4b:s3+s31] =	stream.indirect.scatter [tilespmem:s1], [sflag:$0x2], $0x1, s22, s31, $0xb8;
	[tilespmem:$0x14280] =	vst v63  }
0x150: {  	_ =	swait.ge [sflag:s0], $0x50  }
0x151: {  	[sflag:s0] =	ssyncset.done $0x0  }
0x152: {  	[sflag:s0] =	ssyncadd.s32 $0xFFFFFFB0  }
.LBB2_4:
0x153: {  	_ =	sfence.sel $0x180000  }
0x154: {  	[bflag:$0x0] =	sbarrier.arrive $0xFFFF  }
0x155: {  	_ =	strace $0x90000059  }
0x156: {  	s0 =	stileid.u32;
	[bflag:$0x2] =	sbarrier.arrive $0xFFFF  }
0x157: {  	p0 =	sne.s32 s0, $0x0;
	s0 =	rddreg [dreg:$0x4]  }
0x158: {  	s0 =	sadd.s32 @!p0 $0x100000, s0  }
0x159: {  	[sflag:s0] =	ssyncadd.tile.s32 @!p0 $0x1;
	_ =	shalt  }
.Lfunc_end2:
_tile_overlayer_lowered:
.L_overlay_start_2:
0x15a: {  	(tag) =	ssettag $0x2  }
0x15b: {  	s0 =	rddreg [dreg:$0x0];
	s2 =	stileid.u32  }
0x15c: {  	s1 =	rddreg [dreg:$0x1];
	p0 =	sne.s32 s2, $0x0  }
0x15d: {  	s3 =	rddreg [dreg:$0x2];
	[bflag:$0x3] =	sbarrier.arrive $0xFFFF;
	s2 =	simm.s32 @!p0 $0x1C03  }
0x15e: {  	[timem:s3], [sflag:s2] =	dma.local @!p0 [hbm:s0], s1  }
0x15f: {  	s0 =	simm.s32 @!p0 $0x3  }
0x160: {  	_ =	swait.ge @!p0 [sflag:s0], s1  }
0x161: {  	s1 =	ssub.s32 @!p0 $0x0, s1;
	[sflag:s0] =	ssyncset.done @!p0 $0x0  }
0x162: {  	[sflag:s0] =	ssyncadd.s32 @!p0 s1  }
0x163: {  	[bflag:$0x3] =	sbarrier.arrive $0xFFFF  }
0x164: {  	_ =	shalt  }

// kernel: kernel.8.cloned.1.call-start
scs
__scs_entry_jumppad:
0x0: {  	(pc) =	sbr.rel $0x88, $3  }
0x1: {  	(tag) =	ssettag $0x0;
	lr =	simm.s32 $0x1  }
0x2: {  	[smem:$0x3F9B] =	sst lr;
	_ =	strace $0xD0000000  }
0x3: {  	_ = 	snop  }
0x4: {  	_ = 	snop  }
0x5: {  	_ = 	snop  }
0x6: {  	_ = 	snop  }
0x7: {  	_ = 	snop  }
__scs_overlays_trampoline_lowered:
0x8: {  	[smem:$0x3FAA] =	sst s0  }
0x9: {  	[smem:$0x3FAB] =	sst s1  }
0xa: {  	[smem:$0x3FAC] =	sst s2  }
0xb: {  	[smem:$0x3FAD] =	sst s3  }
0xc: {  	[smem:$0x3FAE] =	sst s4  }
0xd: {  	[smem:$0x3FAF] =	sst s5  }
0xe: {  	[smem:$0x3FB0] =	sst s6  }
0xf: {  	[smem:$0x3FB1] =	sst s7  }
0x10: {  	[smem:$0x3FB2] =	sst s8  }
0x11: {  	[smem:$0x3FB3] =	sst s9;
	s0 =	simm.s32 @!p0 $0x0  }
0x12: {  	s1 =	sld [smem:$0x3F99];
	s0 =	simm.s32 @p0 $0x1  }
0x13: {  	[smem:$0x3FB4] =	sst s0;
	s0 =	simm.s32 @!p1 $0x0  }
0x14: {  	s2 =	sld [smem:$0x3F98];
	s0 =	simm.s32 @p1 $0x1  }
0x15: {  	[smem:$0x3FB5] =	sst s0;
	s0 =	simm.s32 @!p2 $0x0  }
0x16: {  	s3 =	sld [smem:$0x3FDB];
	s0 =	simm.s32 @p2 $0x1  }
0x17: {  	s4 =	simm.s32 $0x1BF5;
	[smem:$0x3FB7] =	sst s0  }
0x18: {  	s0 =	sld [smem:$0x3F9A];
	_ =	swait.ge [sflag:s4], $0x0  }
0x19: {  	s7 =	sld [smem:$0x3F9B]  }
0x1a: {  	s8 =	sadd.s32 $0xFFFFE003, lr  }
0x1b: {  	s9 =	sadd.s32 $0xFFFFFEF7, lr;
	s5 =	simm.s32 $0xFFFFFFFF;
	p2 =	slt.u32 s8, $0xFFFFF086  }
0x1c: {  	p1 =	slt.u32 s9, $0xF7A;
	s5 =	simm.s32 @!p2 $0x0  }
0x1d: {  	s5 =	simm.s32 @p1 $0x1;
	p0 =	seq.s32 s7, s2  }
0x1e: {  	s7 =	smul.u32 @!p0 $0xF7A, s2;
	p2 =	seq.s32 @!p0 s5, $0x0  }
0x1f: {  	s9 =	smul.u32 $0xF7A, s1;
	s8 =	simm.s32 @!p0 $0x1BF5;
	p2 =	por !p2, p0  }
0x20: {  	[sflag:s8] =	ssyncset.s32 @!p0 $0xFFFFF086;
	s6 =	sadd.s32 @!p0 s3, s7;
	s7 =	simm.s32 @!p0 $0x108  }
0x21: {  	s3 =	sadd.s32 s3, s9;
	s6 =	sadd.s32 @!p0 $0x88, s6;
	s7 =	simm.s32 @p2 $0x1082  }
0x22: {  	[simem:s7], [sflag:s8] =	dma.local @!p0 [hbm:s6], $0xF7A  }
0x23: {  	s9 =	sor.u32 $0xD0000000, s2;
	s6 =	simm.s32 $0x108;
	_ =	swait.ge @!p0 [sflag:s8], $0x0  }
0x24: {  	s3 =	sadd.s32 $0x88, s3;
	s6 =	simm.s32 @!p1 $0x1082;
	[sflag:s4] =	ssyncset.s32 $0xFFFFF086  }
0x25: {  	[simem:s6], [sflag:s4] =	dma.local [hbm:s3], $0xF7A  }
0x26: {  	[smem:$0x3F9B] =	sst s1;
	(tag) =	ssettag s2;
	_ =	strace s9  }
0x27: {  	s1 =	sld [smem:$0x3FAB]  }
0x28: {  	s2 =	sld [smem:$0x3FAC]  }
0x29: {  	s4 =	sld [smem:$0x3FAE]  }
0x2a: {  	p0 =	seq.s32 s5, $0x0;
	s5 =	sld [smem:$0x3FAF]  }
0x2b: {  	s6 =	sld [smem:$0x3FB0]  }
0x2c: {  	s7 =	sld [smem:$0x3FB1]  }
0x2d: {  	s3 =	simm.s32 $0x108;
	s8 =	sld [smem:$0x3FB2]  }
0x2e: {  	s3 =	simm.s32 @!p0 $0x1082;
	s9 =	sld [smem:$0x3FB3]  }
0x2f: {  	lr =	sadd.s32 s0, s3;
	s0 =	sld [smem:$0x3FAA]  }
0x30: {  	s3 =	sld [smem:$0x3FAD]  }
0x31: {  	[smem:$0x3FB6] =	sst s10  }
0x32: {  	s10 =	sld [smem:$0x3FB4];
	_ =	sdelay $0x3  }
0x33: {  	p0 =	seq.s32 s10, $0x1;
	s10 =	sld [smem:$0x3FB6];
	_ =	sdelay $0x3  }
0x34: {  	[smem:$0x3FB6] =	sst s10  }
0x35: {  	s10 =	sld [smem:$0x3FB5];
	_ =	sdelay $0x3  }
0x36: {  	p1 =	seq.s32 s10, $0x1;
	s10 =	sld [smem:$0x3FB6];
	_ =	sdelay $0x3  }
0x37: {  	[smem:$0x3FB6] =	sst s10  }
0x38: {  	s10 =	sld [smem:$0x3FB7]  }
0x39: {  	_ = 	snop;
	(pc) =	sbr.ind lr, $3  }
0x3a: {  	_ = 	snop  }
0x3b: {  	_ = 	snop  }
0x3c: {  	p2 =	seq.s32 s10, $0x1;
	s10 =	sld [smem:$0x3FB6]  }
0x3d: {  	_ =	shalt  }
0x3e: {  	_ =	shalt  }
0x3f: {  	_ =	shalt  }
0x40: {  	_ =	shalt  }
0x41: {  	_ =	shalt  }
0x42: {  	_ =	shalt  }
0x43: {  	_ =	shalt  }
0x44: {  	_ =	shalt  }
0x45: {  	_ =	shalt  }
0x46: {  	_ =	shalt  }
0x47: {  	_ =	shalt  }
0x48: {  	_ =	shalt  }
0x49: {  	_ =	shalt  }
0x4a: {  	_ =	shalt  }
0x4b: {  	_ =	shalt  }
0x4c: {  	_ =	shalt  }
0x4d: {  	_ =	shalt  }
0x4e: {  	_ =	shalt  }
0x4f: {  	_ =	shalt  }
0x50: {  	_ =	shalt  }
0x51: {  	_ =	shalt  }
0x52: {  	_ =	shalt  }
0x53: {  	_ =	shalt  }
0x54: {  	_ =	shalt  }
0x55: {  	_ =	shalt  }
0x56: {  	_ =	shalt  }
0x57: {  	_ =	shalt  }
0x58: {  	_ =	shalt  }
0x59: {  	_ =	shalt  }
0x5a: {  	_ =	shalt  }
0x5b: {  	_ =	shalt  }
0x5c: {  	_ =	shalt  }
0x5d: {  	_ =	shalt  }
0x5e: {  	_ =	shalt  }
0x5f: {  	_ =	shalt  }
0x60: {  	_ =	shalt  }
0x61: {  	_ =	shalt  }
0x62: {  	_ =	shalt  }
0x63: {  	_ =	shalt  }
0x64: {  	_ =	shalt  }
0x65: {  	_ =	shalt  }
0x66: {  	_ =	shalt  }
0x67: {  	_ =	shalt  }
0x68: {  	_ =	shalt  }
0x69: {  	_ =	shalt  }
0x6a: {  	_ =	shalt  }
0x6b: {  	_ =	shalt  }
0x6c: {  	_ =	shalt  }
0x6d: {  	_ =	shalt  }
0x6e: {  	_ =	shalt  }
0x6f: {  	_ =	shalt  }
0x70: {  	_ =	shalt  }
0x71: {  	_ =	shalt  }
0x72: {  	_ =	shalt  }
0x73: {  	_ =	shalt  }
0x74: {  	_ =	shalt  }
0x75: {  	_ =	shalt  }
0x76: {  	_ =	shalt  }
0x77: {  	_ =	shalt  }
0x78: {  	_ =	shalt  }
0x79: {  	_ =	shalt  }
0x7a: {  	_ =	shalt  }
0x7b: {  	_ =	shalt  }
0x7c: {  	_ =	shalt  }
0x7d: {  	_ =	shalt  }
0x7e: {  	_ =	shalt  }
0x7f: {  	_ =	shalt  }
0x80: {  	_ =	shalt  }
0x81: {  	_ =	shalt  }
0x82: {  	_ =	shalt  }
0x83: {  	_ =	shalt  }
0x84: {  	_ =	shalt  }
0x85: {  	_ =	shalt  }
0x86: {  	_ =	shalt  }
0x87: {  	_ =	shalt  }
.Lfunc_end0:
.L_simem_size_0:
called_computation.2_lowered:
.L_overlay_start_0:
0x88: {  	s2 =	sld [smem:$0x3FD9]  }
0x89: {  	s3 =	sld [smem:$0x3FFE];
	_ =	sdelay $0x1  }
0x8a: {  	s1 =	srdreg.scid  }
0x8b: {  	s0 =	sand.u32 $0x1, s1  }
0x8c: {  	s14 =	sshll.u32 s0, $0xA;
	s2 =	sadd.s32 s3, s2  }
0x8d: {  	s2 =	sadd.s32 s2, s14  }
0x8e: {  	[smem:$0x3FC2] =	sst s2  }
0x8f: {  	_ = 	snop  }
0x90: {  	s2 =	sld [smem:$0x3FD0];
	_ =	sdelay $0x2  }
0x91: {  	s15 =	simm.s32 $0xB;
	s4 =	simm.s32 $0x10  }
0x92: {  	[smem:s4], [sflag:s15] =	dma.local [hbm:s2], $0x1  }
0x93: {  	_ =	swait.eq [sflag:s15], $0x1  }
0x94: {  	s16 =	sld [smem:$0x10];
	[sflag:s15] =	ssyncset.done $0x0  }
0x95: {  	s17 =	sld [smem:$0x11];
	[sflag:s15] =	ssyncadd.s32 $0xFFFFFFFF  }
0x96: {  	s18 =	sld [smem:$0x12];
	(tm) =	ssettm $0x1  }
0x97: {  	s5 =	sld [smem:$0x3FFB];
	_ =	sdelay $0x3  }
0x98: {  	_ =	strace s5  }
0x99: {  	s5 =	sld [smem:$0x3FFC];
	_ =	sdelay $0x3  }
0x9a: {  	_ =	strace s5  }
0x9b: {  	s5 =	sld [smem:$0x3FFD];
	_ =	sdelay $0x3  }
0x9c: {  	_ =	strace s5  }
0x9d: {  	_ =	strace $0x8FFFFFFF  }
0x9e: {  	s19 =	sld [smem:$0x3FDB];
	_ =	sdelay $0x1  }
0x9f: {  	s6 =	simm.s32 $_scs_section_size  }
0xa0: {  	s7 =	simm.s32 $_size__tile_overlayer_lowered;
	s8 =	simm.s32 $_tile_overlayer_lowered  }
0xa1: {  	s22 =	simm.s32 $0x1BFF;
	s21 =	sshll.u32 s8, $0x1;
	s5 =	sadd.s32 s6, s19  }
0xa2: {  	s9 =	simm.s32 $0x0;
	s20 =	sshll.u32 s7, $0x1;
	s7 =	sadd.s32 s21, s5  }
0xa3: {  	[timem:s9], [sflag:s22] =	dma.local [hbm:s7], s20  }
0xa4: {  	_ =	swait.ge [sflag:s22], s20  }
0xa5: {  	s6 =	ssub.s32 $0x0, s20;
	[sflag:s22] =	ssyncset.done $0x0  }
0xa6: {  	[sflag:s22] =	ssyncadd.s32 s6;
	_ =	sdelay $0x1  }
0xa7: {  	s23 =	simm.s32 $0x1B8B  }
0xa8: {  	_ =	swait.ge [sflag:s23], $0x1  }
0xa9: {  	[sflag:s23] =	ssyncset.done $0x0  }
0xaa: {  	s25 =	simm.s32 $0x1B8E;
	s24 =	sld [smem:$0x3FFE];
	[sflag:s23] =	ssyncadd.s32 $0xFFFFFFFF  }
0xab: {  	s26 =	simm.s32 $execute0_lowered;
	[smem:$0x3FD2] =	sst s25  }
0xac: {  	s7 =	sshll.u32 s26, $0x1;
	_ =	strace $0x80000046;
	[dreg:$0x1] =	wrdreg $0xFFFFFFFF  }
0xad: {  	s28 =	simm.s32 $_size_execute0_lowered;
	s5 =	sadd.s32 s5, s7;
	[dreg:$0x0] =	wrdreg $0x0  }
0xae: {  	s7 =	sshll.u32 s28, $0x1;
	[dreg:$0x2] =	wrdreg s5  }
0xaf: {  	[dreg:$0x3] =	wrdreg s7  }
0xb0: {  	[dreg:$0x4] =	wrdreg $0xC0  }
0xb1: {  	_ =	task [dreg:s9], $0x5FFFF  }
0xb2: {  	[dreg:$0x1] =	wrdreg $0xFFFFFFFF  }
0xb3: {  	[dreg:$0x0] =	wrdreg $0x60  }
0xb4: {  	[dreg:$0x2] =	wrdreg s24  }
0xb5: {  	[dreg:$0x3] =	wrdreg s16  }
0xb6: {  	[dreg:$0x4] =	wrdreg s18  }
0xb7: {  	[dreg:$0x5] =	wrdreg s17  }
0xb8: {  	[dreg:$0x6] =	wrdreg $0xAD000  }
0xb9: {  	[dreg:$0x7] =	wrdreg $0x9  }
0xba: {  	_ =	task.clear_ibuf [dreg:s9], $0x8FFFF;
	_ =	strace $0x90000046  }
0xbb: {  	s29 =	simm.s32 $0x9;
	_ =	strace $0x80000048  }
0xbc: {  	_ =	swait.ge [sflag:s29], $0x1  }
0xbd: {  	[sflag:s29] =	ssyncadd.s32 $0xFFFFFFFF  }
0xbe: {  	_ =	strace $0x90000048  }
0xbf: {  	_ =	sfence  }
0xc0: {  	s30 =	sld [smem:$0x0];
	_ =	sdelay $0x2  }
0xc1: {  	s31 =	sshll.u32 s1, $0xD;
	s1 =	sshrl.u32 s1, $0x2  }
0xc2: {  	s3 =	sand.u32 $0x4000, s31;
	s1 =	sadd.s32 s1, s30  }
0xc3: {  	s0 =	sor.u32 s3, s0;
	s1 =	sshll.u32 s1, $0x11  }
0xc4: {  	s0 =	sor.u32 s1, s0  }
0xc5: {  	s0 =	sadd.s32 $0x8F2B, s0  }
0xc6: {  	[sflag:s0] =	ssyncadd.remote.s32 $0x1  }
0xc7: {  	_ =	sfence.sel $0xFFFF  }
0xc8: {  	[dreg:$0x0] =	wrdreg $0xFFFFFFFF;
	(pc) =	sbr.abs _section_cstart, $3  }
0xc9: {  	[dreg:$0x1] =	wrdreg $0xFFFFFFFF  }
0xca: {  	_ =	task.clear_ibuf [dreg:s9], $0x2FFFF;
	_ =	strace $0x9FFFFFFF  }
0xcb: {  	(tm) =	ssettm $0x7FFFFFFF  }
tec
execute0_lowered:
.L_overlay_start_1:
0x0: {  	(tag) =	ssettag $0x1  }
0x1: {  	s6 =	rddreg [dreg:$0x0]  }
0x2: {  	s7 =	rddreg [dreg:$0x1]  }
0x3: {  	s1 =	rddreg [dreg:$0x2]  }
0x4: {  	s3 =	rddreg [dreg:$0x3]  }
0x5: {  	s11 =	rddreg [dreg:$0x4]  }
0x6: {  	s0 =	rddreg [dreg:$0x5];
	s4 =	srdreg.scid  }
0x7: {  	s2 =	stileid.u32;
	s17 =	simm.s32 $0xA600;
	s18 =	simm.s32 $0xA680  }
0x8: {  	s19 =	simm.s32 $0x2900;
	s20 =	simm.s32 $0x7C00;
	s21 =	simm.s32 $0x9100  }
0x9: {  	s22 =	simm.s32 $0xA700;
	s23 =	simm.s32 $0xAA00;
	s24 =	simm.s32 $0x0  }
0xa: {  	s8 =	sand.u32 $0x1, s4;
	s5 =	sshll.u32 s2, $0x1;
	s12 =	smul.u32 $0x290, s2  }
0xb: {  	s4 =	simm.s32 $0x0;
	s15 =	smul.u32 $0xA400, s2;
	s5 =	sor.u32 s8, s5  }
0xc: {  	s9 =	smul.u32 $0x2900, s8;
	[smem:$0x7FF] =	sst s4;
	s8 =	ssub.s32 $0x2, s8  }
0xd: {  	s10 =	smul.u32 $0x2A0, s5;
	_ =	strace $0x80000047;
	s5 =	sadd.s32 $0x400, s6  }
0xe: {  	s30 =	sshrl.u32 s8, $0x1;
	s31 =	sshrl.u32 s15, $0x2;
	s9 =	sadd.s32 s12, s9  }
0xf: {  	s15 =	simm.s32 $0x5200;
	s16 =	ssub.s32 s8, s30;
	s9 =	sshrl.u32 s9, $0x3  }
0x10: {  	s13 =	sadd.s32 s10, s6;
	s14 =	sadd.s32 s9, s6;
	s6 =	sadd.s32 s7, s10  }
0x11: {  	s7 =	sadd.s32 $0xC00, s13;
	s8 =	sadd.s32 $0x6000, s13;
	s9 =	sadd.s32 $0xC000, s13  }
0x12: {  	s10 =	sadd.s32 s31, s11;
	s11 =	sadd.s32 s12, s11;
	s13 =	smax.u32 s16, $0x1  }
0x13: {  	v0 =	vimm.f32 $-Inf;
	v1 =	vimm.f32 $0.0e+00;
	s16 =	simm.s32 $0x6700;
	s12 =	sadd.s32 $0xB400, s14;
	s14 =	simm.s32 $0x1  }
.LBB2_1:
0x14: {  	[tilespmem:s4], [sflag:$0x1] =	stream.linear.gather [hbm4b:s5+s4], $0x2900, $0x38;
	[tilespmem:$0xD600] =	vst v63  }
0x15: {  	_ =	swait.ge [sflag:s14], $0x2900  }
0x16: {  	[sflag:s14] =	ssyncset.done $0x0  }
0x17: {  	[sflag:s14] =	ssyncadd.s32 $0xFFFFD700  }
0x18: {  	[tilespmem:s15], [sflag:$0x1] =	stream.linear.gather [hbm4b:s6+s4], $0x1500, $0x38;
	[tilespmem:$0xD600] =	vst v63  }
0x19: {  	_ =	swait.ge [sflag:s14], $0x1500  }
0x1a: {  	[sflag:s14] =	ssyncset.done $0x0  }
0x1b: {  	[sflag:s14] =	ssyncadd.s32 $0xFFFFEB00  }
0x1c: {  	[tilespmem:s16], [sflag:$0x1] =	stream.linear.gather [hbm4b:s7+s4], $0x1500, $0x38;
	[tilespmem:$0xD600] =	vst v63  }
0x1d: {  	_ =	swait.ge [sflag:s14], $0x1500  }
0x1e: {  	[sflag:s14] =	ssyncset.done $0x0  }
0x1f: {  	[sflag:s14] =	ssyncadd.s32 $0xFFFFEB00  }
0x20: {  	[tilespmem:s17], [sflag:$0x1] =	stream.linear.gather [hbm4b:s1+s4], $0x80, $0x38;
	[tilespmem:$0xD600] =	vst v63  }
0x21: {  	_ =	swait.ge [sflag:s14], $0x80  }
0x22: {  	[sflag:s14] =	ssyncset.done $0x0  }
0x23: {  	[sflag:s14] =	ssyncadd.s32 $0xFFFFFF80  }
0x24: {  	[tilespmem:s18], [sflag:$0x1] =	stream.linear.gather [hbm4b:s3+s4], $0x80, $0x38;
	[tilespmem:$0xD600] =	vst v63  }
0x25: {  	_ =	swait.ge [sflag:s14], $0x80  }
0x26: {  	[sflag:s14] =	ssyncset.done $0x0  }
0x27: {  	s25 =	simm.s32 $0x40;
	s26 =	simm.s32 $0x0;
	[sflag:s14] =	ssyncadd.s32 $0xFFFFFF80  }
.LBB2_2:
0x28: {  	p0 =	sne.s32 s25, $0xA3C0;
	[tilespmem:s26+$0x2900] =	vst v0;
	s26 =	smov.u32 s25;
	s25 =	sadd.s32 $0x40, s25  }
.Ltmp0:
0x29: {  	(pc) =	sbr.rel @p0 .LBB2_2-.Ltmp0, $2  }
0x2a: {  	_ =	sdelay $0x2  }
0x2b: {  	s26 =	sshra.s32 s26, $0x2  }
.Ltmp1:
0x2c: {  	(pc) =	sbr.rel .LBB2_4-.Ltmp1, $4  }
0x2d: {  	_ = 	snop  }
0x2e: {  	[tilespmem:s26+$0x2900] =	vst v0  }
0x2f: {  	v2 =	vld [tilespmem:$0xA600]  }
0x30: {  	s25 =	simm.s32 $0x0;
	v3 =	vld [tilespmem:$0xA680]  }
.LBB2_6:
0x31: {  	s25 =	sadd.s32 $0x1, s25  }
0x32: {  	p0 =	sne.s32 s25, $0x150  }
.Ltmp2:
0x33: {  	_ = 	snop;
	(pc) =	sbr.rel @!p0 .LBB2_7-.Ltmp2, $1  }
0x34: {  	_ =	sdelay $0x3  }
.LBB2_4:
0x35: {  	s26 =	sshll.u32 s25, $0x4  }
0x36: {  	v5 =	vld [tilespmem:s26+$0x5200]  }
0x37: {  	v4 =	vld [tilespmem:s26+$0x6700];
	_ =	sdelay $0x6  }
0x38: {  	v6 =	vld.idx.msk [tilespmem:v5+s4+$0x0], $0xffff  }
0x39: {  	v5 =	vld.idx.msk [tilespmem:v4+s4+$0x0], $0xffff;
	_ =	sdelay $0x4  }
0x3a: {  	v7 =	vmul.f32 v6, v2;
	v5 =	vmul.f32 v5, v3;
	_ =	sdelay $0x1  }
0x3b: {  	v5 =	vadd.f32 v5, v7;
	_ =	sdelay $0x1  }
0x3c: {  	v7 =	vmul.f32 $2.000000030e-01, v5  }
0x3d: {  	vm0 =	vge.f32 v5, $0.0e+00  }
0x3e: {  	[tilespmem:s26+$0x9100] =	vst v6;
	v5 =	vsel vm0, v5, v7  }
0x3f: {  	[tilespmem:s26+$0x7C00] =	vst v5  }
0x40: {  	v6 =	vld.idx.msk [tilespmem:v4+s19+$0x0], $0xffff;
	_ =	sdelay $0x4  }
0x41: {  	vm0 =	vgt.f32 v5, v6  }
0x42: {  	v6 =	vsel vm0, $0x3F800000, v1  }
0x43: {  	(xrf0) =	vmax.scan.msk.f32 $0xffff, v6;
	_ =	sdelay $0x5  }
0x44: {  	v6, _, _ =	vpop (xrf0)  }
0x45: {  	(v2sf) =	vpush v6, $0xF;
	_ =	sdelay $0xe  }
0x46: {  	s31 =	spop (v2sf)  }
0x47: {  	p0 =	sgt.f32 s31, $0.0e+00  }
.Ltmp3:
0x48: {  	_ = 	snop;
	(pc) =	sbr.rel @!p0 .LBB2_6-.Ltmp3, $1  }
0x49: {  	_ =	sdelay $0x3  }
.LBB2_5:
0x4a: {  	[tilespmem:v4+s19+$0x0] =	vst.idx.msk vm0, v5  }
0x4b: {  	v6 =	vld.idx.msk [tilespmem:v4+s19+$0x0], $0xffff;
	_ =	sdelay $0x4  }
0x4c: {  	vm1 =	vgt.f32 v5, v6  }
0x4d: {  	vm0 =	vmand vm0, vm1  }
0x4e: {  	v6 =	vsel vm0, $0x3F800000, v1  }
0x4f: {  	(xrf0) =	vmax.scan.msk.f32 $0xffff, v6;
	_ =	sdelay $0x5  }
0x50: {  	v6, _, _ =	vpop (xrf0)  }
0x51: {  	(v2sf) =	vpush v6, $0xF;
	_ =	sdelay $0xe  }
0x52: {  	s26 =	spop (v2sf)  }
0x53: {  	p0 =	sgt.f32 s26, $0.0e+00  }
.Ltmp4:
0x54: {  	_ = 	snop;
	(pc) =	sbr.rel @p0 .LBB2_5-.Ltmp4, $1  }
0x55: {  	_ =	sdelay $0x3  }
.Ltmp5:
0x56: {  	_ = 	snop;
	(pc) =	sbr.rel .LBB2_6-.Ltmp5, $1  }
0x57: {  	_ =	sdelay $0x3  }
.LBB2_7:
0x58: {  	[hbm4b:s8+s4] =	stream.linear.scatter [tilespmem:s20], [sflag:$0x1], $0x1500, $0x38;
	[tilespmem:$0xD600] =	vst v63  }
0x59: {  	s25 =	simm.s32 $0x1  }
0x5a: {  	_ =	swait.ge [sflag:s25], $0x1500  }
0x5b: {  	[sflag:s25] =	ssyncset.done $0x0  }
0x5c: {  	[sflag:s25] =	ssyncadd.s32 $0xFFFFEB00  }
0x5d: {  	[hbm4b:s9+s4] =	stream.linear.scatter [tilespmem:s21], [sflag:$0x1], $0x1500, $0x38;
	[tilespmem:$0xD600] =	vst v63  }
0x5e: {  	_ =	swait.ge [sflag:s25], $0x1500  }
0x5f: {  	[sflag:s25] =	ssyncset.done $0x0  }
0x60: {  	[sflag:s25] =	ssyncadd.s32 $0xFFFFEB00  }
0x61: {  	[spmem:s10] =	stream.linear.scatter [tilespmem:s19], [sflag:$0x1], $0x2900, $0x38;
	[tilespmem:$0xD600] =	vst v63  }
0x62: {  	_ =	swait.ge [sflag:s25], $0x2900  }
0x63: {  	[sflag:s25] =	ssyncset.done $0x0  }
0x64: {  	[sflag:s25] =	ssyncadd.s32 $0xFFFFD700  }
0x65: {  	[bflag:$0x0] =	sbarrier.arrive $0xFFFF  }
0x66: {  	[tilespmem:s22], [sflag:$0x1] =	stream.linear.gather [spmem:s11], $0x290, $0x38;
	[tilespmem:$0xD600] =	vst v63  }
0x67: {  	_ =	swait.ge [sflag:s25], $0x290  }
0x68: {  	[sflag:s25] =	ssyncset.done $0x0  }
0x69: {  	[sflag:s25] =	ssyncadd.s32 $0xFFFFFD70  }
.LBB2_8:
0x6a: {  	s26 =	smul.u32 $0xA400, s25;
	_ =	sdelay $0x1  }
0x6b: {  	s26 =	sshra.s32 s26, $0x2  }
0x6c: {  	s26 =	sadd.s32 s26, s11  }
0x6d: {  	[tilespmem:s23], [sflag:$0x1] =	stream.linear.gather [spmem:s26], $0x290, $0x38;
	[tilespmem:$0xD600] =	vst v63  }
0x6e: {  	_ =	swait.ge [sflag:s14], $0x290  }
0x6f: {  	[sflag:s14] =	ssyncset.done $0x0  }
0x70: {  	s26 =	simm.s32 $0x0;
	[sflag:s14] =	ssyncadd.s32 $0xFFFFFD70  }
0x71: {  	s28 =	simm.s32 $0x40;
	v2 =	vld [tilespmem:s26+$0xAA00]  }
.LBB2_9:
0x72: {  	p0 =	sne.s32 s28, $0xA00;
	v3 =	vld [tilespmem:s26+$0xA700];
	_ =	sdelay $0x1  }
.Ltmp6:
0x73: {  	(pc) =	sbr.rel @p0 .LBB2_9-.Ltmp6, $3  }
0x74: {  	_ =	sdelay $0x1  }
0x75: {  	s29 =	sshra.s32 s28, $0x2;
	v3 =	vmax.f32 v3, v2  }
0x76: {  	s28 =	sadd.s32 $0x40, s28;
	v2 =	vld [tilespmem:s29+$0xAA00];
	[tilespmem:s26+$0xA700] =	vst v3;
	s26 =	smov.u32 s29  }
0x77: {  	v3 =	vld [tilespmem:s26+$0xA700];
	s25 =	sadd.s32 $0x1, s25  }
0x78: {  	p0 =	sne.s32 s25, $0x10  }
.Ltmp7:
0x79: {  	_ = 	snop;
	(pc) =	sbr.rel @p0 .LBB2_8-.Ltmp7, $3  }
0x7a: {  	_ =	sdelay $0x1  }
0x7b: {  	v2 =	vmax.f32 v3, v2  }
0x7c: {  	[tilespmem:s26+$0xA700] =	vst v2  }
0x7d: {  	s24 =	sadd.s32 $0x1, s24  }
0x7e: {  	p0 =	sne.s32 s24, s13  }
.Ltmp8:
0x7f: {  	_ = 	snop;
	(pc) =	sbr.rel @p0 .LBB2_1-.Ltmp8, $4  }
0x80: {  	[hbm4b:s12+s4] =	stream.linear.scatter [tilespmem:s22], [sflag:$0x1], $0x290, $0x38;
	[tilespmem:$0xD600] =	vst v63  }
0x81: {  	_ =	swait.ge [sflag:s14], $0x290  }
0x82: {  	[sflag:s14] =	ssyncset.done $0x0  }
0x83: {  	[sflag:s14] =	ssyncadd.s32 $0xFFFFFD70  }
0x84: {  	_ =	sfence.sel $0x180000  }
0x85: {  	[bflag:$0x0] =	sbarrier.arrive $0xFFFF  }
0x86: {  	p0 =	sne.s32 s2, $0x0;
	_ =	strace $0x90000047  }
0x87: {  	s0 =	sadd.s32 @!p0 $0x100000, s0;
	[bflag:$0x2] =	sbarrier.arrive $0xFFFF  }
0x88: {  	[sflag:s0] =	ssyncadd.tile.s32 @!p0 $0x1;
	_ =	shalt  }
.Lfunc_end2:
_tile_overlayer_lowered:
.L_overlay_start_2:
0x89: {  	(tag) =	ssettag $0x2  }
0x8a: {  	s0 =	rddreg [dreg:$0x0];
	s2 =	stileid.u32  }
0x8b: {  	s1 =	rddreg [dreg:$0x1];
	p0 =	sne.s32 s2, $0x0  }
0x8c: {  	s3 =	rddreg [dreg:$0x2];
	[bflag:$0x3] =	sbarrier.arrive $0xFFFF;
	s2 =	simm.s32 @!p0 $0x1C01  }
0x8d: {  	[timem:s3], [sflag:s2] =	dma.local @!p0 [hbm:s0], s1  }
0x8e: {  	s0 =	simm.s32 @!p0 $0x1  }
0x8f: {  	_ =	swait.ge @!p0 [sflag:s0], s1  }
0x90: {  	s1 =	ssub.s32 @!p0 $0x0, s1;
	[sflag:s0] =	ssyncset.done @!p0 $0x0  }
0x91: {  	[sflag:s0] =	ssyncadd.s32 @!p0 s1  }
0x92: {  	[bflag:$0x3] =	sbarrier.arrive $0xFFFF  }
0x93: {  	_ =	shalt  }

// kernel: scatter_offload_async_start.1
scs
__scs_entry_jumppad:
0x0: {  	(pc) =	sbr.rel $0x88, $3  }
0x1: {  	(tag) =	ssettag $0x0;
	lr =	simm.s32 $0x1  }
0x2: {  	[smem:$0x3F9B] =	sst lr;
	_ =	strace $0xD0000000  }
0x3: {  	_ = 	snop  }
0x4: {  	_ = 	snop  }
0x5: {  	_ = 	snop  }
0x6: {  	_ = 	snop  }
0x7: {  	_ = 	snop  }
__scs_overlays_trampoline_lowered:
0x8: {  	[smem:$0x3FAA] =	sst s0  }
0x9: {  	[smem:$0x3FAB] =	sst s1  }
0xa: {  	[smem:$0x3FAC] =	sst s2  }
0xb: {  	[smem:$0x3FAD] =	sst s3  }
0xc: {  	[smem:$0x3FAE] =	sst s4  }
0xd: {  	[smem:$0x3FAF] =	sst s5  }
0xe: {  	[smem:$0x3FB0] =	sst s6  }
0xf: {  	[smem:$0x3FB1] =	sst s7  }
0x10: {  	[smem:$0x3FB2] =	sst s8  }
0x11: {  	[smem:$0x3FB3] =	sst s9;
	s0 =	simm.s32 @!p0 $0x0  }
0x12: {  	s1 =	sld [smem:$0x3F99];
	s0 =	simm.s32 @p0 $0x1  }
0x13: {  	[smem:$0x3FB4] =	sst s0;
	s0 =	simm.s32 @!p1 $0x0  }
0x14: {  	s2 =	sld [smem:$0x3F98];
	s0 =	simm.s32 @p1 $0x1  }
0x15: {  	[smem:$0x3FB5] =	sst s0;
	s0 =	simm.s32 @!p2 $0x0  }
0x16: {  	s3 =	sld [smem:$0x3FDB];
	s0 =	simm.s32 @p2 $0x1  }
0x17: {  	s4 =	simm.s32 $0x1BF5;
	[smem:$0x3FB7] =	sst s0  }
0x18: {  	s0 =	sld [smem:$0x3F9A];
	_ =	swait.ge [sflag:s4], $0x0  }
0x19: {  	s7 =	sld [smem:$0x3F9B]  }
0x1a: {  	s8 =	sadd.s32 $0xFFFFE003, lr  }
0x1b: {  	s9 =	sadd.s32 $0xFFFFFEF7, lr;
	s5 =	simm.s32 $0xFFFFFFFF;
	p2 =	slt.u32 s8, $0xFFFFF086  }
0x1c: {  	p1 =	slt.u32 s9, $0xF7A;
	s5 =	simm.s32 @!p2 $0x0  }
0x1d: {  	s5 =	simm.s32 @p1 $0x1;
	p0 =	seq.s32 s7, s2  }
0x1e: {  	s7 =	smul.u32 @!p0 $0xF7A, s2;
	p2 =	seq.s32 @!p0 s5, $0x0  }
0x1f: {  	s9 =	smul.u32 $0xF7A, s1;
	s8 =	simm.s32 @!p0 $0x1BF5;
	p2 =	por !p2, p0  }
0x20: {  	[sflag:s8] =	ssyncset.s32 @!p0 $0xFFFFF086;
	s6 =	sadd.s32 @!p0 s3, s7;
	s7 =	simm.s32 @!p0 $0x108  }
0x21: {  	s3 =	sadd.s32 s3, s9;
	s6 =	sadd.s32 @!p0 $0x88, s6;
	s7 =	simm.s32 @p2 $0x1082  }
0x22: {  	[simem:s7], [sflag:s8] =	dma.local @!p0 [hbm:s6], $0xF7A  }
0x23: {  	s9 =	sor.u32 $0xD0000000, s2;
	s6 =	simm.s32 $0x108;
	_ =	swait.ge @!p0 [sflag:s8], $0x0  }
0x24: {  	s3 =	sadd.s32 $0x88, s3;
	s6 =	simm.s32 @!p1 $0x1082;
	[sflag:s4] =	ssyncset.s32 $0xFFFFF086  }
0x25: {  	[simem:s6], [sflag:s4] =	dma.local [hbm:s3], $0xF7A  }
0x26: {  	[smem:$0x3F9B] =	sst s1;
	(tag) =	ssettag s2;
	_ =	strace s9  }
0x27: {  	s1 =	sld [smem:$0x3FAB]  }
0x28: {  	s2 =	sld [smem:$0x3FAC]  }
0x29: {  	s4 =	sld [smem:$0x3FAE]  }
0x2a: {  	p0 =	seq.s32 s5, $0x0;
	s5 =	sld [smem:$0x3FAF]  }
0x2b: {  	s6 =	sld [smem:$0x3FB0]  }
0x2c: {  	s7 =	sld [smem:$0x3FB1]  }
0x2d: {  	s3 =	simm.s32 $0x108;
	s8 =	sld [smem:$0x3FB2]  }
0x2e: {  	s3 =	simm.s32 @!p0 $0x1082;
	s9 =	sld [smem:$0x3FB3]  }
0x2f: {  	lr =	sadd.s32 s0, s3;
	s0 =	sld [smem:$0x3FAA]  }
0x30: {  	s3 =	sld [smem:$0x3FAD]  }
0x31: {  	[smem:$0x3FB6] =	sst s10  }
0x32: {  	s10 =	sld [smem:$0x3FB4];
	_ =	sdelay $0x3  }
0x33: {  	p0 =	seq.s32 s10, $0x1;
	s10 =	sld [smem:$0x3FB6];
	_ =	sdelay $0x3  }
0x34: {  	[smem:$0x3FB6] =	sst s10  }
0x35: {  	s10 =	sld [smem:$0x3FB5];
	_ =	sdelay $0x3  }
0x36: {  	p1 =	seq.s32 s10, $0x1;
	s10 =	sld [smem:$0x3FB6];
	_ =	sdelay $0x3  }
0x37: {  	[smem:$0x3FB6] =	sst s10  }
0x38: {  	s10 =	sld [smem:$0x3FB7]  }
0x39: {  	_ = 	snop;
	(pc) =	sbr.ind lr, $3  }
0x3a: {  	_ = 	snop  }
0x3b: {  	_ = 	snop  }
0x3c: {  	p2 =	seq.s32 s10, $0x1;
	s10 =	sld [smem:$0x3FB6]  }
0x3d: {  	_ =	shalt  }
0x3e: {  	_ =	shalt  }
0x3f: {  	_ =	shalt  }
0x40: {  	_ =	shalt  }
0x41: {  	_ =	shalt  }
0x42: {  	_ =	shalt  }
0x43: {  	_ =	shalt  }
0x44: {  	_ =	shalt  }
0x45: {  	_ =	shalt  }
0x46: {  	_ =	shalt  }
0x47: {  	_ =	shalt  }
0x48: {  	_ =	shalt  }
0x49: {  	_ =	shalt  }
0x4a: {  	_ =	shalt  }
0x4b: {  	_ =	shalt  }
0x4c: {  	_ =	shalt  }
0x4d: {  	_ =	shalt  }
0x4e: {  	_ =	shalt  }
0x4f: {  	_ =	shalt  }
0x50: {  	_ =	shalt  }
0x51: {  	_ =	shalt  }
0x52: {  	_ =	shalt  }
0x53: {  	_ =	shalt  }
0x54: {  	_ =	shalt  }
0x55: {  	_ =	shalt  }
0x56: {  	_ =	shalt  }
0x57: {  	_ =	shalt  }
0x58: {  	_ =	shalt  }
0x59: {  	_ =	shalt  }
0x5a: {  	_ =	shalt  }
0x5b: {  	_ =	shalt  }
0x5c: {  	_ =	shalt  }
0x5d: {  	_ =	shalt  }
0x5e: {  	_ =	shalt  }
0x5f: {  	_ =	shalt  }
0x60: {  	_ =	shalt  }
0x61: {  	_ =	shalt  }
0x62: {  	_ =	shalt  }
0x63: {  	_ =	shalt  }
0x64: {  	_ =	shalt  }
0x65: {  	_ =	shalt  }
0x66: {  	_ =	shalt  }
0x67: {  	_ =	shalt  }
0x68: {  	_ =	shalt  }
0x69: {  	_ =	shalt  }
0x6a: {  	_ =	shalt  }
0x6b: {  	_ =	shalt  }
0x6c: {  	_ =	shalt  }
0x6d: {  	_ =	shalt  }
0x6e: {  	_ =	shalt  }
0x6f: {  	_ =	shalt  }
0x70: {  	_ =	shalt  }
0x71: {  	_ =	shalt  }
0x72: {  	_ =	shalt  }
0x73: {  	_ =	shalt  }
0x74: {  	_ =	shalt  }
0x75: {  	_ =	shalt  }
0x76: {  	_ =	shalt  }
0x77: {  	_ =	shalt  }
0x78: {  	_ =	shalt  }
0x79: {  	_ =	shalt  }
0x7a: {  	_ =	shalt  }
0x7b: {  	_ =	shalt  }
0x7c: {  	_ =	shalt  }
0x7d: {  	_ =	shalt  }
0x7e: {  	_ =	shalt  }
0x7f: {  	_ =	shalt  }
0x80: {  	_ =	shalt  }
0x81: {  	_ =	shalt  }
0x82: {  	_ =	shalt  }
0x83: {  	_ =	shalt  }
0x84: {  	_ =	shalt  }
0x85: {  	_ =	shalt  }
0x86: {  	_ =	shalt  }
0x87: {  	_ =	shalt  }
.Lfunc_end0:
.L_simem_size_0:
called_computation.1_lowered:
.L_overlay_start_0:
0x88: {  	s0 =	sld [smem:$0x3FD9]  }
0x89: {  	s1 =	sld [smem:$0x3FFE];
	_ =	sdelay $0x3  }
0x8a: {  	s0 =	sadd.s32 s1, s0  }
0x8b: {  	[smem:$0x3FC2] =	sst s0  }
0x8c: {  	_ = 	snop  }
0x8d: {  	s0 =	sld [smem:$0x3FD0];
	_ =	sdelay $0x2  }
0x8e: {  	s13 =	simm.s32 $0xB;
	s2 =	simm.s32 $0x10  }
0x8f: {  	[smem:s2], [sflag:s13] =	dma.local [hbm:s0], $0x1  }
0x90: {  	_ =	swait.eq [sflag:s13], $0x1  }
0x91: {  	[sflag:s13] =	ssyncset.done $0x0  }
0x92: {  	s14 =	sld [smem:$0x10];
	[sflag:s13] =	ssyncadd.s32 $0xFFFFFFFF  }
0x93: {  	s15 =	sld [smem:$0x11];
	(tm) =	ssettm $0x1  }
0x94: {  	s16 =	sld [smem:$0x3FFB];
	_ =	sdelay $0x3  }
0x95: {  	_ =	strace s16  }
0x96: {  	s2 =	sld [smem:$0x3FFC];
	_ =	sdelay $0x3  }
0x97: {  	_ =	strace s2  }
0x98: {  	s2 =	sld [smem:$0x3FFD];
	_ =	sdelay $0x3  }
0x99: {  	_ =	strace s2  }
0x9a: {  	_ =	strace $0x8FFFFFFF  }
0x9b: {  	s17 =	sld [smem:$0x3FDB];
	_ =	sdelay $0x1  }
0x9c: {  	s3 =	simm.s32 $_scs_section_size  }
0x9d: {  	s4 =	simm.s32 $_size__tile_overlayer_lowered;
	s5 =	simm.s32 $_tile_overlayer_lowered  }
0x9e: {  	s20 =	simm.s32 $0x1BFF;
	s19 =	sshll.u32 s5, $0x1;
	s2 =	sadd.s32 s3, s17  }
0x9f: {  	s6 =	simm.s32 $0x0;
	s18 =	sshll.u32 s4, $0x1;
	s4 =	sadd.s32 s19, s2  }
0xa0: {  	[timem:s6], [sflag:s20] =	dma.local [hbm:s4], s18  }
0xa1: {  	_ =	swait.ge [sflag:s20], s18  }
0xa2: {  	s3 =	ssub.s32 $0x0, s18;
	[sflag:s20] =	ssyncset.done $0x0  }
0xa3: {  	[sflag:s20] =	ssyncadd.s32 s3;
	_ =	sdelay $0x1  }
0xa4: {  	s21 =	simm.s32 $0x1B8B  }
0xa5: {  	_ =	swait.ge [sflag:s21], $0x1  }
0xa6: {  	[sflag:s21] =	ssyncset.done $0x0  }
0xa7: {  	s23 =	simm.s32 $0x1B8E;
	s22 =	sld [smem:$0x3FFE];
	[sflag:s21] =	ssyncadd.s32 $0xFFFFFFFF  }
0xa8: {  	s24 =	simm.s32 $execute0_lowered;
	[smem:$0x3FD2] =	sst s23  }
0xa9: {  	s4 =	sshll.u32 s24, $0x1;
	_ =	strace $0x80000055;
	[dreg:$0x1] =	wrdreg $0xFFFFFFFF  }
0xaa: {  	s25 =	simm.s32 $_size_execute0_lowered;
	s2 =	sadd.s32 s2, s4;
	[dreg:$0x0] =	wrdreg $0x0  }
0xab: {  	s4 =	sshll.u32 s25, $0x1;
	[dreg:$0x2] =	wrdreg s2  }
0xac: {  	[dreg:$0x3] =	wrdreg s4  }
0xad: {  	[dreg:$0x4] =	wrdreg $0xC0  }
0xae: {  	_ =	task [dreg:s6], $0x5FFFF  }
0xaf: {  	[dreg:$0x1] =	wrdreg $0xFFFFFFFF  }
0xb0: {  	[dreg:$0x0] =	wrdreg $0x60  }
0xb1: {  	[dreg:$0x2] =	wrdreg s15  }
0xb2: {  	[dreg:$0x3] =	wrdreg s14  }
0xb3: {  	[dreg:$0x4] =	wrdreg s22  }
0xb4: {  	[dreg:$0x5] =	wrdreg $0x9  }
0xb5: {  	_ =	task.clear_ibuf [dreg:s6], $0x6FFFF;
	_ =	strace $0x90000055  }
0xb6: {  	s26 =	simm.s32 $0x9;
	_ =	strace $0x80000057  }
0xb7: {  	_ =	swait.ge [sflag:s26], $0x1  }
0xb8: {  	[sflag:s26] =	ssyncadd.s32 $0xFFFFFFFF  }
0xb9: {  	_ =	strace $0x90000057  }
0xba: {  	_ =	sfence  }
0xbb: {  	s28 =	sld [smem:$0x0];
	_ =	sdelay $0x1  }
0xbc: {  	s29 =	srdreg.scid  }
0xbd: {  	s30 =	sshll.u32 s29, $0xD;
	s31 =	sshrl.u32 s29, $0x2  }
0xbe: {  	s1 =	sand.u32 $0x1, s29;
	s2 =	sand.u32 $0x4000, s30;
	s0 =	sadd.s32 s31, s28  }
0xbf: {  	s1 =	sor.u32 s2, s1;
	s0 =	sshll.u32 s0, $0x11  }
0xc0: {  	s0 =	sor.u32 s0, s1  }
0xc1: {  	s0 =	sadd.s32 $0x8F2B, s0  }
0xc2: {  	[sflag:s0] =	ssyncadd.remote.s32 $0x1  }
0xc3: {  	_ =	sfence.sel $0xFFFF  }
0xc4: {  	[dreg:$0x0] =	wrdreg $0xFFFFFFFF;
	(pc) =	sbr.abs _section_cstart, $3  }
0xc5: {  	[dreg:$0x1] =	wrdreg $0xFFFFFFFF  }
0xc6: {  	_ =	task.clear_ibuf [dreg:s6], $0x2FFFF;
	_ =	strace $0x9FFFFFFF  }
0xc7: {  	(tm) =	ssettm $0x7FFFFFFF  }
tec
execute0_lowered:
.L_overlay_start_1:
0x0: {  	(tag) =	ssettag $0x1  }
0x1: {  	s1 =	rddreg [dreg:$0x0];
	s3 =	stileid.u32  }
0x2: {  	s0 =	rddreg [dreg:$0x2];
	_ =	strace $0x80000056;
	s4 =	smin.u32 s3, $0x9  }
0x3: {  	s2 =	simm.s32 $0x1;
	s5 =	simm.s32 $0x3520;
	s4 =	sadd.s32 s3, s4  }
0x4: {  	v1 =	vimm.s32 $0xFFFFFFFF;
	[sflag:s2] =	ssyncpa.u1 $0x0;
	p0 =	slt.u32 s3, $0x9;
	s4 =	smul.u32 $0x1A90, s4  }
0x5: {  	[tilespmem:$0x10] =	vst v1;
	s5 =	simm.s32 @!p0 $0x1A90  }
0x6: {  	v0 =	vimm.f32 $0.0e+00;
	[tilespmem:$0x20] =	vst v1;
	s5 =	sadd.s32 s5, s4  }
0x7: {  	[tilespmem:$0x30] =	vst v0;
	s5 =	smin.u32 s5, $0x29810  }
0x8: {  	[tilespmem:$0x40] =	vst v0;
	s9 =	ssub.s32 s5, s4  }
0x9: {  	[tilespmem:$0x50] =	vst v0;
	p0 =	sgt.s32 s9, $0x0  }
0xa: {  	s7 =	simm.s32 $0x2;
	s8 =	simm.s32 $0x8;
	[tilespmem:$0x60] =	vst v1;
	s9 =	simm.s32 @!p0 $0x0  }
0xb: {  	s31 =	simm.s32 $0x9;
	s16 =	simm.s32 $0x0;
	[tilespmem:$0x70] =	vst v1;
	s6 =	smulhi.u32 $0x134679AD, s9  }
0xc: {  	s17 =	simm.s32 $0xF0;
	s18 =	simm.s32 $0xFFFFFFFF;
	s19 =	simm.s32 $0xFFFFCBE0;
	[tilespmem:$0x80] =	vst v1  }
0xd: {  	s20 =	simm.s32 $0xFFFFFFFE;
	s21 =	simm.s32 $0xF;
	v1 =	vimm.s32 $0x0;
	[tilespmem:$0xB0] =	vst v0;
	s10 =	sshrl.u32 s6, $0x9  }
0xe: {  	s25 =	simm.s32 $0x0;
	s24 =	simm.s32 $0x0;
	[tilespmem:$0x90] =	vst v1;
	s11 =	smul.u32 $0x1A90, s10  }
0xf: {  	s14 =	sshllo.u32 s3, $0x1;
	[tilespmem:$0xA0] =	vst v1;
	[sflag:s7] =	ssyncpa.u1 $0x0;
	s7 =	simm.s32 $0x7  }
.Ltmp0:
0x10: {  	[sflag:s7] =	ssyncpa.u1 $0x0;
	p0 =	sne.s32 s9, s11;
	(pc) =	sbr.rel .LBB2_1-.Ltmp0, $4  }
0x11: {  	[sflag:s8] =	ssyncpa.u1 $0x0;
	s23 =	smov.u32 s4;
	s2 =	simm.s32 @!p0 $0x0  }
0x12: {  	[sflag:s31] =	ssyncpa.u1 $0x0;
	s6 =	sadd.s32 $0x400, s0;
	s9 =	sadd.s32 s2, s10  }
0x13: {  	vm0 =	vmmov $0xffff;
	v2 =	vlaneseq.u32;
	p0 =	por $0x0, $0x0;
	s10 =	sshll.u32 s3, $0x1;
	s11 =	sadd.s32 $0x1, s9  }
0x14: {  	vm1 =	vmxor vm1, vm1;
	vm2 =	vmmov $0x1;
	vm3 =	vcmask $0x3F3C;
	s12 =	sadd.s32 $0x2, s9;
	s13 =	sor.u32 $0x81, s10;
	s15 =	sor.u32 $0x80, s10  }
.LBB2_9:
0x15: {  	p1 =	slt.u32 s24, $0x3  }
0x16: {  	s0 =	simm.s32 @!p1 $0x2  }
0x17: {  	_ =	swait.ge @!p1 [sflag:s0], $0x1A90  }
0x18: {  	[sflag:s0] =	ssyncset.done @!p1 $0x0  }
0x19: {  	[sflag:s0] =	ssyncadd.s32 @!p1 $0xFFFFE570;
	s0 =	simm.s32 @!p1 $0x9  }
0x1a: {  	_ =	swait.ge @!p1 [sflag:s0], $0x10  }
0x1b: {  	[sflag:s0] =	ssyncset.done @!p1 $0x0  }
0x1c: {  	[sflag:s0] =	ssyncadd.s32 @!p1 $0xFFFFFFF0;
	p1 =	sne.s32 s24, s12  }
.Ltmp1:
0x1d: {  	s2 =	sadd.s32 $0x1A90, s23;
	(pc) =	sbr.rel @!p1 .LBB2_10-.Ltmp1, $4  }
0x1e: {  	s3 =	smov.u32 s4;
	s31 =	sadd.s32 $0x1, s24;
	s17 =	sadd.s32 $0x1A90, s17  }
0x1f: {  	s18 =	sadd.s32 $0x1, s18;
	s25 =	smov.u32 s23;
	p2 =	slt.s32 s2, s5  }
0x20: {  	p0 =	por !p0, !p0;
	s19 =	sadd.s32 $0x1A90, s19;
	s3 =	smov.u32 @p2 s2  }
0x21: {  	s20 =	sadd.s32 $0x1, s20;
	s23 =	smov.u32 s3;
	s24 =	smov.u32 s31  }
.LBB2_1:
0x22: {  	p1 =	sge.u32 s24, s9  }
0x23: {  	s0 =	smulhi.u32 @!p1 $0xAAAAAAAB, s24;
	_ =	sdelay $0x1  }
0x24: {  	s0 =	sshrl.u32 @!p1 s0, $0x1  }
0x25: {  	s0 =	smul.u32 @!p1 $0x3, s0;
	_ =	sdelay $0x1  }
0x26: {  	s0 =	ssub.s32 @!p1 s24, s0  }
0x27: {  	s0 =	smul.u32 @!p1 $0x6A40, s0;
	_ =	sdelay $0x1  }
0x28: {  	s3 =	rddreg [dreg:$0x1];
	s2 =	sshrl.u32 @!p1 s23, $0x3;
	s0 =	sshrl.u32 @!p1 s0, $0x2  }
0x29: {  	s22 =	sand.u32 @!p1 $0x7, s23;
	s2 =	sadd.s32 @!p1 s3, s2;
	s0 =	sadd.s32 @!p1 $0x100, s0  }
0x2a: {  	[tilespmem:s0], [sflag:$0x7] =	stream.linear.gather @!p1 [hbm4b:s2+s22], $0x1A90, $0x38;
	[tilespmem:$0xF030] =	vst v63  }
0x2b: {  	s0 =	sadd.s32 $0xFFFFFFFF, s24  }
0x2c: {  	p1 =	sge.u32 s0, s9  }
.Ltmp2:
0x2d: {  	_ = 	snop;
	(pc) =	sbr.rel @p1 .LBB2_5-.Ltmp2, $1  }
0x2e: {  	_ =	sdelay $0x3  }
0x2f: {  	s2 =	smulhi.u32 $0xAAAAAAAB, s0;
	_ =	sdelay $0x1  }
0x30: {  	s2 =	sshrl.u32 s2, $0x1  }
0x31: {  	s2 =	smul.u32 $0x3, s2;
	_ =	sdelay $0x1  }
0x32: {  	s2 =	ssub.s32 s0, s2  }
0x33: {  	s2 =	smul.u32 $0x6A40, s2  }
0x34: {  	_ =	swait.ge [sflag:s7], $0x1A90  }
0x35: {  	[sflag:s7] =	ssyncset.done $0x0;
	s2 =	sshrl.u32 s2, $0x2  }
0x36: {  	[sflag:s7] =	ssyncadd.s32 $0xFFFFE570;
	(ifvalue) =	ssetifvalue $0xFFFFFFFF;
	v3 =	vld.msk [tilespmem:s2+$0x100 ss:$0x1], $0xffff;
	_ =	sdelay $0x2  }
0x37: {  	s30 =	smulhi.u32 $0xAAAAAAAB, s18;
	p1 =	sne.s32 s24, $0x1  }
0x38: {  	v4 =	vimm.s32 @!p1 $0x0  }
0x39: {  	s2 =	sshrl.u32 s30, $0x1;
	v4 =	vperm.xlane @!p1 v3, v4  }
0x3a: {  	s22 =	sshll.u32 s24, $0x4;
	s2 =	smul.u32 $0xFFFEC140, s2;
	vm4 =	vlt.u32 v3, $0x2800  }
0x3b: {  	s22 =	sand.u32 $0x10, s22;
	v3 =	vnsel vm4, $0xFFFFFFFE, v3;
	vm4 =	vlt.u32 @!p1 v4, $0x2800  }
0x3c: {  	s2 =	sshra.s32 s2, $0x2;
	[tilespmem:s22+$0x60] =	vst v3;
	v3 =	vnsel @!p1 vm4, $0xFFFFFFFE, v4  }
0x3d: {  	s28 =	sadd.s32 s2, s17;
	[tilespmem:$0x80] =	vst @!p1 v3  }
0x3e: {  	v3 =	vld.msk [tilespmem:s28+$0x0 ss:$0x1], $0xffff;
	_ =	sdelay $0x4  }
0x3f: {  	(xrf1) =	vunique.msk.u32 $0xffff, v3;
	_ =	sdelay $0xd  }
0x40: {  	v4 =	vimm.s32 $0xFFFFFFFF;
	v5, _, _ =	vpop (xrf1)  }
0x41: {  	vm5 =	vne.s32 v3, v4;
	vm4 =	veq.s32 v5, v2  }
0x42: {  	vm6 =	vlt.u32 v3, $0x2800;
	vm4 =	vmand vm5, vm4  }
0x43: {  	vm4 =	vmand vm6, vm4  }
0x44: {  	v4 =	vnsel vm4, $0xFFFFFFFF, v3  }
0x45: {  	s31 =	sand.u32 $0x1, s0  }
0x46: {  	s0 =	simm.s32 $0x1A90;
	p1 =	seq.s32 s31, $0x1  }
0x47: {  	s0 =	simm.s32 @!p1 $0x0  }
0x48: {  	s26 =	sadd.s32 $0x6B30, s0;
	(ifvalue) =	ssetifvalue $0xFFFFFFFF  }
0x49: {  	v3 =	vperm.xlane v3, v1;
	[tilespmem:s26], [sflag:$0x8] =	stream.indirect_vreg.gather [hbm4b:s1+s16], $0x1, v4, vm0, $0x4038;
	v4 =	vnsel vm6, $0xFFFFFFFE, v4;
	[tilespmem:$0xF030] =	vst v63  }
0x4a: {  	s2 =	simm.s32 $0x0;
	s22 =	sadd.s32 $0xFFFFFFF0, s28;
	[tilespmem:s28+$0x0] =	vst v4  }
.LBB2_3:
0x4b: {  	v4 =	vld.msk [tilespmem:s22+$0x0 ss:$0x1], $0xffff;
	s2 =	sadd.s32 $0x10, s2;
	v5 =	vmov v3;
	s28 =	smov.u32 s22  }
0x4c: {  	p1 =	slt.u32 s2, $0x1A80;
	_ =	sdelay $0x4  }
0x4d: {  	v3 =	vperm.xlane v4, v1;
	(xrf1) =	vunique.msk.u32 $0xffff, v4;
	_ =	sdelay $0xd  }
0x4e: {  	v6, _, _ =	vpop (xrf1)  }
0x4f: {  	vm5 =	vne.s32 v4, v5;
	vm4 =	veq.s32 v6, v2  }
0x50: {  	vm6 =	vlt.u32 v4, $0x2800;
	vm4 =	vmand vm5, vm4  }
0x51: {  	vm4 =	vmand vm6, vm4  }
0x52: {  	v4 =	vnsel vm4, $0xFFFFFFFF, v4  }
.Ltmp3:
0x53: {  	v5 =	vnsel vm6, $0xFFFFFFFE, v4;
	(pc) =	sbr.rel @p1 .LBB2_3-.Ltmp3, $3  }
0x54: {  	_ =	sdelay $0x1  }
0x55: {  	s22 =	sadd.s32 $0xFFFFFFF0, s22;
	s26 =	sadd.s32 $0xFFFFFFF0, s26;
	(ifvalue) =	ssetifvalue $0xFFFFFFFF  }
0x56: {  	[tilespmem:s26], [sflag:$0x8] =	stream.indirect_vreg.gather [hbm4b:s1+s16], $0x1, v4, vm0, $0x4038;
	[tilespmem:s28+$0x0] =	vst v5  }
0x57: {  	s2 =	sshrl.u32 s25, $0x3  }
0x58: {  	s0 =	sadd.s32 $0x85D0, s0;
	s2 =	sadd.s32 s6, s2  }
0x59: {  	[tilespmem:s0], [sflag:$0x8] =	stream.linear.gather [hbm:s2], $0x1A90, $0x38;
	[tilespmem:$0xF030] =	vst v63  }
.LBB2_5:
0x5a: {  	p1 =	slt.u32 s24, $0x2  }
0x5b: {  	p2 =	sge.u32 @!p1 s24, s12  }
0x5c: {  	p1 =	por p1, p2  }
.Ltmp4:
0x5d: {  	_ = 	snop;
	(pc) =	sbr.rel @p1 .LBB2_9-.Ltmp4, $1  }
0x5e: {  	_ =	sdelay $0x3  }
0x5f: {  	s0 =	sadd.s32 $0xFFFFFFFE, s24  }
0x60: {  	s2 =	smulhi.u32 $0xAAAAAAAB, s0;
	_ =	sdelay $0x1  }
0x61: {  	s2 =	sshrl.u32 s2, $0x1  }
0x62: {  	s2 =	smul.u32 $0x3, s2;
	_ =	sdelay $0x1  }
0x63: {  	s0 =	ssub.s32 s0, s2  }
0x64: {  	_ =	swait.ge [sflag:s8], $0x3520;
	s0 =	smul.u32 $0x1A90, s0  }
0x65: {  	p1 =	sne.s32 s24, s11;
	[sflag:s8] =	ssyncset.done $0x0  }
0x66: {  	[sflag:s8] =	ssyncadd.s32 $0xFFFFCAE0;
	s2 =	sadd.s32 @!p1 $0x1B8F, s0  }
0x67: {  	[spmem:s13] =	stream.linear.scatter @!p1 [tilespmem:s2], [sflag:$0x1], $0x1, $0x38;
	[tilespmem:$0xF030] =	vst v63  }
0x68: {  	s2 =	simm.s32 @!p1 $0x1  }
0x69: {  	_ =	swait.ge @!p1 [sflag:s2], $0x1  }
0x6a: {  	s22 =	sshll.u32 s24, $0x4;
	[sflag:s2] =	ssyncset.done @!p1 $0x0  }
0x6b: {  	s25 =	sand.u32 $0x10, s22;
	[sflag:s2] =	ssyncadd.s32 @!p1 $0xFFFFFFFF  }
0x6c: {  	s2 =	sxor.u32 $0x10, s25;
	v4 =	vld [tilespmem:s25+$0x10]  }
0x6d: {  	v5 =	vld [tilespmem:s2+$0x60]  }
0x6e: {  	v3 =	vld [tilespmem:$0x80];
	_ =	sdelay $0x2  }
0x6f: {  	(v2sf) =	vpush v4, $0x0  }
0x70: {  	(v2sf) =	vpush v5, $0x0  }
0x71: {  	(v2sf) =	vpush v3, $0x0;
	_ =	sdelay $0xc  }
0x72: {  	s3 =	spop (v2sf)  }
0x73: {  	s28 =	spop (v2sf)  }
0x74: {  	s26 =	spop (v2sf)  }
0x75: {  	p2 =	seq.s32 s3, s28;
	p3 =	seq.s32 s26, s3  }
0x76: {  	p3 =	por p2, p3  }
0x77: {  	s3 =	sand.u32 $0x1, s24;
	v4 =	vpsel p3, $0xFFFFFFFF, v4  }
0x78: {  	s28 =	smul.u32 $0x1A90, s3;
	[tilespmem:s25+$0x10] =	vst.msk $0x1, v4  }
0x79: {  	v4 =	vld [tilespmem:$0x30]  }
0x7a: {  	v5 =	vld [tilespmem:s28+$0x85D0]  }
0x7b: {  	v6 =	vld [tilespmem:s25+$0x40];
	_ =	sdelay $0x3  }
0x7c: {  	vm4 =	vmmov vm1;
	v5 =	vadd.f32 v5, v4  }
0x7d: {  	vm5 =	vmmov vm2;
	vm4 =	vmmov @p2 vm2;
	v4 =	vadd.f32 v6, v4  }
0x7e: {  	s22 =	sshll.u32 s3, $0x4;
	vm5 =	vmmov @p3 vm1;
	[tilespmem:s28+$0x85D0] =	vst.msk vm4, v5  }
0x7f: {  	[tilespmem:s22+$0xF010] =	vst.msk vm5, v4  }
0x80: {  	v4 =	vld [tilespmem:s28+$0x6B30];
	_ =	sdelay $0x3  }
0x81: {  	v5 =	vimm.f32 $0.0e+00  }
0x82: {  	v4 =	vshift.insert v4, v5, s21  }
0x83: {  	s29 =	sor.u32 $0x40, s2  }
0x84: {  	[tilespmem:s29+$0x0] =	vst.msk $0x1, v4  }
0x85: {  	[tilespmem:s28+$0x6B3F] =	vst.msk $0x1, v5  }
0x86: {  	v4 =	vld [tilespmem:s0+$0x1B80];
	_ =	sdelay $0x1  }
0x87: {  	s29 =	smulhi.u32 $0xAAAAAAAB, s20;
	s0 =	simm.s32 $0x1  }
0x88: {  	s0 =	simm.s32 @!p0 $0x0  }
0x89: {  	s29 =	sshrl.u32 s29, $0x1;
	s0 =	smul.u32 $0x6A40, s0  }
0x8a: {  	s29 =	smul.u32 $0xFFFEC140, s29;
	v4 =	vshift.insert v4, v1, s21  }
0x8b: {  	s0 =	sshrl.u32 s0, $0x2  }
0x8c: {  	s29 =	sshra.s32 s29, $0x2;
	s30 =	sadd.s32 $0x85D0, s0;
	[tilespmem:s2+$0x10] =	vst.msk $0x1, v4  }
0x8d: {  	s3 =	sadd.s32 s29, s19;
	v6 =	vld [tilespmem:s30+$0x0]  }
0x8e: {  	v7 =	vld [tilespmem:s3+$0x0];
	_ =	sdelay $0x3  }
0x8f: {  	v5 =	vadd.f32 v6, v5  }
0x90: {  	vm4 =	vne.s32 v7, $0xFFFFFFFF  }
0x91: {  	(xrf2) =	vadd.seg.scan.f32 vm4, v5;
	_ =	sdelay $0x3  }
0x92: {  	s31 =	sadd.s32 $0x50B0, s0;
	v5 =	vperm.xlane v4, v1  }
0x93: {  	v6 =	vld [tilespmem:s31+$0x0]  }
0x94: {  	vm5 =	veq.s32 v7, v3;
	vm6 =	veq.s32 v7, v5  }
0x95: {  	vm7 =	vgt.u32 v7, $0xFFFFFFFD;
	vm6 =	vmor vm6, vm5  }
0x96: {  	vm6 =	vmor vm6, vm7  }
0x97: {  	v9 =	vld [tilespmem:$0xA0];
	v7 =	vsel vm6, $0xFFFFFFFF, v7  }
0x98: {  	v10 =	vld [tilespmem:$0x90];
	v6 =	vsel vm5, $0x0, v6;
	v8, _, _ =	vpop (xrf2)  }
0x99: {  	v6 =	vadd.f32 v8, v6  }
0x9a: {  	s0 =	sadd.s32 $0xBAF0, s0  }
0x9b: {  	vm4 =	vmand vm4, vm3;
	[tilespmem:s0+$0x0] =	vst v6;
	(ifvalue) =	ssetifvalue $0xFFFFFFFF  }
0x9c: {  	vm6 =	veq.s32 v9, $0x1;
	[hbm4b:s1+s16] =	stream.indirect_vreg.scatter [tilespmem:s0], [sflag:$0x2], $0x1, v7, vm0, $0x4038;
	v7 =	vsel vm4, $0x0, v8;
	[tilespmem:$0xF030] =	vst v63  }
0x9d: {  	s29 =	sadd.s32 $0xF010, s22;
	s22 =	sadd.s32 $0x10, s3;
	s2 =	simm.s32 $0x0;
	vm4 =	vmor vm6, vm5;
	v6 =	vsel vm5, v8, v10;
	v7 =	vshift.insert v7, v0, s21  }
.LBB2_7:
0x9e: {  	v8 =	vld [tilespmem:s22+$0x0];
	s30 =	sadd.s32 $0x10, s30  }
0x9f: {  	s31 =	sadd.s32 $0x10, s31;
	v9 =	vld [tilespmem:s30+$0x0]  }
0xa0: {  	s2 =	sadd.s32 $0x10, s2;
	v10 =	vld [tilespmem:s31+$0x0]  }
0xa1: {  	p2 =	slt.u32 s2, $0x1A80;
	_ =	sdelay $0x2  }
0xa2: {  	v7 =	vadd.f32 v9, v7  }
0xa3: {  	vm5 =	vne.s32 v8, $0xFFFFFFFF  }
0xa4: {  	vm6 =	vmand vm5, vm3;
	(xrf2) =	vadd.seg.scan.f32 vm5, v7;
	_ =	sdelay $0x5  }
0xa5: {  	vm7 =	veq.s32 v8, v5;
	vm5 =	veq.s32 v8, v3  }
0xa6: {  	vm8 =	vgt.u32 v8, $0xFFFFFFFD;
	vm4 =	vmor vm4, vm5;
	vm7 =	vmor vm7, vm5  }
0xa7: {  	vm7 =	vmor vm7, vm8  }
0xa8: {  	v8 =	vsel vm7, $0xFFFFFFFF, v8  }
.Ltmp5:
0xa9: {  	v7 =	vsel vm5, $0x0, v10;
	v9, _, _ =	vpop (xrf2);
	(pc) =	sbr.rel @p2 .LBB2_7-.Ltmp5, $4  }
0xaa: {  	v6 =	vsel vm5, v9, v6;
	v10 =	vadd.f32 v9, v7;
	v7 =	vsel vm6, $0x0, v9  }
0xab: {  	s0 =	sadd.s32 $0x10, s0;
	v7 =	vshift.insert v7, v0, s21  }
0xac: {  	s22 =	sadd.s32 $0x10, s22;
	[tilespmem:s0+$0x0] =	vst v10;
	(ifvalue) =	ssetifvalue $0xFFFFFFFF  }
0xad: {  	[hbm4b:s1+s16] =	stream.indirect_vreg.scatter [tilespmem:s0], [sflag:$0x2], $0x1, v8, vm0, $0x4038;
	[tilespmem:$0xF030] =	vst v63  }
0xae: {  	v3 =	vld [tilespmem:s28+$0xD570];
	_ =	sdelay $0x4  }
0xaf: {  	v3 =	vshift.insert v3, v0, s21  }
0xb0: {  	s0 =	simm.s32 $0x30  }
0xb1: {  	[tilespmem:s0+$0x0] =	vst.msk $0x1, v3  }
0xb2: {  	v3 =	vsel vm4, $0x1, v1;
	[tilespmem:$0x90] =	vst v6  }
0xb3: {  	s0 =	sadd.s32 @!p1 $0xD57F, s28;
	[tilespmem:$0xA0] =	vst v3  }
0xb4: {  	[spmem:s14] =	stream.linear.scatter @!p1 [tilespmem:s0], [sflag:$0x1], $0x1, $0x38;
	[tilespmem:$0xF030] =	vst v63  }
0xb5: {  	s0 =	simm.s32 @!p1 $0x1  }
0xb6: {  	v3 =	vmctz.xlane @!p1 vm4;
	_ =	swait.ge @!p1 [sflag:s0], $0x1  }
0xb7: {  	(v2sf) =	vpush @!p1 v4, $0x0  }
0xb8: {  	(v2sf) =	vpush @!p1 v3, $0x0;
	_ =	sdelay $0xd  }
0xb9: {  	s2 =	spop @!p1 (v2sf)  }
0xba: {  	s3 =	spop @!p1 (v2sf)  }
0xbb: {  	p2 =	sne.s32 @!p1 s26, s2;
	p3 =	slt.s32 @!p1 s3, $0xF  }
0xbc: {  	[sflag:s0] =	ssyncset.done @!p1 $0x0;
	p2 =	por p2, p1;
	p3 =	por !p3, p1  }
0xbd: {  	[sflag:s0] =	ssyncadd.s32 @!p1 $0xFFFFFFFF;
	v3 =	vimm.s32 @!p2 $0xFFFFFFFF;
	s3 =	simm.s32 @p3 $0xF  }
0xbe: {  	[tilespmem:$0x80] =	vst @!p2 v3;
	s2 =	sadd.s32 @!p1 $0x90, s3  }
0xbf: {  	[spmem:s10] =	stream.linear.scatter @!p1 [tilespmem:s2], [sflag:$0x1], $0x1, $0x38;
	[tilespmem:$0xF030] =	vst v63  }
0xc0: {  	_ =	swait.ge @!p1 [sflag:s0], $0x1  }
0xc1: {  	[sflag:s0] =	ssyncset.done @!p1 $0x0  }
0xc2: {  	s2 =	simm.s32 @!p1 $0x80;
	[sflag:s0] =	ssyncadd.s32 @!p1 $0xFFFFFFFF  }
0xc3: {  	[spmem:s15] =	stream.linear.scatter @!p1 [tilespmem:s2], [sflag:$0x1], $0x1, $0x38;
	[tilespmem:$0xF030] =	vst v63  }
0xc4: {  	_ =	swait.ge @!p1 [sflag:s0], $0x1  }
0xc5: {  	[sflag:s0] =	ssyncset.done @!p1 $0x0  }
0xc6: {  	[sflag:s0] =	ssyncadd.s32 @!p1 $0xFFFFFFFF;
	(ifvalue) =	ssetifvalue $0xFFFFFFFF;
	v3 =	vld [tilespmem:s25+$0x10];
	_ =	sdelay $0x3  }
.Ltmp6:
0xc7: {  	_ = 	snop;
	(pc) =	sbr.rel .LBB2_9-.Ltmp6, $3  }
0xc8: {  	_ =	sdelay $0x1  }
0xc9: {  	(ifvalue) =	ssetifvalue $0xFFFFFFFF  }
0xca: {  	[hbm4b:s1+s16] =	stream.indirect_vreg.scatter [tilespmem:s29], [sflag:$0x9], $0x1, v3, vm0, $0x4038;
	[tilespmem:$0xF030] =	vst v63  }
.LBB2_10:
0xcb: {  	_ =	sfence.sel $0x180000  }
0xcc: {  	s0 =	simm.s32 $0x7;
	[bflag:$0x0] =	sbarrier.arrive $0xFFFF  }
0xcd: {  	s26 =	simm.s32 $0x8;
	[sflag:s0] =	ssyncpa.u1 $0x1  }
0xce: {  	s28 =	simm.s32 $0x9;
	[sflag:s26] =	ssyncpa.u1 $0x1  }
0xcf: {  	[sflag:s28] =	ssyncpa.u1 $0x1  }
0xd0: {  	_ =	sfence.stream.spmem  }
0xd1: {  	s29 =	simm.s32 $0x3;
	[bflag:$0x0] =	sbarrier.arrive $0xFFFF  }
0xd2: {  	s30 =	simm.s32 $0x4;
	[sflag:s29] =	ssyncpa.u1 $0x1  }
0xd3: {  	s31 =	simm.s32 $0x3C;
	s2 =	stileid.u32;
	[sflag:s30] =	ssyncpa.u1 $0x1  }
0xd4: {  	p0 =	sne.s32 s2, $0x0;
	[sflag:s31] =	ssyncpa.u1 $0x1  }
0xd5: {  	s0 =	simm.s32 @p0 $0x1;
	_ =	sfence @p0  }
0xd6: {  	[sflag:s0] =	ssyncpa.u1 @p0 $0x1;
	s0 =	simm.s32 @p0 $0x2  }
0xd7: {  	[sflag:s0] =	ssyncpa.u1 @p0 $0x1  }
0xd8: {  	_ =	strace @p0 $0x90000056  }
0xd9: {  	[bflag:$0x2] =	sbarrier.arrive @p0 $0xFFFF  }
0xda: {  	_ =	shalt @p0  }
.LBB2_11:
0xdb: {  	_ =	sfence.stream.spmem;
	s0 =	simm.s32 $0x5  }
0xdc: {  	s2 =	simm.s32 $0x80;
	s3 =	simm.s32 $0xC0;
	[sflag:s0] =	ssyncpa.u1 $0x0  }
0xdd: {  	[tilespmem:s3], [sflag:$0x5] =	stream.linear.gather [spmem:s2], $0x20, $0x38;
	[tilespmem:$0xF030] =	vst v63  }
0xde: {  	s2 =	simm.s32 $0x0;
	s3 =	simm.s32 $0xE0  }
0xdf: {  	[tilespmem:s3], [sflag:$0x5] =	stream.linear.gather [spmem:s2], $0x20, $0x38;
	[tilespmem:$0xF030] =	vst v63  }
.Ltmp7:
0xe0: {  	_ = 	snop;
	(pc) =	sbr.rel .LBB2_12-.Ltmp7, $4  }
0xe1: {  	_ =	swait.ge [sflag:s0], $0x40  }
0xe2: {  	[sflag:s0] =	ssyncset.done $0x0  }
0xe3: {  	s31 =	simm.s32 $0x6;
	[sflag:s0] =	ssyncadd.s32 $0xFFFFFFC0  }
0xe4: {  	s4 =	simm.s32 $0x0;
	[sflag:s31] =	ssyncpa.u1 $0x0  }
.LBB2_17:
0xe5: {  	p0 =	sgt.u32 s5, $0x27FF  }
0xe6: {  	s0 =	sshrl.u32 @!p0 s5, $0x3  }
0xe7: {  	s5 =	sand.u32 @!p0 $0x7, s5;
	s6 =	simm.s32 @!p0 $0xB0;
	s0 =	sadd.s32 @!p0 s1, s0  }
0xe8: {  	[tilespmem:s6], [sflag:$0x6] =	stream.linear.gather @!p0 [hbm4b:s0+s5], $0x1, $0x38;
	[tilespmem:$0xF030] =	vst v63  }
0xe9: {  	s0 =	simm.s32 @!p0 $0x6  }
0xea: {  	_ =	swait.ge @!p0 [sflag:s0], $0x1  }
0xeb: {  	[sflag:s0] =	ssyncset.done @!p0 $0x0  }
0xec: {  	[sflag:s0] =	ssyncadd.s32 @!p0 $0xFFFFFFFF  }
0xed: {  	v2 =	vmov @!p0 s4;
	v1 =	vld.msk @!p0 [tilespmem:$0xB0], $0x1;
	_ =	sdelay $0x3  }
0xee: {  	s0 =	simm.s32 @!p0 $0xE0  }
0xef: {  	[tilespmem:v2+s0+$0x0], v1 =	vst.idx.ret.add.f32.msk @!p0 $0x1, v1  }
0xf0: {  	[tilespmem:s2+$0xC0] =	vst.msk $0x1, v0  }
0xf1: {  	v0 =	vld.msk [tilespmem:s4+$0xE0], $0x1;
	_ =	sdelay $0x4  }
0xf2: {  	[tilespmem:s2+$0xE0] =	vst.msk $0x1, v0;
	s2 =	sadd.s32 $0x1, s2  }
.LBB2_19:
0xf3: {  	s4 =	sadd.s32 $0x1, s4  }
0xf4: {  	p0 =	sne.s32 s4, $0x20  }
.Ltmp8:
0xf5: {  	_ = 	snop;
	(pc) =	sbr.rel @!p0 .LBB2_20-.Ltmp8, $1  }
0xf6: {  	_ =	sdelay $0x3  }
.LBB2_12:
0xf7: {  	v0 =	vld.msk [tilespmem:s4+$0xC0], $0x1;
	_ =	sdelay $0x4  }
0xf8: {  	(v2sf) =	vpush v0, $0x0;
	_ =	sdelay $0xe  }
0xf9: {  	s5 =	spop (v2sf)  }
0xfa: {  	p0 =	seq.s32 s5, $0xFFFFFFFF  }
.Ltmp9:
0xfb: {  	_ = 	snop;
	(pc) =	sbr.rel @p0 .LBB2_19-.Ltmp9, $1  }
0xfc: {  	_ =	sdelay $0x3  }
0xfd: {  	p0 =	slt.s32 s2, $0x1  }
.Ltmp10:
0xfe: {  	_ = 	snop;
	(pc) =	sbr.rel @p0 .LBB2_17-.Ltmp10, $1  }
0xff: {  	_ =	sdelay $0x3  }
0x100: {  	s0 =	simm.s32 $0xC0;
	p0 =	por $0x0, $0x0  }
0x101: {  	v1 =	vld.msk @!p0 [tilespmem:s0+$0x0], $0x1;
	_ =	sdelay $0x4  }
0x102: {  	(v2sf) =	vpush @!p0 v1, $0x0;
	_ =	sdelay $0xd  }
0x103: {  	p2 =	sne.s32 s2, $0x1  }
.Ltmp11:
0x104: {  	s6 =	spop @!p0 (v2sf);
	(pc) =	sbr.rel @!p2 .LBB2_16-.Ltmp11, $4  }
0x105: {  	p1 =	seq.s32 @!p0 s5, s6  }
0x106: {  	s6 =	simm.s32 $0x0;
	p1 =	por !p1, p0  }
0x107: {  	s8 =	simm.s32 $0xFFFFFFFF;
	s6 =	simm.s32 @p1 $0xFFFFFFFF  }
0x108: {  	s7 =	simm.s32 $0x1;
	s6 =	smov.u32 @p0 s8  }
.LBB2_15:
0x109: {  	s8 =	smov.u32 s6;
	p0 =	sne.s32 s6, $0xFFFFFFFF  }
0x10a: {  	s0 =	sadd.s32 $0x1, s0;
	s6 =	smov.u32 s7;
	s7 =	sadd.s32 $0x1, s7  }
0x10b: {  	p1 =	sne.s32 s2, s7;
	v1 =	vld.msk @!p0 [tilespmem:s0+$0x0], $0x1;
	_ =	sdelay $0x4  }
0x10c: {  	(v2sf) =	vpush @!p0 v1, $0x0;
	_ =	sdelay $0xe  }
.Ltmp12:
0x10d: {  	s9 =	spop @!p0 (v2sf);
	(pc) =	sbr.rel @p1 .LBB2_15-.Ltmp12, $4  }
0x10e: {  	p2 =	seq.s32 @!p0 s5, s9  }
0x10f: {  	p2 =	por !p2, p0  }
0x110: {  	s6 =	simm.s32 @p2 $0xFFFFFFFF  }
0x111: {  	s6 =	smov.u32 @p0 s8  }
.LBB2_16:
0x112: {  	p0 =	sne.s32 s6, $0xFFFFFFFF  }
.Ltmp13:
0x113: {  	_ = 	snop;
	(pc) =	sbr.rel @!p0 .LBB2_17-.Ltmp13, $1  }
0x114: {  	_ =	sdelay $0x3  }
0x115: {  	v0 =	vld.msk [tilespmem:s4+$0xE0], $0x1;
	v1 =	vmov s6  }
.Ltmp14:
0x116: {  	_ = 	snop;
	(pc) =	sbr.rel .LBB2_19-.Ltmp14, $2  }
0x117: {  	_ =	sdelay $0x2  }
0x118: {  	[tilespmem:v1+s3+$0x0], v0 =	vst.idx.ret.add.f32.msk $0x1, v0  }
.LBB2_20:
0x119: {  	p0 =	slt.s32 s2, $0x1  }
.Ltmp15:
0x11a: {  	_ = 	snop;
	(pc) =	sbr.rel @p0 .LBB2_24-.Ltmp15, $3  }
0x11b: {  	_ =	sdelay $0x1  }
0x11c: {  	s0 =	simm.s32 $0x6  }
0x11d: {  	s3 =	simm.s32 $0x0;
	[sflag:s0] =	ssyncpa.u1 $0x1  }
0x11e: {  	s0 =	simm.s32 $0xC0  }
0x11f: {  	v0 =	vld.msk [tilespmem:s0+$0x0], $0x1;
	_ =	sdelay $0x4  }
0x120: {  	(v2sf) =	vpush v0, $0x0;
	_ =	sdelay $0xe  }
0x121: {  	s2 =	sadd.s32 $0xFFFFFFFF, s2;
	s4 =	spop (v2sf)  }
0x122: {  	p1 =	sne.s32 s2, $0x0;
	p0 =	sgt.u32 s4, $0x27FF  }
.Ltmp16:
0x123: {  	s5 =	sshrl.u32 @!p0 s4, $0x3;
	(pc) =	sbr.rel @!p1 .LBB2_23-.Ltmp16, $4  }
0x124: {  	s0 =	simm.s32 $0xE0;
	s4 =	sand.u32 @!p0 $0x7, s4;
	s5 =	sadd.s32 @!p0 s1, s5  }
0x125: {  	[hbm4b:s5+s4] =	stream.linear.scatter @!p0 [tilespmem:s0], [sflag:$0x5], $0x1, $0x38;
	[tilespmem:$0xF030] =	vst v63  }
0x126: {  	s5 =	simm.s32 $0x0  }
0x127: {  	s4 =	simm.s32 $0xC1;
	s5 =	simm.s32 @!p0 $0x4  }
.LBB2_22:
0x128: {  	v0 =	vld.msk [tilespmem:s4+$0x0], $0x1;
	s2 =	sadd.s32 $0xFFFFFFFF, s2;
	s3 =	sadd.s32 s3, s5  }
0x129: {  	p0 =	sne.s32 s2, $0x0;
	_ =	sdelay $0x3  }
0x12a: {  	(v2sf) =	vpush v0, $0x0;
	_ =	sdelay $0xe  }
.Ltmp17:
0x12b: {  	s6 =	spop (v2sf);
	(pc) =	sbr.rel @p0 .LBB2_22-.Ltmp17, $4  }
0x12c: {  	s5 =	simm.s32 $0x0;
	p1 =	sgt.u32 s6, $0x27FF  }
0x12d: {  	s0 =	sadd.s32 $0x1, s0;
	s5 =	simm.s32 @!p1 $0x4;
	s7 =	sshrl.u32 @!p1 s6, $0x3  }
0x12e: {  	s4 =	sadd.s32 $0x1, s4;
	s6 =	sand.u32 @!p1 $0x7, s6;
	s7 =	sadd.s32 @!p1 s1, s7  }
0x12f: {  	[hbm4b:s7+s6] =	stream.linear.scatter @!p1 [tilespmem:s0], [sflag:$0x5], $0x1, $0x38;
	[tilespmem:$0xF030] =	vst v63  }
.LBB2_23:
0x130: {  	s0 =	sadd.s32 s3, s5  }
0x131: {  	s3 =	sshrl.u32 s0, $0x2  }
.LBB2_24:
0x132: {  	s0 =	simm.s32 $0x5  }
0x133: {  	_ =	swait.ge [sflag:s0], s3  }
0x134: {  	s1 =	ssub.s32 $0x0, s3;
	[sflag:s0] =	ssyncset.done $0x0  }
0x135: {  	[sflag:s0] =	ssyncadd.s32 s1  }
0x136: {  	[sflag:s0] =	ssyncpa.u1 $0x1  }
0x137: {  	s29 =	simm.s32 $0x1;
	_ =	sfence  }
0x138: {  	s30 =	simm.s32 $0x2;
	[sflag:s29] =	ssyncpa.u1 $0x1  }
0x139: {  	[sflag:s30] =	ssyncpa.u1 $0x1  }
0x13a: {  	_ =	strace $0x90000056  }
0x13b: {  	[bflag:$0x2] =	sbarrier.arrive $0xFFFF  }
0x13c: {  	s31 =	rddreg [dreg:$0x3]  }
0x13d: {  	s0 =	sadd.s32 $0x100000, s31  }
0x13e: {  	[sflag:s0] =	ssyncadd.tile.s32 $0x1;
	_ =	shalt  }
.Lfunc_end2:
_tile_overlayer_lowered:
.L_overlay_start_2:
0x13f: {  	(tag) =	ssettag $0x2  }
0x140: {  	s0 =	rddreg [dreg:$0x0];
	s2 =	stileid.u32  }
0x141: {  	s1 =	rddreg [dreg:$0x1];
	p0 =	sne.s32 s2, $0x0  }
0x142: {  	s3 =	rddreg [dreg:$0x2];
	[bflag:$0x3] =	sbarrier.arrive $0xFFFF;
	s2 =	simm.s32 @!p0 $0x1C01  }
0x143: {  	[timem:s3], [sflag:s2] =	dma.local @!p0 [hbm:s0], s1  }
0x144: {  	s0 =	simm.s32 @!p0 $0x1  }
0x145: {  	_ =	swait.ge @!p0 [sflag:s0], s1  }
0x146: {  	s1 =	ssub.s32 @!p0 $0x0, s1;
	[sflag:s0] =	ssyncset.done @!p0 $0x0  }
0x147: {  	[sflag:s0] =	ssyncadd.s32 @!p0 s1  }
0x148: {  	[bflag:$0x3] =	sbarrier.arrive $0xFFFF  }
0x149: {  	_ =	shalt  }

// kernel: scatter_offload_async_start
scs
__scs_entry_jumppad:
0x0: {  	(pc) =	sbr.rel $0x88, $3  }
0x1: {  	(tag) =	ssettag $0x0;
	lr =	simm.s32 $0x1  }
0x2: {  	[smem:$0x3F9B] =	sst lr;
	_ =	strace $0xD0000000  }
0x3: {  	_ = 	snop  }
0x4: {  	_ = 	snop  }
0x5: {  	_ = 	snop  }
0x6: {  	_ = 	snop  }
0x7: {  	_ = 	snop  }
__scs_overlays_trampoline_lowered:
0x8: {  	[smem:$0x3FAA] =	sst s0  }
0x9: {  	[smem:$0x3FAB] =	sst s1  }
0xa: {  	[smem:$0x3FAC] =	sst s2  }
0xb: {  	[smem:$0x3FAD] =	sst s3  }
0xc: {  	[smem:$0x3FAE] =	sst s4  }
0xd: {  	[smem:$0x3FAF] =	sst s5  }
0xe: {  	[smem:$0x3FB0] =	sst s6  }
0xf: {  	[smem:$0x3FB1] =	sst s7  }
0x10: {  	[smem:$0x3FB2] =	sst s8  }
0x11: {  	[smem:$0x3FB3] =	sst s9;
	s0 =	simm.s32 @!p0 $0x0  }
0x12: {  	s1 =	sld [smem:$0x3F99];
	s0 =	simm.s32 @p0 $0x1  }
0x13: {  	[smem:$0x3FB4] =	sst s0;
	s0 =	simm.s32 @!p1 $0x0  }
0x14: {  	s2 =	sld [smem:$0x3F98];
	s0 =	simm.s32 @p1 $0x1  }
0x15: {  	[smem:$0x3FB5] =	sst s0;
	s0 =	simm.s32 @!p2 $0x0  }
0x16: {  	s3 =	sld [smem:$0x3FDB];
	s0 =	simm.s32 @p2 $0x1  }
0x17: {  	s4 =	simm.s32 $0x1BF5;
	[smem:$0x3FB7] =	sst s0  }
0x18: {  	s0 =	sld [smem:$0x3F9A];
	_ =	swait.ge [sflag:s4], $0x0  }
0x19: {  	s7 =	sld [smem:$0x3F9B]  }
0x1a: {  	s8 =	sadd.s32 $0xFFFFE003, lr  }
0x1b: {  	s9 =	sadd.s32 $0xFFFFFEF7, lr;
	s5 =	simm.s32 $0xFFFFFFFF;
	p2 =	slt.u32 s8, $0xFFFFF086  }
0x1c: {  	p1 =	slt.u32 s9, $0xF7A;
	s5 =	simm.s32 @!p2 $0x0  }
0x1d: {  	s5 =	simm.s32 @p1 $0x1;
	p0 =	seq.s32 s7, s2  }
0x1e: {  	s7 =	smul.u32 @!p0 $0xF7A, s2;
	p2 =	seq.s32 @!p0 s5, $0x0  }
0x1f: {  	s9 =	smul.u32 $0xF7A, s1;
	s8 =	simm.s32 @!p0 $0x1BF5;
	p2 =	por !p2, p0  }
0x20: {  	[sflag:s8] =	ssyncset.s32 @!p0 $0xFFFFF086;
	s6 =	sadd.s32 @!p0 s3, s7;
	s7 =	simm.s32 @!p0 $0x108  }
0x21: {  	s3 =	sadd.s32 s3, s9;
	s6 =	sadd.s32 @!p0 $0x88, s6;
	s7 =	simm.s32 @p2 $0x1082  }
0x22: {  	[simem:s7], [sflag:s8] =	dma.local @!p0 [hbm:s6], $0xF7A  }
0x23: {  	s9 =	sor.u32 $0xD0000000, s2;
	s6 =	simm.s32 $0x108;
	_ =	swait.ge @!p0 [sflag:s8], $0x0  }
0x24: {  	s3 =	sadd.s32 $0x88, s3;
	s6 =	simm.s32 @!p1 $0x1082;
	[sflag:s4] =	ssyncset.s32 $0xFFFFF086  }
0x25: {  	[simem:s6], [sflag:s4] =	dma.local [hbm:s3], $0xF7A  }
0x26: {  	[smem:$0x3F9B] =	sst s1;
	(tag) =	ssettag s2;
	_ =	strace s9  }
0x27: {  	s1 =	sld [smem:$0x3FAB]  }
0x28: {  	s2 =	sld [smem:$0x3FAC]  }
0x29: {  	s4 =	sld [smem:$0x3FAE]  }
0x2a: {  	p0 =	seq.s32 s5, $0x0;
	s5 =	sld [smem:$0x3FAF]  }
0x2b: {  	s6 =	sld [smem:$0x3FB0]  }
0x2c: {  	s7 =	sld [smem:$0x3FB1]  }
0x2d: {  	s3 =	simm.s32 $0x108;
	s8 =	sld [smem:$0x3FB2]  }
0x2e: {  	s3 =	simm.s32 @!p0 $0x1082;
	s9 =	sld [smem:$0x3FB3]  }
0x2f: {  	lr =	sadd.s32 s0, s3;
	s0 =	sld [smem:$0x3FAA]  }
0x30: {  	s3 =	sld [smem:$0x3FAD]  }
0x31: {  	[smem:$0x3FB6] =	sst s10  }
0x32: {  	s10 =	sld [smem:$0x3FB4];
	_ =	sdelay $0x3  }
0x33: {  	p0 =	seq.s32 s10, $0x1;
	s10 =	sld [smem:$0x3FB6];
	_ =	sdelay $0x3  }
0x34: {  	[smem:$0x3FB6] =	sst s10  }
0x35: {  	s10 =	sld [smem:$0x3FB5];
	_ =	sdelay $0x3  }
0x36: {  	p1 =	seq.s32 s10, $0x1;
	s10 =	sld [smem:$0x3FB6];
	_ =	sdelay $0x3  }
0x37: {  	[smem:$0x3FB6] =	sst s10  }
0x38: {  	s10 =	sld [smem:$0x3FB7]  }
0x39: {  	_ = 	snop;
	(pc) =	sbr.ind lr, $3  }
0x3a: {  	_ = 	snop  }
0x3b: {  	_ = 	snop  }
0x3c: {  	p2 =	seq.s32 s10, $0x1;
	s10 =	sld [smem:$0x3FB6]  }
0x3d: {  	_ =	shalt  }
0x3e: {  	_ =	shalt  }
0x3f: {  	_ =	shalt  }
0x40: {  	_ =	shalt  }
0x41: {  	_ =	shalt  }
0x42: {  	_ =	shalt  }
0x43: {  	_ =	shalt  }
0x44: {  	_ =	shalt  }
0x45: {  	_ =	shalt  }
0x46: {  	_ =	shalt  }
0x47: {  	_ =	shalt  }
0x48: {  	_ =	shalt  }
0x49: {  	_ =	shalt  }
0x4a: {  	_ =	shalt  }
0x4b: {  	_ =	shalt  }
0x4c: {  	_ =	shalt  }
0x4d: {  	_ =	shalt  }
0x4e: {  	_ =	shalt  }
0x4f: {  	_ =	shalt  }
0x50: {  	_ =	shalt  }
0x51: {  	_ =	shalt  }
0x52: {  	_ =	shalt  }
0x53: {  	_ =	shalt  }
0x54: {  	_ =	shalt  }
0x55: {  	_ =	shalt  }
0x56: {  	_ =	shalt  }
0x57: {  	_ =	shalt  }
0x58: {  	_ =	shalt  }
0x59: {  	_ =	shalt  }
0x5a: {  	_ =	shalt  }
0x5b: {  	_ =	shalt  }
0x5c: {  	_ =	shalt  }
0x5d: {  	_ =	shalt  }
0x5e: {  	_ =	shalt  }
0x5f: {  	_ =	shalt  }
0x60: {  	_ =	shalt  }
0x61: {  	_ =	shalt  }
0x62: {  	_ =	shalt  }
0x63: {  	_ =	shalt  }
0x64: {  	_ =	shalt  }
0x65: {  	_ =	shalt  }
0x66: {  	_ =	shalt  }
0x67: {  	_ =	shalt  }
0x68: {  	_ =	shalt  }
0x69: {  	_ =	shalt  }
0x6a: {  	_ =	shalt  }
0x6b: {  	_ =	shalt  }
0x6c: {  	_ =	shalt  }
0x6d: {  	_ =	shalt  }
0x6e: {  	_ =	shalt  }
0x6f: {  	_ =	shalt  }
0x70: {  	_ =	shalt  }
0x71: {  	_ =	shalt  }
0x72: {  	_ =	shalt  }
0x73: {  	_ =	shalt  }
0x74: {  	_ =	shalt  }
0x75: {  	_ =	shalt  }
0x76: {  	_ =	shalt  }
0x77: {  	_ =	shalt  }
0x78: {  	_ =	shalt  }
0x79: {  	_ =	shalt  }
0x7a: {  	_ =	shalt  }
0x7b: {  	_ =	shalt  }
0x7c: {  	_ =	shalt  }
0x7d: {  	_ =	shalt  }
0x7e: {  	_ =	shalt  }
0x7f: {  	_ =	shalt  }
0x80: {  	_ =	shalt  }
0x81: {  	_ =	shalt  }
0x82: {  	_ =	shalt  }
0x83: {  	_ =	shalt  }
0x84: {  	_ =	shalt  }
0x85: {  	_ =	shalt  }
0x86: {  	_ =	shalt  }
0x87: {  	_ =	shalt  }
.Lfunc_end0:
.L_simem_size_0:
called_computation_lowered:
.L_overlay_start_0:
0x88: {  	s0 =	sld [smem:$0x3FD9]  }
0x89: {  	s1 =	sld [smem:$0x3FFE];
	_ =	sdelay $0x3  }
0x8a: {  	s0 =	sadd.s32 s1, s0  }
0x8b: {  	[smem:$0x3FC2] =	sst s0  }
0x8c: {  	_ = 	snop  }
0x8d: {  	s0 =	sld [smem:$0x3FD0];
	_ =	sdelay $0x2  }
0x8e: {  	s2 =	simm.s32 $0xB;
	s12 =	simm.s32 $0x10  }
0x8f: {  	[smem:s12], [sflag:s2] =	dma.local [hbm:s0], $0x1  }
0x90: {  	_ =	swait.eq [sflag:s2], $0x1  }
0x91: {  	s13 =	sld [smem:$0x10];
	[sflag:s2] =	ssyncset.done $0x0  }
0x92: {  	s3 =	sld [smem:$0x11];
	[sflag:s2] =	ssyncadd.s32 $0xFFFFFFFF  }
0x93: {  	s14 =	sld [smem:$0x12];
	(tm) =	ssettm $0x1  }
0x94: {  	s15 =	sld [smem:$0x3FFB];
	_ =	sdelay $0x3  }
0x95: {  	_ =	strace s15  }
0x96: {  	s0 =	sld [smem:$0x3FFC];
	_ =	sdelay $0x3  }
0x97: {  	_ =	strace s0  }
0x98: {  	s0 =	sld [smem:$0x3FFD];
	_ =	sdelay $0x3  }
0x99: {  	_ =	strace s0  }
0x9a: {  	_ =	strace $0x8FFFFFFF  }
0x9b: {  	s16 =	sld [smem:$0x3FDB];
	_ =	sdelay $0x1  }
0x9c: {  	s4 =	simm.s32 $_scs_section_size  }
0x9d: {  	s5 =	simm.s32 $_size__tile_overlayer_lowered;
	s6 =	simm.s32 $_tile_overlayer_lowered  }
0x9e: {  	s7 =	simm.s32 $0x1BFF;
	s17 =	sshll.u32 s6, $0x1;
	s4 =	sadd.s32 s4, s16  }
0x9f: {  	s18 =	simm.s32 $0x0;
	s5 =	sshll.u32 s5, $0x1;
	s6 =	sadd.s32 s17, s4  }
0xa0: {  	[timem:s18], [sflag:s7] =	dma.local [hbm:s6], s5  }
0xa1: {  	_ =	swait.ge [sflag:s7], s5  }
0xa2: {  	s5 =	ssub.s32 $0x0, s5;
	[sflag:s7] =	ssyncset.done $0x0  }
0xa3: {  	[sflag:s7] =	ssyncadd.s32 s5;
	_ =	sdelay $0x1  }
0xa4: {  	s19 =	simm.s32 $0x1B8B  }
0xa5: {  	_ =	swait.ge [sflag:s19], $0x1  }
0xa6: {  	[sflag:s19] =	ssyncset.done $0x0  }
0xa7: {  	s21 =	simm.s32 $0x1B8E;
	s20 =	sld [smem:$0x3FFE];
	[sflag:s19] =	ssyncadd.s32 $0xFFFFFFFF  }
0xa8: {  	s22 =	simm.s32 $execute0_lowered;
	[smem:$0x3FD2] =	sst s21  }
0xa9: {  	s6 =	sshll.u32 s22, $0x1;
	_ =	strace $0x8000004C;
	[dreg:$0x1] =	wrdreg $0xFFFFFFFF  }
0xaa: {  	s23 =	simm.s32 $_size_execute0_lowered;
	s6 =	sadd.s32 s4, s6;
	[dreg:$0x0] =	wrdreg $0x0  }
0xab: {  	s7 =	sshll.u32 s23, $0x1;
	[dreg:$0x2] =	wrdreg s6  }
0xac: {  	[dreg:$0x3] =	wrdreg s7  }
0xad: {  	[dreg:$0x4] =	wrdreg $0xC0  }
0xae: {  	s24 =	simm.s32 $execute1_lowered;
	_ =	task [dreg:s18], $0x5FFFF  }
0xaf: {  	s6 =	sshll.u32 s24, $0x1;
	[dreg:$0x1] =	wrdreg $0xFFFFFFFF  }
0xb0: {  	s4 =	sadd.s32 s4, s6;
	[dreg:$0x0] =	wrdreg $0x60  }
0xb1: {  	[dreg:$0x2] =	wrdreg s4  }
0xb2: {  	[dreg:$0x3] =	wrdreg s3  }
0xb3: {  	[dreg:$0x4] =	wrdreg s14  }
0xb4: {  	[dreg:$0x5] =	wrdreg $0x9  }
0xb5: {  	_ =	task.clear_ibuf [dreg:s18], $0x6FFFF;
	_ =	strace $0x9000004C  }
0xb6: {  	s25 =	simm.s32 $0x9;
	_ =	strace $0x8000004E  }
0xb7: {  	_ =	swait.ge [sflag:s25], $0x1  }
0xb8: {  	[sflag:s25] =	ssyncadd.s32 $0xFFFFFFFF  }
0xb9: {  	_ =	strace $0x9000004E  }
0xba: {  	_ =	strace $0x8000004F;
	[dreg:$0x1] =	wrdreg $0xFFFFFFFF  }
0xbb: {  	[dreg:$0x0] =	wrdreg $0x2030  }
0xbc: {  	[dreg:$0x2] =	wrdreg s14  }
0xbd: {  	[dreg:$0x3] =	wrdreg s13  }
0xbe: {  	[dreg:$0x4] =	wrdreg s20  }
0xbf: {  	[dreg:$0x5] =	wrdreg $0xA  }
0xc0: {  	_ =	task.clear_ibuf [dreg:s18], $0x6FFFF;
	_ =	strace $0x9000004F  }
0xc1: {  	s26 =	simm.s32 $0xA;
	_ =	strace $0x80000051  }
0xc2: {  	_ =	swait.ge [sflag:s26], $0x1  }
0xc3: {  	[sflag:s26] =	ssyncadd.s32 $0xFFFFFFFF  }
0xc4: {  	_ =	strace $0x90000051  }
0xc5: {  	_ =	sfence  }
0xc6: {  	s28 =	sld [smem:$0x0];
	_ =	sdelay $0x1  }
0xc7: {  	s29 =	srdreg.scid  }
0xc8: {  	s30 =	sshll.u32 s29, $0xD;
	s31 =	sshrl.u32 s29, $0x2  }
0xc9: {  	s2 =	sand.u32 $0x1, s29;
	s3 =	sand.u32 $0x4000, s30;
	s1 =	sadd.s32 s31, s28  }
0xca: {  	s2 =	sor.u32 s3, s2;
	s1 =	sshll.u32 s1, $0x11  }
0xcb: {  	s1 =	sor.u32 s1, s2  }
0xcc: {  	s1 =	sadd.s32 $0x8F2B, s1  }
0xcd: {  	[sflag:s1] =	ssyncadd.remote.s32 $0x1  }
0xce: {  	_ =	sfence.sel $0xFFFF  }
0xcf: {  	[dreg:$0x0] =	wrdreg $0xFFFFFFFF;
	(pc) =	sbr.abs _section_cstart, $3  }
0xd0: {  	[dreg:$0x1] =	wrdreg $0xFFFFFFFF  }
0xd1: {  	_ =	task.clear_ibuf [dreg:s18], $0x2FFFF;
	_ =	strace $0x9FFFFFFF  }
0xd2: {  	(tm) =	ssettm $0x7FFFFFFF  }
0xd3: {  	_ =	shalt  }
tec
execute0_lowered:
.L_overlay_start_1:
0x0: {  	(tag) =	ssettag $0x1  }
0x1: {  	s3 =	rddreg [dreg:$0x0]  }
0x2: {  	s5 =	rddreg [dreg:$0x1]  }
0x3: {  	s2 =	rddreg [dreg:$0x2]  }
0x4: {  	s0 =	rddreg [dreg:$0x3];
	s4 =	stileid.u32  }
0x5: {  	[bflag:$0x3] =	sbarrier.arrive $0xFFFF;
	s1 =	simm.s32 $_size_execute1_lowered;
	p0 =	sne.s32 s4, $0x0  }
0x6: {  	s1 =	sshll.u32 s1, $0x1;
	s6 =	simm.s32 @!p0 $0x1C3F;
	s7 =	simm.s32 @!p0 $0x4060  }
0x7: {  	[timem:s7], [sflag:s6] =	dma.local @!p0 [hbm:s3], s1  }
.Ltmp0:
0x8: {  	s30 =	simm.s32 $0x2;
	(pc) =	sbr.rel .LBB2_1-.Ltmp0, $4  }
0x9: {  	s8 =	simm.s32 $0x780;
	s10 =	simm.s32 $0x0;
	s3 =	smul.u32 $0x280, s4  }
0xa: {  	s9 =	simm.s32 $0x0;
	s4 =	simm.s32 $0x1;
	_ =	strace $0x8000004D  }
0xb: {  	s6 =	simm.s32 $0x0;
	[sflag:s4] =	ssyncpa.u1 $0x0;
	s31 =	sshrl.u32 s3, $0x3  }
0xc: {  	s7 =	simm.s32 $0x280;
	[sflag:s30] =	ssyncpa.u1 $0x0;
	s5 =	sadd.s32 s31, s5  }
.LBB2_8:
0xd: {  	p1 =	seq.s32 s9, $0x2  }
.Ltmp1:
0xe: {  	_ = 	snop;
	(pc) =	sbr.rel @p1 .LBB2_10-.Ltmp1, $1  }
0xf: {  	_ =	sdelay $0x3  }
.LBB2_9:
0x10: {  	s9 =	sadd.s32 $0x1, s9;
	s10 =	smov.u32 s3  }
.LBB2_1:
0x11: {  	p1 =	sne.s32 s9, $0x0  }
.Ltmp2:
0x12: {  	_ = 	snop;
	(pc) =	sbr.rel @!p1 .LBB2_2-.Ltmp2, $1  }
0x13: {  	_ =	sdelay $0x3  }
0x14: {  	s11 =	sand.u32 $0x1, s9  }
0x15: {  	p1 =	seq.s32 s11, $0x0  }
.Ltmp3:
0x16: {  	_ = 	snop;
	(pc) =	sbr.rel @p1 .LBB2_8-.Ltmp3, $1  }
0x17: {  	_ =	sdelay $0x3  }
0x18: {  	_ =	swait.ge [sflag:s4], $0x280  }
0x19: {  	[sflag:s4] =	ssyncset.done $0x0  }
0x1a: {  	s11 =	simm.s32 $0x0;
	p1 =	por $0x1, $0x1;
	[sflag:s4] =	ssyncadd.s32 $0xFFFFFD80  }
.LBB2_5:
0x1b: {  	v0 =	vld [tilespmem:s11+$0x280]  }
0x1c: {  	v1 =	vld [tilespmem:s11+$0x290]  }
0x1d: {  	v2 =	vld [tilespmem:s11+$0x2A0]  }
0x1e: {  	v3 =	vld [tilespmem:s11+$0x2B0]  }
0x1f: {  	v4 =	vld [tilespmem:s11+$0x2C0]  }
0x20: {  	v53 =	vld [tilespmem:s11+$0x2D0];
	[tilespmem:s11+$0x780] =	vst v0  }
0x21: {  	v54 =	vld [tilespmem:s11+$0x2E0];
	[tilespmem:s11+$0x790] =	vst v1  }
0x22: {  	v55 =	vld [tilespmem:s11+$0x2F0];
	[tilespmem:s11+$0x7A0] =	vst v2  }
0x23: {  	v56 =	vld [tilespmem:s11+$0x300];
	[tilespmem:s11+$0x7B0] =	vst v3  }
0x24: {  	v57 =	vld [tilespmem:s11+$0x310];
	[tilespmem:s11+$0x7C0] =	vst v4  }
0x25: {  	v58 =	vld [tilespmem:s11+$0x320];
	[tilespmem:s11+$0x7D0] =	vst v53  }
0x26: {  	v59 =	vld [tilespmem:s11+$0x330];
	[tilespmem:s11+$0x7E0] =	vst v54  }
0x27: {  	v60 =	vld [tilespmem:s11+$0x340];
	[tilespmem:s11+$0x7F0] =	vst v55  }
0x28: {  	v61 =	vld [tilespmem:s11+$0x350];
	[tilespmem:s11+$0x800] =	vst v56  }
0x29: {  	v62 =	vld [tilespmem:s11+$0x360];
	[tilespmem:s11+$0x810] =	vst v57  }
0x2a: {  	v63 =	vld [tilespmem:s11+$0x370];
	p2 =	por p1, p1;
	[tilespmem:s11+$0x820] =	vst v58  }
.Ltmp4:
0x2b: {  	[tilespmem:s11+$0x830] =	vst v59;
	(pc) =	sbr.rel @p2 .LBB2_5-.Ltmp4, $4  }
0x2c: {  	[tilespmem:s11+$0x840] =	vst v60  }
0x2d: {  	[tilespmem:s11+$0x850] =	vst v61  }
0x2e: {  	s12 =	simm.s32 $0x1F0;
	s13 =	simm.s32 $0x980;
	[tilespmem:s11+$0x860] =	vst v62  }
0x2f: {  	s14 =	simm.s32 $0x480;
	p1 =	por $0x0, $0x0;
	[tilespmem:s11+$0x870] =	vst v63;
	s11 =	simm.s32 $0x100  }
.LBB2_6:
0x30: {  	s12 =	sadd.s32 $0x10, s12  }
0x31: {  	v0 =	vld [tilespmem:s14+$0x0];
	p1 =	slt.u32 s12, $0x270  }
.Ltmp5:
0x32: {  	_ = 	snop;
	(pc) =	sbr.rel @p1 .LBB2_6-.Ltmp5, $2  }
0x33: {  	_ =	sdelay $0x2  }
0x34: {  	s14 =	sadd.s32 $0x10, s14;
	[tilespmem:s13+$0x0] =	vst v0;
	s13 =	sadd.s32 $0x10, s13  }
.Ltmp6:
0x35: {  	(pc) =	sbr.rel .LBB2_8-.Ltmp6, $4  }
0x36: {  	_ = 	snop  }
0x37: {  	s10 =	sshrl.u32 s10, $0x3  }
0x38: {  	s10 =	sadd.s32 s2, s10  }
0x39: {  	[hbm4b:s10+s6] =	stream.linear.scatter [tilespmem:s8], [sflag:$0x2], $0x280, $0x38;
	[tilespmem:$0xA00] =	vst v63  }
.LBB2_2:
.Ltmp7:
0x3a: {  	(pc) =	sbr.rel .LBB2_9-.Ltmp7, $2  }
0x3b: {  	_ =	sdelay $0x2  }
0x3c: {  	[tilespmem:s7], [sflag:$0x1] =	stream.linear.gather [hbm4b:s5+s6], $0x280, $0x38;
	[tilespmem:$0xA00] =	vst v63  }
.LBB2_10:
0x3d: {  	s2 =	simm.s32 $0x2  }
0x3e: {  	_ =	swait.ge [sflag:s2], $0x280  }
0x3f: {  	[sflag:s2] =	ssyncset.done $0x0  }
0x40: {  	[sflag:s2] =	ssyncadd.s32 $0xFFFFFD80  }
0x41: {  	_ =	sfence.sel $0x180000  }
0x42: {  	s3 =	simm.s32 $0x1;
	[bflag:$0x0] =	sbarrier.arrive $0xFFFF  }
0x43: {  	[sflag:s3] =	ssyncpa.u1 $0x1  }
0x44: {  	[sflag:s2] =	ssyncpa.u1 $0x1  }
0x45: {  	_ =	strace $0x9000004D  }
0x46: {  	s0 =	sadd.s32 @!p0 $0x100000, s0;
	[bflag:$0x2] =	sbarrier.arrive $0xFFFF  }
0x47: {  	[sflag:s0] =	ssyncadd.tile.s32 @!p0 $0x1;
	s0 =	simm.s32 @!p0 $0x3F  }
0x48: {  	_ =	swait.ge @!p0 [sflag:s0], s1  }
0x49: {  	s1 =	ssub.s32 @!p0 $0x0, s1;
	[sflag:s0] =	ssyncset.done @!p0 $0x0  }
0x4a: {  	[sflag:s0] =	ssyncadd.s32 @!p0 s1  }
0x4b: {  	[bflag:$0x3] =	sbarrier.arrive $0xFFFF  }
0x4c: {  	_ =	shalt  }
.Lfunc_end2:
execute1_lowered:
.L_overlay_start_2:
0x4d: {  	(tag) =	ssettag $0x2  }
0x4e: {  	s1 =	rddreg [dreg:$0x0];
	s3 =	stileid.u32  }
0x4f: {  	s0 =	rddreg [dreg:$0x2];
	_ =	strace $0x80000050;
	s4 =	smin.u32 s3, $0x9  }
0x50: {  	s2 =	simm.s32 $0x1;
	s5 =	simm.s32 $0x3520;
	s4 =	sadd.s32 s3, s4  }
0x51: {  	v1 =	vimm.s32 $0xFFFFFFFF;
	[sflag:s2] =	ssyncpa.u1 $0x0;
	p0 =	slt.u32 s3, $0x9;
	s4 =	smul.u32 $0x1A90, s4  }
0x52: {  	[tilespmem:$0x10] =	vst v1;
	s5 =	simm.s32 @!p0 $0x1A90  }
0x53: {  	v0 =	vimm.f32 $0.0e+00;
	[tilespmem:$0x20] =	vst v1;
	s5 =	sadd.s32 s5, s4  }
0x54: {  	[tilespmem:$0x30] =	vst v0;
	s5 =	smin.u32 s5, $0x29810  }
0x55: {  	[tilespmem:$0x40] =	vst v0;
	s9 =	ssub.s32 s5, s4  }
0x56: {  	[tilespmem:$0x50] =	vst v0;
	p0 =	sgt.s32 s9, $0x0  }
0x57: {  	s7 =	simm.s32 $0x2;
	s8 =	simm.s32 $0x8;
	[tilespmem:$0x60] =	vst v1;
	s9 =	simm.s32 @!p0 $0x0  }
0x58: {  	s31 =	simm.s32 $0x9;
	s16 =	simm.s32 $0x0;
	[tilespmem:$0x70] =	vst v1;
	s6 =	smulhi.u32 $0x134679AD, s9  }
0x59: {  	s17 =	simm.s32 $0xF0;
	s18 =	simm.s32 $0xFFFFFFFF;
	s19 =	simm.s32 $0xFFFFCBE0;
	[tilespmem:$0x80] =	vst v1  }
0x5a: {  	s20 =	simm.s32 $0xFFFFFFFE;
	s21 =	simm.s32 $0xF;
	v1 =	vimm.s32 $0x0;
	[tilespmem:$0xB0] =	vst v0;
	s10 =	sshrl.u32 s6, $0x9  }
0x5b: {  	s25 =	simm.s32 $0x0;
	s24 =	simm.s32 $0x0;
	[tilespmem:$0x90] =	vst v1;
	s11 =	smul.u32 $0x1A90, s10  }
0x5c: {  	s14 =	sshllo.u32 s3, $0x1;
	[tilespmem:$0xA0] =	vst v1;
	[sflag:s7] =	ssyncpa.u1 $0x0;
	s7 =	simm.s32 $0x7  }
.Ltmp8:
0x5d: {  	[sflag:s7] =	ssyncpa.u1 $0x0;
	p0 =	sne.s32 s9, s11;
	(pc) =	sbr.rel .LBB3_1-.Ltmp8, $4  }
0x5e: {  	[sflag:s8] =	ssyncpa.u1 $0x0;
	s23 =	smov.u32 s4;
	s2 =	simm.s32 @!p0 $0x0  }
0x5f: {  	[sflag:s31] =	ssyncpa.u1 $0x0;
	s6 =	sadd.s32 $0x6000, s0;
	s9 =	sadd.s32 s2, s10  }
0x60: {  	vm0 =	vmmov $0xffff;
	v2 =	vlaneseq.u32;
	p0 =	por $0x0, $0x0;
	s10 =	sshll.u32 s3, $0x1;
	s11 =	sadd.s32 $0x1, s9  }
0x61: {  	vm1 =	vmxor vm1, vm1;
	vm2 =	vmmov $0x1;
	vm3 =	vcmask $0x3F3C;
	s12 =	sadd.s32 $0x2, s9;
	s13 =	sor.u32 $0x81, s10;
	s15 =	sor.u32 $0x80, s10  }
.LBB3_9:
0x62: {  	p1 =	slt.u32 s24, $0x3  }
0x63: {  	s0 =	simm.s32 @!p1 $0x2  }
0x64: {  	_ =	swait.ge @!p1 [sflag:s0], $0x1A90  }
0x65: {  	[sflag:s0] =	ssyncset.done @!p1 $0x0  }
0x66: {  	[sflag:s0] =	ssyncadd.s32 @!p1 $0xFFFFE570;
	s0 =	simm.s32 @!p1 $0x9  }
0x67: {  	_ =	swait.ge @!p1 [sflag:s0], $0x10  }
0x68: {  	[sflag:s0] =	ssyncset.done @!p1 $0x0  }
0x69: {  	[sflag:s0] =	ssyncadd.s32 @!p1 $0xFFFFFFF0;
	p1 =	sne.s32 s24, s12  }
.Ltmp9:
0x6a: {  	s2 =	sadd.s32 $0x1A90, s23;
	(pc) =	sbr.rel @!p1 .LBB3_10-.Ltmp9, $4  }
0x6b: {  	s3 =	smov.u32 s4;
	s31 =	sadd.s32 $0x1, s24;
	s17 =	sadd.s32 $0x1A90, s17  }
0x6c: {  	s18 =	sadd.s32 $0x1, s18;
	s25 =	smov.u32 s23;
	p2 =	slt.s32 s2, s5  }
0x6d: {  	p0 =	por !p0, !p0;
	s19 =	sadd.s32 $0x1A90, s19;
	s3 =	smov.u32 @p2 s2  }
0x6e: {  	s20 =	sadd.s32 $0x1, s20;
	s23 =	smov.u32 s3;
	s24 =	smov.u32 s31  }
.LBB3_1:
0x6f: {  	p1 =	sge.u32 s24, s9  }
0x70: {  	s0 =	smulhi.u32 @!p1 $0xAAAAAAAB, s24;
	_ =	sdelay $0x1  }
0x71: {  	s0 =	sshrl.u32 @!p1 s0, $0x1  }
0x72: {  	s0 =	smul.u32 @!p1 $0x3, s0;
	_ =	sdelay $0x1  }
0x73: {  	s0 =	ssub.s32 @!p1 s24, s0  }
0x74: {  	s0 =	smul.u32 @!p1 $0x6A40, s0;
	_ =	sdelay $0x1  }
0x75: {  	s3 =	rddreg [dreg:$0x1];
	s2 =	sshrl.u32 @!p1 s23, $0x3;
	s0 =	sshrl.u32 @!p1 s0, $0x2  }
0x76: {  	s22 =	sand.u32 @!p1 $0x7, s23;
	s2 =	sadd.s32 @!p1 s3, s2;
	s0 =	sadd.s32 @!p1 $0x100, s0  }
0x77: {  	[tilespmem:s0], [sflag:$0x7] =	stream.linear.gather @!p1 [hbm4b:s2+s22], $0x1A90, $0x38;
	[tilespmem:$0xF030] =	vst v63  }
0x78: {  	s0 =	sadd.s32 $0xFFFFFFFF, s24  }
0x79: {  	p1 =	sge.u32 s0, s9  }
.Ltmp10:
0x7a: {  	_ = 	snop;
	(pc) =	sbr.rel @p1 .LBB3_5-.Ltmp10, $1  }
0x7b: {  	_ =	sdelay $0x3  }
0x7c: {  	s2 =	smulhi.u32 $0xAAAAAAAB, s0;
	_ =	sdelay $0x1  }
0x7d: {  	s2 =	sshrl.u32 s2, $0x1  }
0x7e: {  	s2 =	smul.u32 $0x3, s2;
	_ =	sdelay $0x1  }
0x7f: {  	s2 =	ssub.s32 s0, s2  }
0x80: {  	s2 =	smul.u32 $0x6A40, s2  }
0x81: {  	_ =	swait.ge [sflag:s7], $0x1A90  }
0x82: {  	[sflag:s7] =	ssyncset.done $0x0;
	s2 =	sshrl.u32 s2, $0x2  }
0x83: {  	[sflag:s7] =	ssyncadd.s32 $0xFFFFE570;
	(ifvalue) =	ssetifvalue $0xFFFFFFFF;
	v3 =	vld.msk [tilespmem:s2+$0x100 ss:$0x1], $0xffff;
	_ =	sdelay $0x2  }
0x84: {  	s30 =	smulhi.u32 $0xAAAAAAAB, s18;
	p1 =	sne.s32 s24, $0x1  }
0x85: {  	v4 =	vimm.s32 @!p1 $0x0  }
0x86: {  	s2 =	sshrl.u32 s30, $0x1;
	v4 =	vperm.xlane @!p1 v3, v4  }
0x87: {  	s22 =	sshll.u32 s24, $0x4;
	s2 =	smul.u32 $0xFFFEC140, s2;
	vm4 =	vlt.u32 v3, $0x2800  }
0x88: {  	s22 =	sand.u32 $0x10, s22;
	v3 =	vnsel vm4, $0xFFFFFFFE, v3;
	vm4 =	vlt.u32 @!p1 v4, $0x2800  }
0x89: {  	s2 =	sshra.s32 s2, $0x2;
	[tilespmem:s22+$0x60] =	vst v3;
	v3 =	vnsel @!p1 vm4, $0xFFFFFFFE, v4  }
0x8a: {  	s28 =	sadd.s32 s2, s17;
	[tilespmem:$0x80] =	vst @!p1 v3  }
0x8b: {  	v3 =	vld.msk [tilespmem:s28+$0x0 ss:$0x1], $0xffff;
	_ =	sdelay $0x4  }
0x8c: {  	(xrf1) =	vunique.msk.u32 $0xffff, v3;
	_ =	sdelay $0xd  }
0x8d: {  	v4 =	vimm.s32 $0xFFFFFFFF;
	v5, _, _ =	vpop (xrf1)  }
0x8e: {  	vm5 =	vne.s32 v3, v4;
	vm4 =	veq.s32 v5, v2  }
0x8f: {  	vm6 =	vlt.u32 v3, $0x2800;
	vm4 =	vmand vm5, vm4  }
0x90: {  	vm4 =	vmand vm6, vm4  }
0x91: {  	v4 =	vnsel vm4, $0xFFFFFFFF, v3  }
0x92: {  	s31 =	sand.u32 $0x1, s0  }
0x93: {  	s0 =	simm.s32 $0x1A90;
	p1 =	seq.s32 s31, $0x1  }
0x94: {  	s0 =	simm.s32 @!p1 $0x0  }
0x95: {  	s26 =	sadd.s32 $0x6B30, s0;
	(ifvalue) =	ssetifvalue $0xFFFFFFFF  }
0x96: {  	v3 =	vperm.xlane v3, v1;
	[tilespmem:s26], [sflag:$0x8] =	stream.indirect_vreg.gather [hbm4b:s1+s16], $0x1, v4, vm0, $0x4038;
	v4 =	vnsel vm6, $0xFFFFFFFE, v4;
	[tilespmem:$0xF030] =	vst v63  }
0x97: {  	s2 =	simm.s32 $0x0;
	s22 =	sadd.s32 $0xFFFFFFF0, s28;
	[tilespmem:s28+$0x0] =	vst v4  }
.LBB3_3:
0x98: {  	v4 =	vld.msk [tilespmem:s22+$0x0 ss:$0x1], $0xffff;
	s2 =	sadd.s32 $0x10, s2;
	v5 =	vmov v3;
	s28 =	smov.u32 s22  }
0x99: {  	p1 =	slt.u32 s2, $0x1A80;
	_ =	sdelay $0x4  }
0x9a: {  	v3 =	vperm.xlane v4, v1;
	(xrf1) =	vunique.msk.u32 $0xffff, v4;
	_ =	sdelay $0xd  }
0x9b: {  	v6, _, _ =	vpop (xrf1)  }
0x9c: {  	vm5 =	vne.s32 v4, v5;
	vm4 =	veq.s32 v6, v2  }
0x9d: {  	vm6 =	vlt.u32 v4, $0x2800;
	vm4 =	vmand vm5, vm4  }
0x9e: {  	vm4 =	vmand vm6, vm4  }
0x9f: {  	v4 =	vnsel vm4, $0xFFFFFFFF, v4  }
.Ltmp11:
0xa0: {  	v5 =	vnsel vm6, $0xFFFFFFFE, v4;
	(pc) =	sbr.rel @p1 .LBB3_3-.Ltmp11, $3  }
0xa1: {  	_ =	sdelay $0x1  }
0xa2: {  	s22 =	sadd.s32 $0xFFFFFFF0, s22;
	s26 =	sadd.s32 $0xFFFFFFF0, s26;
	(ifvalue) =	ssetifvalue $0xFFFFFFFF  }
0xa3: {  	[tilespmem:s26], [sflag:$0x8] =	stream.indirect_vreg.gather [hbm4b:s1+s16], $0x1, v4, vm0, $0x4038;
	[tilespmem:s28+$0x0] =	vst v5  }
0xa4: {  	s2 =	sshrl.u32 s25, $0x3  }
0xa5: {  	s0 =	sadd.s32 $0x85D0, s0;
	s2 =	sadd.s32 s6, s2  }
0xa6: {  	[tilespmem:s0], [sflag:$0x8] =	stream.linear.gather [hbm:s2], $0x1A90, $0x38;
	[tilespmem:$0xF030] =	vst v63  }
.LBB3_5:
0xa7: {  	p1 =	slt.u32 s24, $0x2  }
0xa8: {  	p2 =	sge.u32 @!p1 s24, s12  }
0xa9: {  	p1 =	por p1, p2  }
.Ltmp12:
0xaa: {  	_ = 	snop;
	(pc) =	sbr.rel @p1 .LBB3_9-.Ltmp12, $1  }
0xab: {  	_ =	sdelay $0x3  }
0xac: {  	s0 =	sadd.s32 $0xFFFFFFFE, s24  }
0xad: {  	s2 =	smulhi.u32 $0xAAAAAAAB, s0;
	_ =	sdelay $0x1  }
0xae: {  	s2 =	sshrl.u32 s2, $0x1  }
0xaf: {  	s2 =	smul.u32 $0x3, s2;
	_ =	sdelay $0x1  }
0xb0: {  	s0 =	ssub.s32 s0, s2  }
0xb1: {  	_ =	swait.ge [sflag:s8], $0x3520;
	s0 =	smul.u32 $0x1A90, s0  }
0xb2: {  	p1 =	sne.s32 s24, s11;
	[sflag:s8] =	ssyncset.done $0x0  }
0xb3: {  	[sflag:s8] =	ssyncadd.s32 $0xFFFFCAE0;
	s2 =	sadd.s32 @!p1 $0x1B8F, s0  }
0xb4: {  	[spmem:s13] =	stream.linear.scatter @!p1 [tilespmem:s2], [sflag:$0x1], $0x1, $0x38;
	[tilespmem:$0xF030] =	vst v63  }
0xb5: {  	s2 =	simm.s32 @!p1 $0x1  }
0xb6: {  	_ =	swait.ge @!p1 [sflag:s2], $0x1  }
0xb7: {  	s22 =	sshll.u32 s24, $0x4;
	[sflag:s2] =	ssyncset.done @!p1 $0x0  }
0xb8: {  	s25 =	sand.u32 $0x10, s22;
	[sflag:s2] =	ssyncadd.s32 @!p1 $0xFFFFFFFF  }
0xb9: {  	s2 =	sxor.u32 $0x10, s25;
	v4 =	vld [tilespmem:s25+$0x10]  }
0xba: {  	v5 =	vld [tilespmem:s2+$0x60]  }
0xbb: {  	v3 =	vld [tilespmem:$0x80];
	_ =	sdelay $0x2  }
0xbc: {  	(v2sf) =	vpush v4, $0x0  }
0xbd: {  	(v2sf) =	vpush v5, $0x0  }
0xbe: {  	(v2sf) =	vpush v3, $0x0;
	_ =	sdelay $0xc  }
0xbf: {  	s3 =	spop (v2sf)  }
0xc0: {  	s28 =	spop (v2sf)  }
0xc1: {  	s26 =	spop (v2sf)  }
0xc2: {  	p2 =	seq.s32 s3, s28;
	p3 =	seq.s32 s26, s3  }
0xc3: {  	p3 =	por p2, p3  }
0xc4: {  	s3 =	sand.u32 $0x1, s24;
	v4 =	vpsel p3, $0xFFFFFFFF, v4  }
0xc5: {  	s28 =	smul.u32 $0x1A90, s3;
	[tilespmem:s25+$0x10] =	vst.msk $0x1, v4  }
0xc6: {  	v4 =	vld [tilespmem:$0x30]  }
0xc7: {  	v5 =	vld [tilespmem:s28+$0x85D0]  }
0xc8: {  	v6 =	vld [tilespmem:s25+$0x40];
	_ =	sdelay $0x3  }
0xc9: {  	vm4 =	vmmov vm1;
	v5 =	vadd.f32 v5, v4  }
0xca: {  	vm5 =	vmmov vm2;
	vm4 =	vmmov @p2 vm2;
	v4 =	vadd.f32 v6, v4  }
0xcb: {  	s22 =	sshll.u32 s3, $0x4;
	vm5 =	vmmov @p3 vm1;
	[tilespmem:s28+$0x85D0] =	vst.msk vm4, v5  }
0xcc: {  	[tilespmem:s22+$0xF010] =	vst.msk vm5, v4  }
0xcd: {  	v4 =	vld [tilespmem:s28+$0x6B30];
	_ =	sdelay $0x3  }
0xce: {  	v5 =	vimm.f32 $0.0e+00  }
0xcf: {  	v4 =	vshift.insert v4, v5, s21  }
0xd0: {  	s29 =	sor.u32 $0x40, s2  }
0xd1: {  	[tilespmem:s29+$0x0] =	vst.msk $0x1, v4  }
0xd2: {  	[tilespmem:s28+$0x6B3F] =	vst.msk $0x1, v5  }
0xd3: {  	v4 =	vld [tilespmem:s0+$0x1B80];
	_ =	sdelay $0x1  }
0xd4: {  	s29 =	smulhi.u32 $0xAAAAAAAB, s20;
	s0 =	simm.s32 $0x1  }
0xd5: {  	s0 =	simm.s32 @!p0 $0x0  }
0xd6: {  	s29 =	sshrl.u32 s29, $0x1;
	s0 =	smul.u32 $0x6A40, s0  }
0xd7: {  	s29 =	smul.u32 $0xFFFEC140, s29;
	v4 =	vshift.insert v4, v1, s21  }
0xd8: {  	s0 =	sshrl.u32 s0, $0x2  }
0xd9: {  	s29 =	sshra.s32 s29, $0x2;
	s30 =	sadd.s32 $0x85D0, s0;
	[tilespmem:s2+$0x10] =	vst.msk $0x1, v4  }
0xda: {  	s3 =	sadd.s32 s29, s19;
	v6 =	vld [tilespmem:s30+$0x0]  }
0xdb: {  	v7 =	vld [tilespmem:s3+$0x0];
	_ =	sdelay $0x3  }
0xdc: {  	v5 =	vadd.f32 v6, v5  }
0xdd: {  	vm4 =	vne.s32 v7, $0xFFFFFFFF  }
0xde: {  	(xrf2) =	vadd.seg.scan.f32 vm4, v5;
	_ =	sdelay $0x3  }
0xdf: {  	s31 =	sadd.s32 $0x50B0, s0;
	v5 =	vperm.xlane v4, v1  }
0xe0: {  	v6 =	vld [tilespmem:s31+$0x0]  }
0xe1: {  	vm5 =	veq.s32 v7, v3;
	vm6 =	veq.s32 v7, v5  }
0xe2: {  	vm7 =	vgt.u32 v7, $0xFFFFFFFD;
	vm6 =	vmor vm6, vm5  }
0xe3: {  	vm6 =	vmor vm6, vm7  }
0xe4: {  	v9 =	vld [tilespmem:$0xA0];
	v7 =	vsel vm6, $0xFFFFFFFF, v7  }
0xe5: {  	v10 =	vld [tilespmem:$0x90];
	v6 =	vsel vm5, $0x0, v6;
	v8, _, _ =	vpop (xrf2)  }
0xe6: {  	v6 =	vadd.f32 v8, v6  }
0xe7: {  	s0 =	sadd.s32 $0xBAF0, s0  }
0xe8: {  	vm4 =	vmand vm4, vm3;
	[tilespmem:s0+$0x0] =	vst v6;
	(ifvalue) =	ssetifvalue $0xFFFFFFFF  }
0xe9: {  	vm6 =	veq.s32 v9, $0x1;
	[hbm4b:s1+s16] =	stream.indirect_vreg.scatter [tilespmem:s0], [sflag:$0x2], $0x1, v7, vm0, $0x4038;
	v7 =	vsel vm4, $0x0, v8;
	[tilespmem:$0xF030] =	vst v63  }
0xea: {  	s29 =	sadd.s32 $0xF010, s22;
	s22 =	sadd.s32 $0x10, s3;
	s2 =	simm.s32 $0x0;
	vm4 =	vmor vm6, vm5;
	v6 =	vsel vm5, v8, v10;
	v7 =	vshift.insert v7, v0, s21  }
.LBB3_7:
0xeb: {  	v8 =	vld [tilespmem:s22+$0x0];
	s30 =	sadd.s32 $0x10, s30  }
0xec: {  	s31 =	sadd.s32 $0x10, s31;
	v9 =	vld [tilespmem:s30+$0x0]  }
0xed: {  	s2 =	sadd.s32 $0x10, s2;
	v10 =	vld [tilespmem:s31+$0x0]  }
0xee: {  	p2 =	slt.u32 s2, $0x1A80;
	_ =	sdelay $0x2  }
0xef: {  	v7 =	vadd.f32 v9, v7  }
0xf0: {  	vm5 =	vne.s32 v8, $0xFFFFFFFF  }
0xf1: {  	vm6 =	vmand vm5, vm3;
	(xrf2) =	vadd.seg.scan.f32 vm5, v7;
	_ =	sdelay $0x5  }
0xf2: {  	vm7 =	veq.s32 v8, v5;
	vm5 =	veq.s32 v8, v3  }
0xf3: {  	vm8 =	vgt.u32 v8, $0xFFFFFFFD;
	vm4 =	vmor vm4, vm5;
	vm7 =	vmor vm7, vm5  }
0xf4: {  	vm7 =	vmor vm7, vm8  }
0xf5: {  	v8 =	vsel vm7, $0xFFFFFFFF, v8  }
.Ltmp13:
0xf6: {  	v7 =	vsel vm5, $0x0, v10;
	v9, _, _ =	vpop (xrf2);
	(pc) =	sbr.rel @p2 .LBB3_7-.Ltmp13, $4  }
0xf7: {  	v6 =	vsel vm5, v9, v6;
	v10 =	vadd.f32 v9, v7;
	v7 =	vsel vm6, $0x0, v9  }
0xf8: {  	s0 =	sadd.s32 $0x10, s0;
	v7 =	vshift.insert v7, v0, s21  }
0xf9: {  	s22 =	sadd.s32 $0x10, s22;
	[tilespmem:s0+$0x0] =	vst v10;
	(ifvalue) =	ssetifvalue $0xFFFFFFFF  }
0xfa: {  	[hbm4b:s1+s16] =	stream.indirect_vreg.scatter [tilespmem:s0], [sflag:$0x2], $0x1, v8, vm0, $0x4038;
	[tilespmem:$0xF030] =	vst v63  }
0xfb: {  	v3 =	vld [tilespmem:s28+$0xD570];
	_ =	sdelay $0x4  }
0xfc: {  	v3 =	vshift.insert v3, v0, s21  }
0xfd: {  	s0 =	simm.s32 $0x30  }
0xfe: {  	[tilespmem:s0+$0x0] =	vst.msk $0x1, v3  }
0xff: {  	v3 =	vsel vm4, $0x1, v1;
	[tilespmem:$0x90] =	vst v6  }
0x100: {  	s0 =	sadd.s32 @!p1 $0xD57F, s28;
	[tilespmem:$0xA0] =	vst v3  }
0x101: {  	[spmem:s14] =	stream.linear.scatter @!p1 [tilespmem:s0], [sflag:$0x1], $0x1, $0x38;
	[tilespmem:$0xF030] =	vst v63  }
0x102: {  	s0 =	simm.s32 @!p1 $0x1  }
0x103: {  	v3 =	vmctz.xlane @!p1 vm4;
	_ =	swait.ge @!p1 [sflag:s0], $0x1  }
0x104: {  	(v2sf) =	vpush @!p1 v4, $0x0  }
0x105: {  	(v2sf) =	vpush @!p1 v3, $0x0;
	_ =	sdelay $0xd  }
0x106: {  	s2 =	spop @!p1 (v2sf)  }
0x107: {  	s3 =	spop @!p1 (v2sf)  }
0x108: {  	p2 =	sne.s32 @!p1 s26, s2;
	p3 =	slt.s32 @!p1 s3, $0xF  }
0x109: {  	[sflag:s0] =	ssyncset.done @!p1 $0x0;
	p2 =	por p2, p1;
	p3 =	por !p3, p1  }
0x10a: {  	[sflag:s0] =	ssyncadd.s32 @!p1 $0xFFFFFFFF;
	v3 =	vimm.s32 @!p2 $0xFFFFFFFF;
	s3 =	simm.s32 @p3 $0xF  }
0x10b: {  	[tilespmem:$0x80] =	vst @!p2 v3;
	s2 =	sadd.s32 @!p1 $0x90, s3  }
0x10c: {  	[spmem:s10] =	stream.linear.scatter @!p1 [tilespmem:s2], [sflag:$0x1], $0x1, $0x38;
	[tilespmem:$0xF030] =	vst v63  }
0x10d: {  	_ =	swait.ge @!p1 [sflag:s0], $0x1  }
0x10e: {  	[sflag:s0] =	ssyncset.done @!p1 $0x0  }
0x10f: {  	s2 =	simm.s32 @!p1 $0x80;
	[sflag:s0] =	ssyncadd.s32 @!p1 $0xFFFFFFFF  }
0x110: {  	[spmem:s15] =	stream.linear.scatter @!p1 [tilespmem:s2], [sflag:$0x1], $0x1, $0x38;
	[tilespmem:$0xF030] =	vst v63  }
0x111: {  	_ =	swait.ge @!p1 [sflag:s0], $0x1  }
0x112: {  	[sflag:s0] =	ssyncset.done @!p1 $0x0  }
0x113: {  	[sflag:s0] =	ssyncadd.s32 @!p1 $0xFFFFFFFF;
	(ifvalue) =	ssetifvalue $0xFFFFFFFF;
	v3 =	vld [tilespmem:s25+$0x10];
	_ =	sdelay $0x3  }
.Ltmp14:
0x114: {  	_ = 	snop;
	(pc) =	sbr.rel .LBB3_9-.Ltmp14, $3  }
0x115: {  	_ =	sdelay $0x1  }
0x116: {  	(ifvalue) =	ssetifvalue $0xFFFFFFFF  }
0x117: {  	[hbm4b:s1+s16] =	stream.indirect_vreg.scatter [tilespmem:s29], [sflag:$0x9], $0x1, v3, vm0, $0x4038;
	[tilespmem:$0xF030] =	vst v63  }
.LBB3_10:
0x118: {  	_ =	sfence.sel $0x180000  }
0x119: {  	s0 =	simm.s32 $0x7;
	[bflag:$0x0] =	sbarrier.arrive $0xFFFF  }
0x11a: {  	s26 =	simm.s32 $0x8;
	[sflag:s0] =	ssyncpa.u1 $0x1  }
0x11b: {  	s28 =	simm.s32 $0x9;
	[sflag:s26] =	ssyncpa.u1 $0x1  }
0x11c: {  	[sflag:s28] =	ssyncpa.u1 $0x1  }
0x11d: {  	_ =	sfence.stream.spmem  }
0x11e: {  	s29 =	simm.s32 $0x3;
	[bflag:$0x0] =	sbarrier.arrive $0xFFFF  }
0x11f: {  	s30 =	simm.s32 $0x4;
	[sflag:s29] =	ssyncpa.u1 $0x1  }
0x120: {  	s31 =	simm.s32 $0x3C;
	s2 =	stileid.u32;
	[sflag:s30] =	ssyncpa.u1 $0x1  }
0x121: {  	p0 =	sne.s32 s2, $0x0;
	[sflag:s31] =	ssyncpa.u1 $0x1  }
0x122: {  	s0 =	simm.s32 @p0 $0x1;
	_ =	sfence @p0  }
0x123: {  	[sflag:s0] =	ssyncpa.u1 @p0 $0x1;
	s0 =	simm.s32 @p0 $0x2  }
0x124: {  	[sflag:s0] =	ssyncpa.u1 @p0 $0x1  }
0x125: {  	_ =	strace @p0 $0x90000050  }
0x126: {  	[bflag:$0x2] =	sbarrier.arrive @p0 $0xFFFF  }
0x127: {  	_ =	shalt @p0  }
.LBB3_11:
0x128: {  	_ =	sfence.stream.spmem;
	s0 =	simm.s32 $0x5  }
0x129: {  	s2 =	simm.s32 $0x80;
	s3 =	simm.s32 $0xC0;
	[sflag:s0] =	ssyncpa.u1 $0x0  }
0x12a: {  	[tilespmem:s3], [sflag:$0x5] =	stream.linear.gather [spmem:s2], $0x20, $0x38;
	[tilespmem:$0xF030] =	vst v63  }
0x12b: {  	s2 =	simm.s32 $0x0;
	s3 =	simm.s32 $0xE0  }
0x12c: {  	[tilespmem:s3], [sflag:$0x5] =	stream.linear.gather [spmem:s2], $0x20, $0x38;
	[tilespmem:$0xF030] =	vst v63  }
.Ltmp15:
0x12d: {  	_ = 	snop;
	(pc) =	sbr.rel .LBB3_12-.Ltmp15, $4  }
0x12e: {  	_ =	swait.ge [sflag:s0], $0x40  }
0x12f: {  	[sflag:s0] =	ssyncset.done $0x0  }
0x130: {  	s31 =	simm.s32 $0x6;
	[sflag:s0] =	ssyncadd.s32 $0xFFFFFFC0  }
0x131: {  	s4 =	simm.s32 $0x0;
	[sflag:s31] =	ssyncpa.u1 $0x0  }
.LBB3_17:
0x132: {  	p0 =	sgt.u32 s5, $0x27FF  }
0x133: {  	s0 =	sshrl.u32 @!p0 s5, $0x3  }
0x134: {  	s5 =	sand.u32 @!p0 $0x7, s5;
	s6 =	simm.s32 @!p0 $0xB0;
	s0 =	sadd.s32 @!p0 s1, s0  }
0x135: {  	[tilespmem:s6], [sflag:$0x6] =	stream.linear.gather @!p0 [hbm4b:s0+s5], $0x1, $0x38;
	[tilespmem:$0xF030] =	vst v63  }
0x136: {  	s0 =	simm.s32 @!p0 $0x6  }
0x137: {  	_ =	swait.ge @!p0 [sflag:s0], $0x1  }
0x138: {  	[sflag:s0] =	ssyncset.done @!p0 $0x0  }
0x139: {  	[sflag:s0] =	ssyncadd.s32 @!p0 $0xFFFFFFFF  }
0x13a: {  	v2 =	vmov @!p0 s4;
	v1 =	vld.msk @!p0 [tilespmem:$0xB0], $0x1;
	_ =	sdelay $0x3  }
0x13b: {  	s0 =	simm.s32 @!p0 $0xE0  }
0x13c: {  	[tilespmem:v2+s0+$0x0], v1 =	vst.idx.ret.add.f32.msk @!p0 $0x1, v1  }
0x13d: {  	[tilespmem:s2+$0xC0] =	vst.msk $0x1, v0  }
0x13e: {  	v0 =	vld.msk [tilespmem:s4+$0xE0], $0x1;
	_ =	sdelay $0x4  }
0x13f: {  	[tilespmem:s2+$0xE0] =	vst.msk $0x1, v0;
	s2 =	sadd.s32 $0x1, s2  }
.LBB3_19:
0x140: {  	s4 =	sadd.s32 $0x1, s4  }
0x141: {  	p0 =	sne.s32 s4, $0x20  }
.Ltmp16:
0x142: {  	_ = 	snop;
	(pc) =	sbr.rel @!p0 .LBB3_20-.Ltmp16, $1  }
0x143: {  	_ =	sdelay $0x3  }
.LBB3_12:
0x144: {  	v0 =	vld.msk [tilespmem:s4+$0xC0], $0x1;
	_ =	sdelay $0x4  }
0x145: {  	(v2sf) =	vpush v0, $0x0;
	_ =	sdelay $0xe  }
0x146: {  	s5 =	spop (v2sf)  }
0x147: {  	p0 =	seq.s32 s5, $0xFFFFFFFF  }
.Ltmp17:
0x148: {  	_ = 	snop;
	(pc) =	sbr.rel @p0 .LBB3_19-.Ltmp17, $1  }
0x149: {  	_ =	sdelay $0x3  }
0x14a: {  	p0 =	slt.s32 s2, $0x1  }
.Ltmp18:
0x14b: {  	_ = 	snop;
	(pc) =	sbr.rel @p0 .LBB3_17-.Ltmp18, $1  }
0x14c: {  	_ =	sdelay $0x3  }
0x14d: {  	s0 =	simm.s32 $0xC0;
	p0 =	por $0x0, $0x0  }
0x14e: {  	v1 =	vld.msk @!p0 [tilespmem:s0+$0x0], $0x1;
	_ =	sdelay $0x4  }
0x14f: {  	(v2sf) =	vpush @!p0 v1, $0x0;
	_ =	sdelay $0xd  }
0x150: {  	p2 =	sne.s32 s2, $0x1  }
.Ltmp19:
0x151: {  	s6 =	spop @!p0 (v2sf);
	(pc) =	sbr.rel @!p2 .LBB3_16-.Ltmp19, $4  }
0x152: {  	p1 =	seq.s32 @!p0 s5, s6  }
0x153: {  	s6 =	simm.s32 $0x0;
	p1 =	por !p1, p0  }
0x154: {  	s8 =	simm.s32 $0xFFFFFFFF;
	s6 =	simm.s32 @p1 $0xFFFFFFFF  }
0x155: {  	s7 =	simm.s32 $0x1;
	s6 =	smov.u32 @p0 s8  }
.LBB3_15:
0x156: {  	s8 =	smov.u32 s6;
	p0 =	sne.s32 s6, $0xFFFFFFFF  }
0x157: {  	s0 =	sadd.s32 $0x1, s0;
	s6 =	smov.u32 s7;
	s7 =	sadd.s32 $0x1, s7  }
0x158: {  	p1 =	sne.s32 s2, s7;
	v1 =	vld.msk @!p0 [tilespmem:s0+$0x0], $0x1;
	_ =	sdelay $0x4  }
0x159: {  	(v2sf) =	vpush @!p0 v1, $0x0;
	_ =	sdelay $0xe  }
.Ltmp20:
0x15a: {  	s9 =	spop @!p0 (v2sf);
	(pc) =	sbr.rel @p1 .LBB3_15-.Ltmp20, $4  }
0x15b: {  	p2 =	seq.s32 @!p0 s5, s9  }
0x15c: {  	p2 =	por !p2, p0  }
0x15d: {  	s6 =	simm.s32 @p2 $0xFFFFFFFF  }
0x15e: {  	s6 =	smov.u32 @p0 s8  }
.LBB3_16:
0x15f: {  	p0 =	sne.s32 s6, $0xFFFFFFFF  }
.Ltmp21:
0x160: {  	_ = 	snop;
	(pc) =	sbr.rel @!p0 .LBB3_17-.Ltmp21, $1  }
0x161: {  	_ =	sdelay $0x3  }
0x162: {  	v0 =	vld.msk [tilespmem:s4+$0xE0], $0x1;
	v1 =	vmov s6  }
.Ltmp22:
0x163: {  	_ = 	snop;
	(pc) =	sbr.rel .LBB3_19-.Ltmp22, $2  }
0x164: {  	_ =	sdelay $0x2  }
0x165: {  	[tilespmem:v1+s3+$0x0], v0 =	vst.idx.ret.add.f32.msk $0x1, v0  }
.LBB3_20:
0x166: {  	p0 =	slt.s32 s2, $0x1  }
.Ltmp23:
0x167: {  	_ = 	snop;
	(pc) =	sbr.rel @p0 .LBB3_24-.Ltmp23, $3  }
0x168: {  	_ =	sdelay $0x1  }
0x169: {  	s0 =	simm.s32 $0x6  }
0x16a: {  	s3 =	simm.s32 $0x0;
	[sflag:s0] =	ssyncpa.u1 $0x1  }
0x16b: {  	s0 =	simm.s32 $0xC0  }
0x16c: {  	v0 =	vld.msk [tilespmem:s0+$0x0], $0x1;
	_ =	sdelay $0x4  }
0x16d: {  	(v2sf) =	vpush v0, $0x0;
	_ =	sdelay $0xe  }
0x16e: {  	s2 =	sadd.s32 $0xFFFFFFFF, s2;
	s4 =	spop (v2sf)  }
0x16f: {  	p1 =	sne.s32 s2, $0x0;
	p0 =	sgt.u32 s4, $0x27FF  }
.Ltmp24:
0x170: {  	s5 =	sshrl.u32 @!p0 s4, $0x3;
	(pc) =	sbr.rel @!p1 .LBB3_23-.Ltmp24, $4  }
0x171: {  	s0 =	simm.s32 $0xE0;
	s4 =	sand.u32 @!p0 $0x7, s4;
	s5 =	sadd.s32 @!p0 s1, s5  }
0x172: {  	[hbm4b:s5+s4] =	stream.linear.scatter @!p0 [tilespmem:s0], [sflag:$0x5], $0x1, $0x38;
	[tilespmem:$0xF030] =	vst v63  }
0x173: {  	s5 =	simm.s32 $0x0  }
0x174: {  	s4 =	simm.s32 $0xC1;
	s5 =	simm.s32 @!p0 $0x4  }
.LBB3_22:
0x175: {  	v0 =	vld.msk [tilespmem:s4+$0x0], $0x1;
	s2 =	sadd.s32 $0xFFFFFFFF, s2;
	s3 =	sadd.s32 s3, s5  }
0x176: {  	p0 =	sne.s32 s2, $0x0;
	_ =	sdelay $0x3  }
0x177: {  	(v2sf) =	vpush v0, $0x0;
	_ =	sdelay $0xe  }
.Ltmp25:
0x178: {  	s6 =	spop (v2sf);
	(pc) =	sbr.rel @p0 .LBB3_22-.Ltmp25, $4  }
0x179: {  	s5 =	simm.s32 $0x0;
	p1 =	sgt.u32 s6, $0x27FF  }
0x17a: {  	s0 =	sadd.s32 $0x1, s0;
	s5 =	simm.s32 @!p1 $0x4;
	s7 =	sshrl.u32 @!p1 s6, $0x3  }
0x17b: {  	s4 =	sadd.s32 $0x1, s4;
	s6 =	sand.u32 @!p1 $0x7, s6;
	s7 =	sadd.s32 @!p1 s1, s7  }
0x17c: {  	[hbm4b:s7+s6] =	stream.linear.scatter @!p1 [tilespmem:s0], [sflag:$0x5], $0x1, $0x38;
	[tilespmem:$0xF030] =	vst v63  }
.LBB3_23:
0x17d: {  	s0 =	sadd.s32 s3, s5  }
0x17e: {  	s3 =	sshrl.u32 s0, $0x2  }
.LBB3_24:
0x17f: {  	s0 =	simm.s32 $0x5  }
0x180: {  	_ =	swait.ge [sflag:s0], s3  }
0x181: {  	s1 =	ssub.s32 $0x0, s3;
	[sflag:s0] =	ssyncset.done $0x0  }
0x182: {  	[sflag:s0] =	ssyncadd.s32 s1  }
0x183: {  	[sflag:s0] =	ssyncpa.u1 $0x1  }
0x184: {  	s29 =	simm.s32 $0x1;
	_ =	sfence  }
0x185: {  	s30 =	simm.s32 $0x2;
	[sflag:s29] =	ssyncpa.u1 $0x1  }
0x186: {  	[sflag:s30] =	ssyncpa.u1 $0x1  }
0x187: {  	_ =	strace $0x90000050  }
0x188: {  	[bflag:$0x2] =	sbarrier.arrive $0xFFFF  }
0x189: {  	s31 =	rddreg [dreg:$0x3]  }
0x18a: {  	s0 =	sadd.s32 $0x100000, s31  }
0x18b: {  	[sflag:s0] =	ssyncadd.tile.s32 $0x1;
	_ =	shalt  }
.Lfunc_end3:
_tile_overlayer_lowered:
.L_overlay_start_3:
0x18c: {  	(tag) =	ssettag $0x3  }
0x18d: {  	s0 =	rddreg [dreg:$0x0];
	s2 =	stileid.u32  }
0x18e: {  	s1 =	rddreg [dreg:$0x1];
	p0 =	sne.s32 s2, $0x0  }
0x18f: {  	s3 =	rddreg [dreg:$0x2];
	[bflag:$0x3] =	sbarrier.arrive $0xFFFF;
	s2 =	simm.s32 @!p0 $0x1C01  }
0x190: {  	[timem:s3], [sflag:s2] =	dma.local @!p0 [hbm:s0], s1  }
0x191: {  	s0 =	simm.s32 @!p0 $0x1  }
0x192: {  	_ =	swait.ge @!p0 [sflag:s0], s1  }
0x193: {  	s1 =	ssub.s32 @!p0 $0x0, s1;
	[sflag:s0] =	ssyncset.done @!p0 $0x0  }
0x194: {  	[sflag:s0] =	ssyncadd.s32 @!p0 s1  }
0x195: {  	[bflag:$0x3] =	sbarrier.arrive $0xFFFF  }
0x196: {  	_ =	shalt  }

</sc_bundles>
